<compile_context>
chip_gen: v7x
topology: tpu7x:2x2x1
jax: 0.10.2.dev20260603
libtpu: 0.0.44.dev20260713+nightly
codegen_flags: <defaults>
</compile_context>

<pallas_src>
import functools

import jax
import jax.numpy as jnp
from jax import lax
from jax.experimental import pallas as pl
from jax.experimental.pallas import tpu as pltpu
from jax.experimental.pallas import tpu_sc as plsc

T = 2048
D = 768
E = 8
H = 3072
HU = 6144
BLK = 256
N_PAD = 5888
N_TILES = N_PAD // BLK
NW = 32
TPW = T // NW
LANES = 16


def _router_body(x_ref, rw_ref, rb_ref, meta_ref, te_ref, pw0_ref, pw1_ref):
    x = x_ref[...]
    rw = rw_ref[...]
    logits = lax.dot_general(x, rw, (((1,), (1,)), ((), ())),
                             preferred_element_type=jnp.float32)
    logits = logits + rb_ref[...]

    eidx = lax.broadcasted_iota(jnp.int32, (T, E), 1)
    m1 = jnp.max(logits, axis=1, keepdims=True)
    is1 = logits == m1
    idx1 = jnp.min(jnp.where(is1, eidx, E), axis=1, keepdims=True)
    masked = jnp.where(eidx == idx1, -jnp.inf, logits)
    m2 = jnp.max(masked, axis=1, keepdims=True)
    idx2 = jnp.min(jnp.where(masked == m2, eidx, E), axis=1, keepdims=True)

    eb = jnp.exp(m2 - m1)
    p1 = 1.0 / (1.0 + eb)
    p2 = eb * p1

    oh1 = (eidx == idx1).astype(jnp.float32)
    oh2 = (eidx == idx2).astype(jnp.float32)
    m_sel = oh1 + oh2

    tr = lax.broadcasted_iota(jnp.int32, (T, T), 0)
    tc = lax.broadcasted_iota(jnp.int32, (T, T), 1)
    tri = (tr >= tc).astype(jnp.float32)
    cum = lax.dot_general(tri, m_sel, (((1,), (0,)), ((), ())),
                          preferred_element_type=jnp.float32)
    excl = cum - m_sel

    counts_row = cum[T - 1:T, :]
    ones_t = jnp.full((T, 1), 1.0, dtype=jnp.float32)
    counts_col = lax.dot_general(m_sel, ones_t, (((0,), (0,)), ((), ())),
                                 preferred_element_type=jnp.float32)

    inv_blk = 1.0 / BLK
    pc_row = jnp.floor((counts_row + (BLK - 1)) * inv_blk) * BLK
    pc_col = jnp.floor((counts_col + (BLK - 1)) * inv_blk) * BLK

    er = lax.broadcasted_iota(jnp.int32, (E, E), 0)
    ec = lax.broadcasted_iota(jnp.int32, (E, E), 1)
    le = (er <= ec).astype(jnp.float32)
    off_incl_row = lax.dot_general(pc_row, le, (((1,), (0,)), ((), ())),
                                   preferred_element_type=jnp.float32)
    off_excl_row = off_incl_row - pc_row
    ge8 = (er >= ec).astype(jnp.float32)
    off_incl_col = lax.dot_general(ge8, pc_col, (((1,), (0,)), ((), ())),
                                   preferred_element_type=jnp.float32)

    slot_val = excl + off_excl_row
    pos0 = jnp.sum(oh1 * slot_val, axis=1, keepdims=True)
    pos1 = jnp.sum(oh2 * slot_val, axis=1, keepdims=True)

    off_excl_col = off_incl_col - pc_col
    present = (pc_col > 0.0)
    itile = lax.broadcasted_iota(jnp.int32, (E, 128), 1).astype(jnp.float32) * BLK
    e_col = lax.broadcasted_iota(jnp.int32, (E, 128), 0).astype(jnp.float32)
    started = present & (off_excl_col <= itile)
    te_row = jnp.max(jnp.where(started, e_col, -1.0), axis=0, keepdims=True)
    nstart = jnp.sum(started.astype(jnp.float32), axis=0, keepdims=True)
    spm1 = nstart - 1.0
    sp_row = spm1 - 2.0 * jnp.floor(spm1 * 0.5)
    first_row = jnp.sum((present & (off_excl_col == itile)).astype(jnp.float32),
                        axis=0, keepdims=True)
    nxt_row = jnp.min(jnp.where(present & (off_excl_col > itile), e_col, 99.0),
                      axis=0, keepdims=True)

    col8 = lax.broadcasted_iota(jnp.int32, (T, E), 1)
    meta = jnp.where(col8 == 0, pos0,
           jnp.where(col8 == 1, pos1,
           jnp.where(col8 == 2, p1,
           jnp.where(col8 == 3, p2, 0.0))))
    meta_ref[...] = meta
    rowi = lax.broadcasted_iota(jnp.int32, (8, 128), 0)
    te_ref[...] = jnp.where(rowi == 0, te_row,
                  jnp.where(rowi == 1, nxt_row,
                  jnp.where(rowi == 2, sp_row, first_row)))
    pw0_ref[...] = jnp.broadcast_to(p1, (T, 128))
    pw1_ref[...] = jnp.broadcast_to(p2, (T, 128))


def _router(xf, router_w, router_b):
    return pl.pallas_call(
        _router_body,
        out_shape=[jax.ShapeDtypeStruct((T, E), jnp.float32),
                   jax.ShapeDtypeStruct((8, 128), jnp.float32),
                   jax.ShapeDtypeStruct((T, 128), jnp.float32),
                   jax.ShapeDtypeStruct((T, 128), jnp.float32)],
    )(xf, router_w, router_b.reshape(1, E))


UCH = 8
DCH = 4
UROWS = HU // UCH
DROWS = D // DCH


def _start_weight_copies(e, s, upw_hbm, dnw_hbm, upbuf, dnbuf, sem_up, sem_dn):
    for c in range(UCH):
        pltpu.make_async_copy(
            upw_hbm.at[e, pl.ds(c * UROWS, UROWS)],
            upbuf.at[s, pl.ds(c * UROWS, UROWS)], sem_up.at[s]).start()
    for c in range(DCH):
        pltpu.make_async_copy(
            dnw_hbm.at[e, pl.ds(c * DROWS, DROWS)],
            dnbuf.at[s, pl.ds(c * DROWS, DROWS)], sem_dn.at[s]).start()


def _wait_weight_copies(e, s, upw_hbm, dnw_hbm, upbuf, dnbuf, sem_up, sem_dn):
    for c in range(UCH):
        pltpu.make_async_copy(
            upw_hbm.at[e, pl.ds(c * UROWS, UROWS)],
            upbuf.at[s, pl.ds(c * UROWS, UROWS)], sem_up.at[s]).wait()
    for c in range(DCH):
        pltpu.make_async_copy(
            dnw_hbm.at[e, pl.ds(c * DROWS, DROWS)],
            dnbuf.at[s, pl.ds(c * DROWS, DROWS)], sem_dn.at[s]).wait()


def _mlp_body(info_ref, gx_ref, upw_hbm, upb_ref, dnw_hbm, dnb_ref, ws_ref,
              out_ref, upbuf, dnbuf, sem_up, sem_dn):
    i = pl.program_id(0)
    cur = info_ref[0, i]
    nxt = info_ref[1, i]
    sp = info_ref[2, i]
    fst = info_ref[3, i]

    @pl.when(i == 0)
    def _():
        _start_weight_copies(cur, sp, upw_hbm, dnw_hbm, upbuf, dnbuf,
                             sem_up, sem_dn)

    @pl.when(fst == 1)
    def _():
        _wait_weight_copies(cur, sp, upw_hbm, dnw_hbm, upbuf, dnbuf,
                            sem_up, sem_dn)

    @pl.when((fst == 1) & (nxt < E))
    def _():
        _start_weight_copies(nxt, 1 - sp, upw_hbm, dnw_hbm, upbuf, dnbuf,
                             sem_up, sem_dn)

    gx = gx_ref[...]
    h = lax.dot_general(gx, upbuf[sp], (((1,), (1,)), ((), ())),
                        preferred_element_type=jnp.float32)
    h = h + upb_ref[0]
    a = h[:, :H]
    g = h[:, H:]
    hidden = a * (g * 0.5 * (1.0 + lax.erf(g * (2.0 ** -0.5))))
    eo = lax.dot_general(hidden, dnbuf[sp], (((1,), (1,)), ((), ())),
                         preferred_element_type=jnp.float32)
    out_ref[...] = (eo + dnb_ref[0]) * ws_ref[:, 0:1]


def _grouped_mlp(info, gx, up_w, up_b, down_w, down_b, ws):
    return pl.pallas_call(
        _mlp_body,
        grid_spec=pltpu.PrefetchScalarGridSpec(
            num_scalar_prefetch=1,
            grid=(N_TILES,),
            in_specs=[
                pl.BlockSpec((BLK, D), lambda i, info: (i, 0)),
                pl.BlockSpec(memory_space=pl.ANY),
                pl.BlockSpec((1, 1, HU), lambda i, info: (info[0, i], 0, 0)),
                pl.BlockSpec(memory_space=pl.ANY),
                pl.BlockSpec((1, 1, D), lambda i, info: (info[0, i], 0, 0)),
                pl.BlockSpec((BLK, 128), lambda i, info: (i, 0)),
            ],
            out_specs=pl.BlockSpec((BLK, D), lambda i, info: (i, 0)),
            scratch_shapes=[
                pltpu.VMEM((2, HU, D), jnp.float32),
                pltpu.VMEM((2, D, H), jnp.float32),
                pltpu.SemaphoreType.DMA((2,)),
                pltpu.SemaphoreType.DMA((2,)),
            ],
        ),
        out_shape=jax.ShapeDtypeStruct((N_PAD, D), jnp.float32),
        compiler_params=pltpu.CompilerParams(
            dimension_semantics=("arbitrary",),
            vmem_limit_bytes=120 * 1024 * 1024,
        ),
    )(info, gx, up_w, up_b.reshape(E, 1, HU), down_w, down_b.reshape(E, 1, D),
      ws)


@functools.cache
def _dispatch_kernel():
    mesh = plsc.VectorSubcoreMesh(core_axis_name="c", subcore_axis_name="s")
    return pl.kernel(
        _dispatch_body,
        mesh=mesh,
        out_type=[jax.ShapeDtypeStruct((N_PAD, D), jnp.float32),
                  jax.ShapeDtypeStruct((N_PAD, 128), jnp.float32)],
        scratch_types=[
            pltpu.VMEM((TPW, D), jnp.float32),
            pltpu.VMEM((TPW, 128), jnp.float32),
            pltpu.VMEM((TPW,), jnp.int32),
            pltpu.VMEM((TPW,), jnp.int32),
            pltpu.SemaphoreType.DMA,
        ],
    )


def _dispatch_body(x_hbm, pos0_hbm, pos1_hbm, pw0_hbm, pw1_hbm,
                   gx_hbm, ws_hbm, rows_v, wrows_v, i0_v, i1_v, sem):
    wid = lax.axis_index("s") * 2 + lax.axis_index("c")
    base = wid * TPW
    pltpu.sync_copy(x_hbm.at[pl.ds(base, TPW)], rows_v)
    pltpu.sync_copy(pos0_hbm.at[pl.ds(base, TPW)], i0_v)
    pltpu.sync_copy(pos1_hbm.at[pl.ds(base, TPW)], i1_v)
    pltpu.async_copy(rows_v, gx_hbm.at[i0_v], sem).wait()
    pltpu.async_copy(rows_v, gx_hbm.at[i1_v], sem).wait()
    pltpu.sync_copy(pw0_hbm.at[pl.ds(base, TPW)], wrows_v)
    pltpu.async_copy(wrows_v, ws_hbm.at[i0_v], sem).wait()
    pltpu.sync_copy(pw1_hbm.at[pl.ds(base, TPW)], wrows_v)
    pltpu.async_copy(wrows_v, ws_hbm.at[i1_v], sem).wait()


@functools.cache
def _combine_kernel():
    mesh = plsc.VectorSubcoreMesh(core_axis_name="c", subcore_axis_name="s")
    return pl.kernel(
        _combine_body,
        mesh=mesh,
        out_type=jax.ShapeDtypeStruct((T, D), jnp.float32),
        scratch_types=[
            pltpu.VMEM((TPW, D), jnp.float32),
            pltpu.VMEM((TPW, D), jnp.float32),
            pltpu.VMEM((TPW,), jnp.int32),
            pltpu.VMEM((TPW,), jnp.int32),
            pltpu.SemaphoreType.DMA,
        ],
    )


def _combine_body(slot_hbm, pos0_hbm, pos1_hbm, out_hbm, r0, r1, i0, i1, sem):
    wid = lax.axis_index("s") * 2 + lax.axis_index("c")
    base = wid * TPW
    pltpu.sync_copy(pos0_hbm.at[pl.ds(base, TPW)], i0)
    pltpu.sync_copy(pos1_hbm.at[pl.ds(base, TPW)], i1)
    pltpu.async_copy(slot_hbm.at[i0], r0, sem).wait()
    pltpu.async_copy(slot_hbm.at[i1], r1, sem).wait()

    def row(i, carry):
        for j in range(D // LANES):
            sl = pl.ds(j * LANES, LANES)
            r0[i, sl] = r0[i, sl] + r1[i, sl]
        return carry

    lax.fori_loop(0, TPW, row, 0)
    pltpu.sync_copy(r0, out_hbm.at[pl.ds(base, TPW)])


def kernel(x, router_w, router_b, up_w, up_b, down_w, down_b):
    xf = x.reshape(T, D)
    meta, te8, pw0, pw1 = _router(xf, router_w, router_b)
    pos0 = meta[:, 0].astype(jnp.int32)
    pos1 = meta[:, 1].astype(jnp.int32)
    info = te8[:4, :N_TILES].astype(jnp.int32)
    gx, ws = _dispatch_kernel()(xf, pos0, pos1, pw0, pw1)
    slot = _grouped_mlp(info, gx, up_w, up_b, down_w, down_b, ws)
    out = _combine_kernel()(slot, pos0, pos1)
    return out.reshape(1, T, D)

# --- scband reference (transcript-rebuilt; emitter-appended) ---
"""Pipeline reference for scband-sparse-mo-emlp-8881992368481 (READ-ONLY COPY).

The authoritative reference and input builder live on the scoring server;
editing this copy changes nothing except your own understanding.
"""

import jax, jax.numpy as jnp
import numpy as np

B, S, D = 1, 2048, 768
E, TOPK = 8, 2


def setup_inputs(seed: int = 0) -> dict:
    key = jax.random.key(seed)
    ks = jax.random.split(key, 8)
    x = jax.random.normal(ks[0], (B, S, D), dtype=jnp.float32)
    router_w = jax.random.normal(ks[1], (E, D), dtype=jnp.float32) * 0.02
    router_b = jnp.zeros((E,), dtype=jnp.float32)
    up_w = jax.random.normal(ks[2], (E, 8 * D, D), dtype=jnp.float32) * 0.02
    up_b = jnp.zeros((E, 8 * D), dtype=jnp.float32)
    down_w = jax.random.normal(ks[3], (E, D, 4 * D), dtype=jnp.float32) * 0.02
    down_b = jnp.zeros((E, D), dtype=jnp.float32)
    return {"x": x, "router_w": router_w, "router_b": router_b,
            "up_w": up_w, "up_b": up_b, "down_w": down_w, "down_b": down_b}


def reference(x, router_w, router_b, up_w, up_b, down_w, down_b):
    b, s, d = x.shape
    flat_x = x.reshape(-1, d)  # [T, D]
    # router
    router_logits = flat_x @ router_w.T + router_b  # [T, E]
    top_k_logits, top_k_indices = jax.lax.top_k(router_logits, TOPK)
    top_k_probs = jax.nn.softmax(top_k_logits, axis=-1)  # [T, TOPK]
    # combine weights per token per expert (each expert appears at most once in top-k)
    combine = jnp.zeros((flat_x.shape[0], E), dtype=x.dtype)
    for k in range(TOPK):
        combine = combine + jax.nn.one_hot(top_k_indices[:, k], E, dtype=x.dtype) * top_k_probs[:, k:k + 1]
    expert_outputs = jnp.zeros_like(flat_x)
    for i in range(E):
        h = flat_x @ up_w[i].T + up_b[i]  # [T, 8D]
        a, g = jnp.split(h, 2, axis=-1)   # each [T, 4D]
        hidden = a * jax.nn.gelu(g, approximate=False)
        eo = hidden @ down_w[i].T + down_b[i]  # [T, D]
        expert_outputs = expert_outputs + combine[:, i:i + 1] * eo
    return expert_outputs.reshape(b, s, d)

if __name__ == "__main__":
    import jax
    _d = setup_inputs()
    print(jax.jit(kernel)(*tuple(_d.values())))

</pallas_src>

<mosaic_0001>
#map = affine_map<(d0, d1) -> (0, 0)>
#map1 = affine_map<(d0, d1) -> (0)>
module attributes {stable_mosaic.version = 14 : i64} {
  func.func @_dispatch_body(%arg0: i32, %arg1: i32, %arg2: memref<2048x768xf32, #tpu.memory_space<hbm>>, %arg3: memref<2048xi32, #tpu.memory_space<hbm>>, %arg4: memref<2048xi32, #tpu.memory_space<hbm>>, %arg5: memref<2048x128xf32, #tpu.memory_space<hbm>>, %arg6: memref<2048x128xf32, #tpu.memory_space<hbm>>, %arg7: memref<5888x768xf32, #tpu.memory_space<hbm>>, %arg8: memref<5888x128xf32, #tpu.memory_space<hbm>>, %arg9: memref<64x768xf32, #tpu.memory_space<vmem>>, %arg10: memref<64x128xf32, #tpu.memory_space<vmem>>, %arg11: memref<64xi32, #tpu.memory_space<vmem>>, %arg12: memref<64xi32, #tpu.memory_space<vmem>>, %arg13: memref<!tpu.dma_semaphore, #tpu.memory_space<semaphore_mem>>) attributes {dimension_semantics = [#tpu.dimension_semantics<core_parallel>, #tpu.dimension_semantics<subcore_parallel>], iteration_bounds = array<i64: 2, 16>, scalar_prefetch = 0 : i64, scratch_operands = 5 : i64, tpu.core_type = #tpu.core_type<sc_vector_subcore>, window_params = [{transform_indices = #map}, {transform_indices = #map1}, {transform_indices = #map1}, {transform_indices = #map}, {transform_indices = #map}, {transform_indices = #map}, {transform_indices = #map}]} {
    %mul3A = arith.constant 2 : i32
    %mul3A_0 = arith.muli %arg1, %mul3A : i32
    %add3A = arith.addi %mul3A_0, %arg0 : i32
    %mul3A_1 = arith.constant 64 : i32
    %mul3A_2 = arith.muli %add3A, %mul3A_1 : i32
    "tpu.region"() ({
      %run_scoped3A = tpu.sem_alloc : memref<!tpu.dma_semaphore, #tpu.memory_space<semaphore_mem>>
      %dma_start3A_25 = arith.constant 0 : i32
      %dma_start3A_26 = tpu.memref_slice %arg2[%mul3A_2, %dma_start3A_25] : memref<2048x768xf32, #tpu.memory_space<hbm>> -> memref<64x768xf32, #tpu.memory_space<hbm>>
      %dma_start3A_27 = arith.constant 0 : i32
      %dma_start3A_28 = tpu.memref_slice %arg2[%mul3A_2, %dma_start3A_27] : memref<2048x768xf32, #tpu.memory_space<hbm>> -> memref<64x768xf32, #tpu.memory_space<hbm>>
      tpu.enqueue_dma source(%dma_start3A_28 : memref<64x768xf32, #tpu.memory_space<hbm>>) target(%arg9 : memref<64x768xf32, #tpu.memory_space<vmem>>) target_semaphore(%run_scoped3A : memref<!tpu.dma_semaphore, #tpu.memory_space<semaphore_mem>>)
      %dma_wait3A_29 = arith.constant 0 : i32
      %dma_wait3A_30 = tpu.memref_slice %arg2[%mul3A_2, %dma_wait3A_29] : memref<2048x768xf32, #tpu.memory_space<hbm>> -> memref<64x768xf32, #tpu.memory_space<hbm>>
      %dma_wait3A_31 = arith.constant 0 : i32
      %dma_wait3A_32 = tpu.memref_slice %arg2[%mul3A_2, %dma_wait3A_31] : memref<2048x768xf32, #tpu.memory_space<hbm>> -> memref<64x768xf32, #tpu.memory_space<hbm>>
      tpu.wait_dma2 semaphore(%run_scoped3A : memref<!tpu.dma_semaphore, #tpu.memory_space<semaphore_mem>>) src(%dma_wait3A_32 : memref<64x768xf32, #tpu.memory_space<hbm>>) dst(%arg9 : memref<64x768xf32, #tpu.memory_space<vmem>>)
      tpu.yield
    }) : () -> ()
    "tpu.region"() ({
      %run_scoped3A = tpu.sem_alloc : memref<!tpu.dma_semaphore, #tpu.memory_space<semaphore_mem>>
      %dma_start3A_25 = tpu.memref_slice %arg3[%mul3A_2] : memref<2048xi32, #tpu.memory_space<hbm>> -> memref<64xi32, #tpu.memory_space<hbm>>
      %dma_start3A_26 = tpu.memref_slice %arg3[%mul3A_2] : memref<2048xi32, #tpu.memory_space<hbm>> -> memref<64xi32, #tpu.memory_space<hbm>>
      tpu.enqueue_dma source(%dma_start3A_26 : memref<64xi32, #tpu.memory_space<hbm>>) target(%arg11 : memref<64xi32, #tpu.memory_space<vmem>>) target_semaphore(%run_scoped3A : memref<!tpu.dma_semaphore, #tpu.memory_space<semaphore_mem>>)
      %dma_wait3A_27 = tpu.memref_slice %arg3[%mul3A_2] : memref<2048xi32, #tpu.memory_space<hbm>> -> memref<64xi32, #tpu.memory_space<hbm>>
      %dma_wait3A_28 = tpu.memref_slice %arg3[%mul3A_2] : memref<2048xi32, #tpu.memory_space<hbm>> -> memref<64xi32, #tpu.memory_space<hbm>>
      tpu.wait_dma2 semaphore(%run_scoped3A : memref<!tpu.dma_semaphore, #tpu.memory_space<semaphore_mem>>) src(%dma_wait3A_28 : memref<64xi32, #tpu.memory_space<hbm>>) dst(%arg11 : memref<64xi32, #tpu.memory_space<vmem>>)
      tpu.yield
    }) : () -> ()
    "tpu.region"() ({
      %run_scoped3A = tpu.sem_alloc : memref<!tpu.dma_semaphore, #tpu.memory_space<semaphore_mem>>
      %dma_start3A_25 = tpu.memref_slice %arg4[%mul3A_2] : memref<2048xi32, #tpu.memory_space<hbm>> -> memref<64xi32, #tpu.memory_space<hbm>>
      %dma_start3A_26 = tpu.memref_slice %arg4[%mul3A_2] : memref<2048xi32, #tpu.memory_space<hbm>> -> memref<64xi32, #tpu.memory_space<hbm>>
      tpu.enqueue_dma source(%dma_start3A_26 : memref<64xi32, #tpu.memory_space<hbm>>) target(%arg12 : memref<64xi32, #tpu.memory_space<vmem>>) target_semaphore(%run_scoped3A : memref<!tpu.dma_semaphore, #tpu.memory_space<semaphore_mem>>)
      %dma_wait3A_27 = tpu.memref_slice %arg4[%mul3A_2] : memref<2048xi32, #tpu.memory_space<hbm>> -> memref<64xi32, #tpu.memory_space<hbm>>
      %dma_wait3A_28 = tpu.memref_slice %arg4[%mul3A_2] : memref<2048xi32, #tpu.memory_space<hbm>> -> memref<64xi32, #tpu.memory_space<hbm>>
      tpu.wait_dma2 semaphore(%run_scoped3A : memref<!tpu.dma_semaphore, #tpu.memory_space<semaphore_mem>>) src(%dma_wait3A_28 : memref<64xi32, #tpu.memory_space<hbm>>) dst(%arg12 : memref<64xi32, #tpu.memory_space<vmem>>)
      tpu.yield
    }) : () -> ()
    %dma_start3A = arith.constant 0 : i32
    %dma_start3A_3 = arith.constant 0 : i32
    %dma_start3A_4 = tpu.memref_slice %arg7[%dma_start3A, %dma_start3A_3] : memref<5888x768xf32, #tpu.memory_space<hbm>> -> memref<5888x768xf32, #tpu.memory_space<hbm>>
    tpu.enqueue_indirect_dma source(%arg9 : memref<64x768xf32, #tpu.memory_space<vmem>>) target(%dma_start3A_4 : memref<5888x768xf32, #tpu.memory_space<hbm>>) offsets(%arg11 : memref<64xi32, #tpu.memory_space<vmem>>) semaphore(%arg13 : memref<!tpu.dma_semaphore, #tpu.memory_space<semaphore_mem>>)
    %dma_wait3A = arith.constant 0 : i32
    %dma_wait3A_5 = arith.constant 0 : i32
    %dma_wait3A_6 = tpu.memref_slice %arg7[%dma_wait3A, %dma_wait3A_5] : memref<5888x768xf32, #tpu.memory_space<hbm>> -> memref<5888x768xf32, #tpu.memory_space<hbm>>
    tpu.wait_indirect_dma semaphore(%arg13 : memref<!tpu.dma_semaphore, #tpu.memory_space<semaphore_mem>>) src(%arg9 : memref<64x768xf32, #tpu.memory_space<vmem>>) dst(%dma_wait3A_6 : memref<5888x768xf32, #tpu.memory_space<hbm>>)
    %dma_start3A_7 = arith.constant 0 : i32
    %dma_start3A_8 = arith.constant 0 : i32
    %dma_start3A_9 = tpu.memref_slice %arg7[%dma_start3A_7, %dma_start3A_8] : memref<5888x768xf32, #tpu.memory_space<hbm>> -> memref<5888x768xf32, #tpu.memory_space<hbm>>
    tpu.enqueue_indirect_dma source(%arg9 : memref<64x768xf32, #tpu.memory_space<vmem>>) target(%dma_start3A_9 : memref<5888x768xf32, #tpu.memory_space<hbm>>) offsets(%arg12 : memref<64xi32, #tpu.memory_space<vmem>>) semaphore(%arg13 : memref<!tpu.dma_semaphore, #tpu.memory_space<semaphore_mem>>)
    %dma_wait3A_10 = arith.constant 0 : i32
    %dma_wait3A_11 = arith.constant 0 : i32
    %dma_wait3A_12 = tpu.memref_slice %arg7[%dma_wait3A_10, %dma_wait3A_11] : memref<5888x768xf32, #tpu.memory_space<hbm>> -> memref<5888x768xf32, #tpu.memory_space<hbm>>
    tpu.wait_indirect_dma semaphore(%arg13 : memref<!tpu.dma_semaphore, #tpu.memory_space<semaphore_mem>>) src(%arg9 : memref<64x768xf32, #tpu.memory_space<vmem>>) dst(%dma_wait3A_12 : memref<5888x768xf32, #tpu.memory_space<hbm>>)
    "tpu.region"() ({
      %run_scoped3A = tpu.sem_alloc : memref<!tpu.dma_semaphore, #tpu.memory_space<semaphore_mem>>
      %dma_start3A_25 = arith.constant 0 : i32
      %dma_start3A_26 = tpu.memref_slice %arg5[%mul3A_2, %dma_start3A_25] : memref<2048x128xf32, #tpu.memory_space<hbm>> -> memref<64x128xf32, #tpu.memory_space<hbm>>
      %dma_start3A_27 = arith.constant 0 : i32
      %dma_start3A_28 = tpu.memref_slice %arg5[%mul3A_2, %dma_start3A_27] : memref<2048x128xf32, #tpu.memory_space<hbm>> -> memref<64x128xf32, #tpu.memory_space<hbm>>
      tpu.enqueue_dma source(%dma_start3A_28 : memref<64x128xf32, #tpu.memory_space<hbm>>) target(%arg10 : memref<64x128xf32, #tpu.memory_space<vmem>>) target_semaphore(%run_scoped3A : memref<!tpu.dma_semaphore, #tpu.memory_space<semaphore_mem>>)
      %dma_wait3A_29 = arith.constant 0 : i32
      %dma_wait3A_30 = tpu.memref_slice %arg5[%mul3A_2, %dma_wait3A_29] : memref<2048x128xf32, #tpu.memory_space<hbm>> -> memref<64x128xf32, #tpu.memory_space<hbm>>
      %dma_wait3A_31 = arith.constant 0 : i32
      %dma_wait3A_32 = tpu.memref_slice %arg5[%mul3A_2, %dma_wait3A_31] : memref<2048x128xf32, #tpu.memory_space<hbm>> -> memref<64x128xf32, #tpu.memory_space<hbm>>
      tpu.wait_dma2 semaphore(%run_scoped3A : memref<!tpu.dma_semaphore, #tpu.memory_space<semaphore_mem>>) src(%dma_wait3A_32 : memref<64x128xf32, #tpu.memory_space<hbm>>) dst(%arg10 : memref<64x128xf32, #tpu.memory_space<vmem>>)
      tpu.yield
    }) : () -> ()
    %dma_start3A_13 = arith.constant 0 : i32
    %dma_start3A_14 = arith.constant 0 : i32
    %dma_start3A_15 = tpu.memref_slice %arg8[%dma_start3A_13, %dma_start3A_14] : memref<5888x128xf32, #tpu.memory_space<hbm>> -> memref<5888x128xf32, #tpu.memory_space<hbm>>
    tpu.enqueue_indirect_dma source(%arg10 : memref<64x128xf32, #tpu.memory_space<vmem>>) target(%dma_start3A_15 : memref<5888x128xf32, #tpu.memory_space<hbm>>) offsets(%arg11 : memref<64xi32, #tpu.memory_space<vmem>>) semaphore(%arg13 : memref<!tpu.dma_semaphore, #tpu.memory_space<semaphore_mem>>)
    %dma_wait3A_16 = arith.constant 0 : i32
    %dma_wait3A_17 = arith.constant 0 : i32
    %dma_wait3A_18 = tpu.memref_slice %arg8[%dma_wait3A_16, %dma_wait3A_17] : memref<5888x128xf32, #tpu.memory_space<hbm>> -> memref<5888x128xf32, #tpu.memory_space<hbm>>
    tpu.wait_indirect_dma semaphore(%arg13 : memref<!tpu.dma_semaphore, #tpu.memory_space<semaphore_mem>>) src(%arg10 : memref<64x128xf32, #tpu.memory_space<vmem>>) dst(%dma_wait3A_18 : memref<5888x128xf32, #tpu.memory_space<hbm>>)
    "tpu.region"() ({
      %run_scoped3A = tpu.sem_alloc : memref<!tpu.dma_semaphore, #tpu.memory_space<semaphore_mem>>
      %dma_start3A_25 = arith.constant 0 : i32
      %dma_start3A_26 = tpu.memref_slice %arg6[%mul3A_2, %dma_start3A_25] : memref<2048x128xf32, #tpu.memory_space<hbm>> -> memref<64x128xf32, #tpu.memory_space<hbm>>
      %dma_start3A_27 = arith.constant 0 : i32
      %dma_start3A_28 = tpu.memref_slice %arg6[%mul3A_2, %dma_start3A_27] : memref<2048x128xf32, #tpu.memory_space<hbm>> -> memref<64x128xf32, #tpu.memory_space<hbm>>
      tpu.enqueue_dma source(%dma_start3A_28 : memref<64x128xf32, #tpu.memory_space<hbm>>) target(%arg10 : memref<64x128xf32, #tpu.memory_space<vmem>>) target_semaphore(%run_scoped3A : memref<!tpu.dma_semaphore, #tpu.memory_space<semaphore_mem>>)
      %dma_wait3A_29 = arith.constant 0 : i32
      %dma_wait3A_30 = tpu.memref_slice %arg6[%mul3A_2, %dma_wait3A_29] : memref<2048x128xf32, #tpu.memory_space<hbm>> -> memref<64x128xf32, #tpu.memory_space<hbm>>
      %dma_wait3A_31 = arith.constant 0 : i32
      %dma_wait3A_32 = tpu.memref_slice %arg6[%mul3A_2, %dma_wait3A_31] : memref<2048x128xf32, #tpu.memory_space<hbm>> -> memref<64x128xf32, #tpu.memory_space<hbm>>
      tpu.wait_dma2 semaphore(%run_scoped3A : memref<!tpu.dma_semaphore, #tpu.memory_space<semaphore_mem>>) src(%dma_wait3A_32 : memref<64x128xf32, #tpu.memory_space<hbm>>) dst(%arg10 : memref<64x128xf32, #tpu.memory_space<vmem>>)
      tpu.yield
    }) : () -> ()
    %dma_start3A_19 = arith.constant 0 : i32
    %dma_start3A_20 = arith.constant 0 : i32
    %dma_start3A_21 = tpu.memref_slice %arg8[%dma_start3A_19, %dma_start3A_20] : memref<5888x128xf32, #tpu.memory_space<hbm>> -> memref<5888x128xf32, #tpu.memory_space<hbm>>
    tpu.enqueue_indirect_dma source(%arg10 : memref<64x128xf32, #tpu.memory_space<vmem>>) target(%dma_start3A_21 : memref<5888x128xf32, #tpu.memory_space<hbm>>) offsets(%arg12 : memref<64xi32, #tpu.memory_space<vmem>>) semaphore(%arg13 : memref<!tpu.dma_semaphore, #tpu.memory_space<semaphore_mem>>)
    %dma_wait3A_22 = arith.constant 0 : i32
    %dma_wait3A_23 = arith.constant 0 : i32
    %dma_wait3A_24 = tpu.memref_slice %arg8[%dma_wait3A_22, %dma_wait3A_23] : memref<5888x128xf32, #tpu.memory_space<hbm>> -> memref<5888x128xf32, #tpu.memory_space<hbm>>
    tpu.wait_indirect_dma semaphore(%arg13 : memref<!tpu.dma_semaphore, #tpu.memory_space<semaphore_mem>>) src(%arg10 : memref<64x128xf32, #tpu.memory_space<vmem>>) dst(%dma_wait3A_24 : memref<5888x128xf32, #tpu.memory_space<hbm>>)
    return
  }
}

#map = affine_map<(d0, d1) -> (0, 0)>
#map1 = affine_map<(d0, d1) -> (0)>
module attributes {stable_mosaic.version = 14 : i64} {
  func.func @_combine_body(%arg0: i32, %arg1: i32, %arg2: memref<5888x768xf32, #tpu.memory_space<hbm>>, %arg3: memref<2048xi32, #tpu.memory_space<hbm>>, %arg4: memref<2048xi32, #tpu.memory_space<hbm>>, %arg5: memref<2048x768xf32, #tpu.memory_space<hbm>>, %arg6: memref<64x768xf32, #tpu.memory_space<vmem>>, %arg7: memref<64x768xf32, #tpu.memory_space<vmem>>, %arg8: memref<64xi32, #tpu.memory_space<vmem>>, %arg9: memref<64xi32, #tpu.memory_space<vmem>>, %arg10: memref<!tpu.dma_semaphore, #tpu.memory_space<semaphore_mem>>) attributes {dimension_semantics = [#tpu.dimension_semantics<core_parallel>, #tpu.dimension_semantics<subcore_parallel>], iteration_bounds = array<i64: 2, 16>, scalar_prefetch = 0 : i64, scratch_operands = 5 : i64, tpu.core_type = #tpu.core_type<sc_vector_subcore>, window_params = [{transform_indices = #map}, {transform_indices = #map1}, {transform_indices = #map1}, {transform_indices = #map}]} {
    %mul3A = arith.constant 2 : i32
    %mul3A_0 = arith.muli %arg1, %mul3A : i32
    %add3A = arith.addi %mul3A_0, %arg0 : i32
    %mul3A_1 = arith.constant 64 : i32
    %mul3A_2 = arith.muli %add3A, %mul3A_1 : i32
    "tpu.region"() ({
      %run_scoped3A = tpu.sem_alloc : memref<!tpu.dma_semaphore, #tpu.memory_space<semaphore_mem>>
      %dma_start3A_18 = tpu.memref_slice %arg3[%mul3A_2] : memref<2048xi32, #tpu.memory_space<hbm>> -> memref<64xi32, #tpu.memory_space<hbm>>
      %dma_start3A_19 = tpu.memref_slice %arg3[%mul3A_2] : memref<2048xi32, #tpu.memory_space<hbm>> -> memref<64xi32, #tpu.memory_space<hbm>>
      tpu.enqueue_dma source(%dma_start3A_19 : memref<64xi32, #tpu.memory_space<hbm>>) target(%arg8 : memref<64xi32, #tpu.memory_space<vmem>>) target_semaphore(%run_scoped3A : memref<!tpu.dma_semaphore, #tpu.memory_space<semaphore_mem>>)
      %dma_wait3A_20 = tpu.memref_slice %arg3[%mul3A_2] : memref<2048xi32, #tpu.memory_space<hbm>> -> memref<64xi32, #tpu.memory_space<hbm>>
      %dma_wait3A_21 = tpu.memref_slice %arg3[%mul3A_2] : memref<2048xi32, #tpu.memory_space<hbm>> -> memref<64xi32, #tpu.memory_space<hbm>>
      tpu.wait_dma2 semaphore(%run_scoped3A : memref<!tpu.dma_semaphore, #tpu.memory_space<semaphore_mem>>) src(%dma_wait3A_21 : memref<64xi32, #tpu.memory_space<hbm>>) dst(%arg8 : memref<64xi32, #tpu.memory_space<vmem>>)
      tpu.yield
    }) : () -> ()
    "tpu.region"() ({
      %run_scoped3A = tpu.sem_alloc : memref<!tpu.dma_semaphore, #tpu.memory_space<semaphore_mem>>
      %dma_start3A_18 = tpu.memref_slice %arg4[%mul3A_2] : memref<2048xi32, #tpu.memory_space<hbm>> -> memref<64xi32, #tpu.memory_space<hbm>>
      %dma_start3A_19 = tpu.memref_slice %arg4[%mul3A_2] : memref<2048xi32, #tpu.memory_space<hbm>> -> memref<64xi32, #tpu.memory_space<hbm>>
      tpu.enqueue_dma source(%dma_start3A_19 : memref<64xi32, #tpu.memory_space<hbm>>) target(%arg9 : memref<64xi32, #tpu.memory_space<vmem>>) target_semaphore(%run_scoped3A : memref<!tpu.dma_semaphore, #tpu.memory_space<semaphore_mem>>)
      %dma_wait3A_20 = tpu.memref_slice %arg4[%mul3A_2] : memref<2048xi32, #tpu.memory_space<hbm>> -> memref<64xi32, #tpu.memory_space<hbm>>
      %dma_wait3A_21 = tpu.memref_slice %arg4[%mul3A_2] : memref<2048xi32, #tpu.memory_space<hbm>> -> memref<64xi32, #tpu.memory_space<hbm>>
      tpu.wait_dma2 semaphore(%run_scoped3A : memref<!tpu.dma_semaphore, #tpu.memory_space<semaphore_mem>>) src(%dma_wait3A_21 : memref<64xi32, #tpu.memory_space<hbm>>) dst(%arg9 : memref<64xi32, #tpu.memory_space<vmem>>)
      tpu.yield
    }) : () -> ()
    %dma_start3A = arith.constant 0 : i32
    %dma_start3A_3 = arith.constant 0 : i32
    %dma_start3A_4 = tpu.memref_slice %arg2[%dma_start3A, %dma_start3A_3] : memref<5888x768xf32, #tpu.memory_space<hbm>> -> memref<5888x768xf32, #tpu.memory_space<hbm>>
    tpu.enqueue_indirect_dma source(%dma_start3A_4 : memref<5888x768xf32, #tpu.memory_space<hbm>>) target(%arg6 : memref<64x768xf32, #tpu.memory_space<vmem>>) offsets(%arg8 : memref<64xi32, #tpu.memory_space<vmem>>) semaphore(%arg10 : memref<!tpu.dma_semaphore, #tpu.memory_space<semaphore_mem>>)
    %dma_wait3A = arith.constant 0 : i32
    %dma_wait3A_5 = arith.constant 0 : i32
    %dma_wait3A_6 = tpu.memref_slice %arg2[%dma_wait3A, %dma_wait3A_5] : memref<5888x768xf32, #tpu.memory_space<hbm>> -> memref<5888x768xf32, #tpu.memory_space<hbm>>
    tpu.wait_indirect_dma semaphore(%arg10 : memref<!tpu.dma_semaphore, #tpu.memory_space<semaphore_mem>>) src(%dma_wait3A_6 : memref<5888x768xf32, #tpu.memory_space<hbm>>) dst(%arg6 : memref<64x768xf32, #tpu.memory_space<vmem>>)
    %dma_start3A_7 = arith.constant 0 : i32
    %dma_start3A_8 = arith.constant 0 : i32
    %dma_start3A_9 = tpu.memref_slice %arg2[%dma_start3A_7, %dma_start3A_8] : memref<5888x768xf32, #tpu.memory_space<hbm>> -> memref<5888x768xf32, #tpu.memory_space<hbm>>
    tpu.enqueue_indirect_dma source(%dma_start3A_9 : memref<5888x768xf32, #tpu.memory_space<hbm>>) target(%arg7 : memref<64x768xf32, #tpu.memory_space<vmem>>) offsets(%arg9 : memref<64xi32, #tpu.memory_space<vmem>>) semaphore(%arg10 : memref<!tpu.dma_semaphore, #tpu.memory_space<semaphore_mem>>)
    %dma_wait3A_10 = arith.constant 0 : i32
    %dma_wait3A_11 = arith.constant 0 : i32
    %dma_wait3A_12 = tpu.memref_slice %arg2[%dma_wait3A_10, %dma_wait3A_11] : memref<5888x768xf32, #tpu.memory_space<hbm>> -> memref<5888x768xf32, #tpu.memory_space<hbm>>
    tpu.wait_indirect_dma semaphore(%arg10 : memref<!tpu.dma_semaphore, #tpu.memory_space<semaphore_mem>>) src(%dma_wait3A_12 : memref<5888x768xf32, #tpu.memory_space<hbm>>) dst(%arg7 : memref<64x768xf32, #tpu.memory_space<vmem>>)
    %scan3A = arith.constant 0 : i32
    %scan3A_13 = arith.constant 0 : i32
    %scan3A_14 = arith.constant 64 : i32
    %scan3A_15 = arith.addi %scan3A_13, %scan3A_14 : i32
    %scan3A_16 = arith.constant 1 : i32
    scf.for %scan3A_18 = %scan3A_13 to %scan3A_15 step %scan3A_16  : i32 {
      %get3A = arith.index_cast %scan3A_18 : i32 to index
      %get3A_19 = arith.constant 0 : index
      %get3A_20 = tpu.vector_load %arg6[%get3A, %get3A_19] {strides = array<i32>} : memref<64x768xf32, #tpu.memory_space<vmem>>, vector<1x16xf32>,
      %get3A_21 = vector.shape_cast %get3A_20 : vector<1x16xf32> to vector<16xf32>
      %get3A_22 = arith.index_cast %scan3A_18 : i32 to index
      %get3A_23 = arith.constant 0 : index
      %get3A_24 = tpu.vector_load %arg7[%get3A_22, %get3A_23] {strides = array<i32>} : memref<64x768xf32, #tpu.memory_space<vmem>>, vector<1x16xf32>,
      %get3A_25 = vector.shape_cast %get3A_24 : vector<1x16xf32> to vector<16xf32>
      %add3A_26 = arith.addf %get3A_21, %get3A_25 : vector<16xf32>
      %swap3A = arith.index_cast %scan3A_18 : i32 to index
      %swap3A_27 = arith.constant 0 : index
      %swap3A_28 = tpu.vector_load %arg6[%swap3A, %swap3A_27] {strides = array<i32>} : memref<64x768xf32, #tpu.memory_space<vmem>>, vector<1x16xf32>,
      %swap3A_29 = vector.shape_cast %swap3A_28 : vector<1x16xf32> to vector<16xf32>
      %swap3A_30 = vector.shape_cast %add3A_26 : vector<16xf32> to vector<1x16xf32>
      tpu.vector_store %arg6[%swap3A, %swap3A_27], %swap3A_30 {strides = array<i32>} : memref<64x768xf32, #tpu.memory_space<vmem>>, vector<1x16xf32>,
      %get3A_31 = arith.index_cast %scan3A_18 : i32 to index
      %get3A_32 = arith.constant 16 : index
      %get3A_33 = tpu.vector_load %arg6[%get3A_31, %get3A_32] {strides = array<i32>} : memref<64x768xf32, #tpu.memory_space<vmem>>, vector<1x16xf32>,
      %get3A_34 = vector.shape_cast %get3A_33 : vector<1x16xf32> to vector<16xf32>
      %get3A_35 = arith.index_cast %scan3A_18 : i32 to index
      %get3A_36 = arith.constant 16 : index
      %get3A_37 = tpu.vector_load %arg7[%get3A_35, %get3A_36] {strides = array<i32>} : memref<64x768xf32, #tpu.memory_space<vmem>>, vector<1x16xf32>,
      %get3A_38 = vector.shape_cast %get3A_37 : vector<1x16xf32> to vector<16xf32>
      %add3A_39 = arith.addf %get3A_34, %get3A_38 : vector<16xf32>
      %swap3A_40 = arith.index_cast %scan3A_18 : i32 to index
      %swap3A_41 = arith.constant 16 : index
      %swap3A_42 = tpu.vector_load %arg6[%swap3A_40, %swap3A_41] {strides = array<i32>} : memref<64x768xf32, #tpu.memory_space<vmem>>, vector<1x16xf32>,
      %swap3A_43 = vector.shape_cast %swap3A_42 : vector<1x16xf32> to vector<16xf32>
      %swap3A_44 = vector.shape_cast %add3A_39 : vector<16xf32> to vector<1x16xf32>
      tpu.vector_store %arg6[%swap3A_40, %swap3A_41], %swap3A_44 {strides = array<i32>} : memref<64x768xf32, #tpu.memory_space<vmem>>, vector<1x16xf32>,
      %get3A_45 = arith.index_cast %scan3A_18 : i32 to index
      %get3A_46 = arith.constant 32 : index
      %get3A_47 = tpu.vector_load %arg6[%get3A_45, %get3A_46] {strides = array<i32>} : memref<64x768xf32, #tpu.memory_space<vmem>>, vector<1x16xf32>,
      %get3A_48 = vector.shape_cast %get3A_47 : vector<1x16xf32> to vector<16xf32>
      %get3A_49 = arith.index_cast %scan3A_18 : i32 to index
      %get3A_50 = arith.constant 32 : index
      %get3A_51 = tpu.vector_load %arg7[%get3A_49, %get3A_50] {strides = array<i32>} : memref<64x768xf32, #tpu.memory_space<vmem>>, vector<1x16xf32>,
      %get3A_52 = vector.shape_cast %get3A_51 : vector<1x16xf32> to vector<16xf32>
      %add3A_53 = arith.addf %get3A_48, %get3A_52 : vector<16xf32>
      %swap3A_54 = arith.index_cast %scan3A_18 : i32 to index
      %swap3A_55 = arith.constant 32 : index
      %swap3A_56 = tpu.vector_load %arg6[%swap3A_54, %swap3A_55] {strides = array<i32>} : memref<64x768xf32, #tpu.memory_space<vmem>>, vector<1x16xf32>,
      %swap3A_57 = vector.shape_cast %swap3A_56 : vector<1x16xf32> to vector<16xf32>
      %swap3A_58 = vector.shape_cast %add3A_53 : vector<16xf32> to vector<1x16xf32>
      tpu.vector_store %arg6[%swap3A_54, %swap3A_55], %swap3A_58 {strides = array<i32>} : memref<64x768xf32, #tpu.memory_space<vmem>>, vector<1x16xf32>,
      %get3A_59 = arith.index_cast %scan3A_18 : i32 to index
      %get3A_60 = arith.constant 48 : index
      %get3A_61 = tpu.vector_load %arg6[%get3A_59, %get3A_60] {strides = array<i32>} : memref<64x768xf32, #tpu.memory_space<vmem>>, vector<1x16xf32>,
      %get3A_62 = vector.shape_cast %get3A_61 : vector<1x16xf32> to vector<16xf32>
      %get3A_63 = arith.index_cast %scan3A_18 : i32 to index
      %get3A_64 = arith.constant 48 : index
      %get3A_65 = tpu.vector_load %arg7[%get3A_63, %get3A_64] {strides = array<i32>} : memref<64x768xf32, #tpu.memory_space<vmem>>, vector<1x16xf32>,
      %get3A_66 = vector.shape_cast %get3A_65 : vector<1x16xf32> to vector<16xf32>
      %add3A_67 = arith.addf %get3A_62, %get3A_66 : vector<16xf32>
      %swap3A_68 = arith.index_cast %scan3A_18 : i32 to index
      %swap3A_69 = arith.constant 48 : index
      %swap3A_70 = tpu.vector_load %arg6[%swap3A_68, %swap3A_69] {strides = array<i32>} : memref<64x768xf32, #tpu.memory_space<vmem>>, vector<1x16xf32>,
      %swap3A_71 = vector.shape_cast %swap3A_70 : vector<1x16xf32> to vector<16xf32>
      %swap3A_72 = vector.shape_cast %add3A_67 : vector<16xf32> to vector<1x16xf32>
      tpu.vector_store %arg6[%swap3A_68, %swap3A_69], %swap3A_72 {strides = array<i32>} : memref<64x768xf32, #tpu.memory_space<vmem>>, vector<1x16xf32>,
      %get3A_73 = arith.index_cast %scan3A_18 : i32 to index
      %get3A_74 = arith.constant 64 : index
      %get3A_75 = tpu.vector_load %arg6[%get3A_73, %get3A_74] {strides = array<i32>} : memref<64x768xf32, #tpu.memory_space<vmem>>, vector<1x16xf32>,
      %get3A_76 = vector.shape_cast %get3A_75 : vector<1x16xf32> to vector<16xf32>
      %get3A_77 = arith.index_cast %scan3A_18 : i32 to index
      %get3A_78 = arith.constant 64 : index
      %get3A_79 = tpu.vector_load %arg7[%get3A_77, %get3A_78] {strides = array<i32>} : memref<64x768xf32, #tpu.memory_space<vmem>>, vector<1x16xf32>,
      %get3A_80 = vector.shape_cast %get3A_79 : vector<1x16xf32> to vector<16xf32>
      %add3A_81 = arith.addf %get3A_76, %get3A_80 : vector<16xf32>
      %swap3A_82 = arith.index_cast %scan3A_18 : i32 to index
      %swap3A_83 = arith.constant 64 : index
      %swap3A_84 = tpu.vector_load %arg6[%swap3A_82, %swap3A_83] {strides = array<i32>} : memref<64x768xf32, #tpu.memory_space<vmem>>, vector<1x16xf32>,
      %swap3A_85 = vector.shape_cast %swap3A_84 : vector<1x16xf32> to vector<16xf32>
      %swap3A_86 = vector.shape_cast %add3A_81 : vector<16xf32> to vector<1x16xf32>
      tpu.vector_store %arg6[%swap3A_82, %swap3A_83], %swap3A_86 {strides = array<i32>} : memref<64x768xf32, #tpu.memory_space<vmem>>, vector<1x16xf32>,
      %get3A_87 = arith.index_cast %scan3A_18 : i32 to index
      %get3A_88 = arith.constant 80 : index
      %get3A_89 = tpu.vector_load %arg6[%get3A_87, %get3A_88] {strides = array<i32>} : memref<64x768xf32, #tpu.memory_space<vmem>>, vector<1x16xf32>,
      %get3A_90 = vector.shape_cast %get3A_89 : vector<1x16xf32> to vector<16xf32>
      %get3A_91 = arith.index_cast %scan3A_18 : i32 to index
      %get3A_92 = arith.constant 80 : index
      %get3A_93 = tpu.vector_load %arg7[%get3A_91, %get3A_92] {strides = array<i32>} : memref<64x768xf32, #tpu.memory_space<vmem>>, vector<1x16xf32>,
      %get3A_94 = vector.shape_cast %get3A_93 : vector<1x16xf32> to vector<16xf32>
      %add3A_95 = arith.addf %get3A_90, %get3A_94 : vector<16xf32>
      %swap3A_96 = arith.index_cast %scan3A_18 : i32 to index
      %swap3A_97 = arith.constant 80 : index
      %swap3A_98 = tpu.vector_load %arg6[%swap3A_96, %swap3A_97] {strides = array<i32>} : memref<64x768xf32, #tpu.memory_space<vmem>>, vector<1x16xf32>,
      %swap3A_99 = vector.shape_cast %swap3A_98 : vector<1x16xf32> to vector<16xf32>
      %swap3A_100 = vector.shape_cast %add3A_95 : vector<16xf32> to vector<1x16xf32>
      tpu.vector_store %arg6[%swap3A_96, %swap3A_97], %swap3A_100 {strides = array<i32>} : memref<64x768xf32, #tpu.memory_space<vmem>>, vector<1x16xf32>,
      %get3A_101 = arith.index_cast %scan3A_18 : i32 to index
      %get3A_102 = arith.constant 96 : index
      %get3A_103 = tpu.vector_load %arg6[%get3A_101, %get3A_102] {strides = array<i32>} : memref<64x768xf32, #tpu.memory_space<vmem>>, vector<1x16xf32>,
      %get3A_104 = vector.shape_cast %get3A_103 : vector<1x16xf32> to vector<16xf32>
      %get3A_105 = arith.index_cast %scan3A_18 : i32 to index
      %get3A_106 = arith.constant 96 : index
      %get3A_107 = tpu.vector_load %arg7[%get3A_105, %get3A_106] {strides = array<i32>} : memref<64x768xf32, #tpu.memory_space<vmem>>, vector<1x16xf32>,
      %get3A_108 = vector.shape_cast %get3A_107 : vector<1x16xf32> to vector<16xf32>
      %add3A_109 = arith.addf %get3A_104, %get3A_108 : vector<16xf32>
      %swap3A_110 = arith.index_cast %scan3A_18 : i32 to index
      %swap3A_111 = arith.constant 96 : index
      %swap3A_112 = tpu.vector_load %arg6[%swap3A_110, %swap3A_111] {strides = array<i32>} : memref<64x768xf32, #tpu.memory_space<vmem>>, vector<1x16xf32>,
      %swap3A_113 = vector.shape_cast %swap3A_112 : vector<1x16xf32> to vector<16xf32>
      %swap3A_114 = vector.shape_cast %add3A_109 : vector<16xf32> to vector<1x16xf32>
      tpu.vector_store %arg6[%swap3A_110, %swap3A_111], %swap3A_114 {strides = array<i32>} : memref<64x768xf32, #tpu.memory_space<vmem>>, vector<1x16xf32>,
      %get3A_115 = arith.index_cast %scan3A_18 : i32 to index
      %get3A_116 = arith.constant 112 : index
      %get3A_117 = tpu.vector_load %arg6[%get3A_115, %get3A_116] {strides = array<i32>} : memref<64x768xf32, #tpu.memory_space<vmem>>, vector<1x16xf32>,
      %get3A_118 = vector.shape_cast %get3A_117 : vector<1x16xf32> to vector<16xf32>
      %get3A_119 = arith.index_cast %scan3A_18 : i32 to index
      %get3A_120 = arith.constant 112 : index
      %get3A_121 = tpu.vector_load %arg7[%get3A_119, %get3A_120] {strides = array<i32>} : memref<64x768xf32, #tpu.memory_space<vmem>>, vector<1x16xf32>,
      %get3A_122 = vector.shape_cast %get3A_121 : vector<1x16xf32> to vector<16xf32>
      %add3A_123 = arith.addf %get3A_118, %get3A_122 : vector<16xf32>
      %swap3A_124 = arith.index_cast %scan3A_18 : i32 to index
      %swap3A_125 = arith.constant 112 : index
      %swap3A_126 = tpu.vector_load %arg6[%swap3A_124, %swap3A_125] {strides = array<i32>} : memref<64x768xf32, #tpu.memory_space<vmem>>, vector<1x16xf32>,
      %swap3A_127 = vector.shape_cast %swap3A_126 : vector<1x16xf32> to vector<16xf32>
      %swap3A_128 = vector.shape_cast %add3A_123 : vector<16xf32> to vector<1x16xf32>
      tpu.vector_store %arg6[%swap3A_124, %swap3A_125], %swap3A_128 {strides = array<i32>} : memref<64x768xf32, #tpu.memory_space<vmem>>, vector<1x16xf32>,
      %get3A_129 = arith.index_cast %scan3A_18 : i32 to index
      %get3A_130 = arith.constant 128 : index
      %get3A_131 = tpu.vector_load %arg6[%get3A_129, %get3A_130] {strides = array<i32>} : memref<64x768xf32, #tpu.memory_space<vmem>>, vector<1x16xf32>,
      %get3A_132 = vector.shape_cast %get3A_131 : vector<1x16xf32> to vector<16xf32>
      %get3A_133 = arith.index_cast %scan3A_18 : i32 to index
      %get3A_134 = arith.constant 128 : index
      %get3A_135 = tpu.vector_load %arg7[%get3A_133, %get3A_134] {strides = array<i32>} : memref<64x768xf32, #tpu.memory_space<vmem>>, vector<1x16xf32>,
      %get3A_136 = vector.shape_cast %get3A_135 : vector<1x16xf32> to vector<16xf32>
      %add3A_137 = arith.addf %get3A_132, %get3A_136 : vector<16xf32>
      %swap3A_138 = arith.index_cast %scan3A_18 : i32 to index
      %swap3A_139 = arith.constant 128 : index
      %swap3A_140 = tpu.vector_load %arg6[%swap3A_138, %swap3A_139] {strides = array<i32>} : memref<64x768xf32, #tpu.memory_space<vmem>>, vector<1x16xf32>,
      %swap3A_141 = vector.shape_cast %swap3A_140 : vector<1x16xf32> to vector<16xf32>
      %swap3A_142 = vector.shape_cast %add3A_137 : vector<16xf32> to vector<1x16xf32>
      tpu.vector_store %arg6[%swap3A_138, %swap3A_139], %swap3A_142 {strides = array<i32>} : memref<64x768xf32, #tpu.memory_space<vmem>>, vector<1x16xf32>,
      %get3A_143 = arith.index_cast %scan3A_18 : i32 to index
      %get3A_144 = arith.constant 144 : index
      %get3A_145 = tpu.vector_load %arg6[%get3A_143, %get3A_144] {strides = array<i32>} : memref<64x768xf32, #tpu.memory_space<vmem>>, vector<1x16xf32>,
      %get3A_146 = vector.shape_cast %get3A_145 : vector<1x16xf32> to vector<16xf32>
      %get3A_147 = arith.index_cast %scan3A_18 : i32 to index
      %get3A_148 = arith.constant 144 : index
      %get3A_149 = tpu.vector_load %arg7[%get3A_147, %get3A_148] {strides = array<i32>} : memref<64x768xf32, #tpu.memory_space<vmem>>, vector<1x16xf32>,
      %get3A_150 = vector.shape_cast %get3A_149 : vector<1x16xf32> to vector<16xf32>
      %add3A_151 = arith.addf %get3A_146, %get3A_150 : vector<16xf32>
      %swap3A_152 = arith.index_cast %scan3A_18 : i32 to index
      %swap3A_153 = arith.constant 144 : index
      %swap3A_154 = tpu.vector_load %arg6[%swap3A_152, %swap3A_153] {strides = array<i32>} : memref<64x768xf32, #tpu.memory_space<vmem>>, vector<1x16xf32>,
      %swap3A_155 = vector.shape_cast %swap3A_154 : vector<1x16xf32> to vector<16xf32>
      %swap3A_156 = vector.shape_cast %add3A_151 : vector<16xf32> to vector<1x16xf32>
      tpu.vector_store %arg6[%swap3A_152, %swap3A_153], %swap3A_156 {strides = array<i32>} : memref<64x768xf32, #tpu.memory_space<vmem>>, vector<1x16xf32>,
      %get3A_157 = arith.index_cast %scan3A_18 : i32 to index
      %get3A_158 = arith.constant 160 : index
      %get3A_159 = tpu.vector_load %arg6[%get3A_157, %get3A_158] {strides = array<i32>} : memref<64x768xf32, #tpu.memory_space<vmem>>, vector<1x16xf32>,
      %get3A_160 = vector.shape_cast %get3A_159 : vector<1x16xf32> to vector<16xf32>
      %get3A_161 = arith.index_cast %scan3A_18 : i32 to index
      %get3A_162 = arith.constant 160 : index
      %get3A_163 = tpu.vector_load %arg7[%get3A_161, %get3A_162] {strides = array<i32>} : memref<64x768xf32, #tpu.memory_space<vmem>>, vector<1x16xf32>,
      %get3A_164 = vector.shape_cast %get3A_163 : vector<1x16xf32> to vector<16xf32>
      %add3A_165 = arith.addf %get3A_160, %get3A_164 : vector<16xf32>
      %swap3A_166 = arith.index_cast %scan3A_18 : i32 to index
      %swap3A_167 = arith.constant 160 : index
      %swap3A_168 = tpu.vector_load %arg6[%swap3A_166, %swap3A_167] {strides = array<i32>} : memref<64x768xf32, #tpu.memory_space<vmem>>, vector<1x16xf32>,
      %swap3A_169 = vector.shape_cast %swap3A_168 : vector<1x16xf32> to vector<16xf32>
      %swap3A_170 = vector.shape_cast %add3A_165 : vector<16xf32> to vector<1x16xf32>
      tpu.vector_store %arg6[%swap3A_166, %swap3A_167], %swap3A_170 {strides = array<i32>} : memref<64x768xf32, #tpu.memory_space<vmem>>, vector<1x16xf32>,
      %get3A_171 = arith.index_cast %scan3A_18 : i32 to index
      %get3A_172 = arith.constant 176 : index
      %get3A_173 = tpu.vector_load %arg6[%get3A_171, %get3A_172] {strides = array<i32>} : memref<64x768xf32, #tpu.memory_space<vmem>>, vector<1x16xf32>,
      %get3A_174 = vector.shape_cast %get3A_173 : vector<1x16xf32> to vector<16xf32>
      %get3A_175 = arith.index_cast %scan3A_18 : i32 to index
      %get3A_176 = arith.constant 176 : index
      %get3A_177 = tpu.vector_load %arg7[%get3A_175, %get3A_176] {strides = array<i32>} : memref<64x768xf32, #tpu.memory_space<vmem>>, vector<1x16xf32>,
      %get3A_178 = vector.shape_cast %get3A_177 : vector<1x16xf32> to vector<16xf32>
      %add3A_179 = arith.addf %get3A_174, %get3A_178 : vector<16xf32>
      %swap3A_180 = arith.index_cast %scan3A_18 : i32 to index
      %swap3A_181 = arith.constant 176 : index
      %swap3A_182 = tpu.vector_load %arg6[%swap3A_180, %swap3A_181] {strides = array<i32>} : memref<64x768xf32, #tpu.memory_space<vmem>>, vector<1x16xf32>,
      %swap3A_183 = vector.shape_cast %swap3A_182 : vector<1x16xf32> to vector<16xf32>
      %swap3A_184 = vector.shape_cast %add3A_179 : vector<16xf32> to vector<1x16xf32>
      tpu.vector_store %arg6[%swap3A_180, %swap3A_181], %swap3A_184 {strides = array<i32>} : memref<64x768xf32, #tpu.memory_space<vmem>>, vector<1x16xf32>,
      %get3A_185 = arith.index_cast %scan3A_18 : i32 to index
      %get3A_186 = arith.constant 192 : index
      %get3A_187 = tpu.vector_load %arg6[%get3A_185, %get3A_186] {strides = array<i32>} : memref<64x768xf32, #tpu.memory_space<vmem>>, vector<1x16xf32>,
      %get3A_188 = vector.shape_cast %get3A_187 : vector<1x16xf32> to vector<16xf32>
      %get3A_189 = arith.index_cast %scan3A_18 : i32 to index
      %get3A_190 = arith.constant 192 : index
      %get3A_191 = tpu.vector_load %arg7[%get3A_189, %get3A_190] {strides = array<i32>} : memref<64x768xf32, #tpu.memory_space<vmem>>, vector<1x16xf32>,
      %get3A_192 = vector.shape_cast %get3A_191 : vector<1x16xf32> to vector<16xf32>
      %add3A_193 = arith.addf %get3A_188, %get3A_192 : vector<16xf32>
      %swap3A_194 = arith.index_cast %scan3A_18 : i32 to index
      %swap3A_195 = arith.constant 192 : index
      %swap3A_196 = tpu.vector_load %arg6[%swap3A_194, %swap3A_195] {strides = array<i32>} : memref<64x768xf32, #tpu.memory_space<vmem>>, vector<1x16xf32>,
      %swap3A_197 = vector.shape_cast %swap3A_196 : vector<1x16xf32> to vector<16xf32>
      %swap3A_198 = vector.shape_cast %add3A_193 : vector<16xf32> to vector<1x16xf32>
      tpu.vector_store %arg6[%swap3A_194, %swap3A_195], %swap3A_198 {strides = array<i32>} : memref<64x768xf32, #tpu.memory_space<vmem>>, vector<1x16xf32>,
      %get3A_199 = arith.index_cast %scan3A_18 : i32 to index
      %get3A_200 = arith.constant 208 : index
      %get3A_201 = tpu.vector_load %arg6[%get3A_199, %get3A_200] {strides = array<i32>} : memref<64x768xf32, #tpu.memory_space<vmem>>, vector<1x16xf32>,
      %get3A_202 = vector.shape_cast %get3A_201 : vector<1x16xf32> to vector<16xf32>
      %get3A_203 = arith.index_cast %scan3A_18 : i32 to index
      %get3A_204 = arith.constant 208 : index
      %get3A_205 = tpu.vector_load %arg7[%get3A_203, %get3A_204] {strides = array<i32>} : memref<64x768xf32, #tpu.memory_space<vmem>>, vector<1x16xf32>,
      %get3A_206 = vector.shape_cast %get3A_205 : vector<1x16xf32> to vector<16xf32>
      %add3A_207 = arith.addf %get3A_202, %get3A_206 : vector<16xf32>
      %swap3A_208 = arith.index_cast %scan3A_18 : i32 to index
      %swap3A_209 = arith.constant 208 : index
      %swap3A_210 = tpu.vector_load %arg6[%swap3A_208, %swap3A_209] {strides = array<i32>} : memref<64x768xf32, #tpu.memory_space<vmem>>, vector<1x16xf32>,
      %swap3A_211 = vector.shape_cast %swap3A_210 : vector<1x16xf32> to vector<16xf32>
      %swap3A_212 = vector.shape_cast %add3A_207 : vector<16xf32> to vector<1x16xf32>
      tpu.vector_store %arg6[%swap3A_208, %swap3A_209], %swap3A_212 {strides = array<i32>} : memref<64x768xf32, #tpu.memory_space<vmem>>, vector<1x16xf32>,
      %get3A_213 = arith.index_cast %scan3A_18 : i32 to index
      %get3A_214 = arith.constant 224 : index
      %get3A_215 = tpu.vector_load %arg6[%get3A_213, %get3A_214] {strides = array<i32>} : memref<64x768xf32, #tpu.memory_space<vmem>>, vector<1x16xf32>,
      %get3A_216 = vector.shape_cast %get3A_215 : vector<1x16xf32> to vector<16xf32>
      %get3A_217 = arith.index_cast %scan3A_18 : i32 to index
      %get3A_218 = arith.constant 224 : index
      %get3A_219 = tpu.vector_load %arg7[%get3A_217, %get3A_218] {strides = array<i32>} : memref<64x768xf32, #tpu.memory_space<vmem>>, vector<1x16xf32>,
      %get3A_220 = vector.shape_cast %get3A_219 : vector<1x16xf32> to vector<16xf32>
      %add3A_221 = arith.addf %get3A_216, %get3A_220 : vector<16xf32>
      %swap3A_222 = arith.index_cast %scan3A_18 : i32 to index
      %swap3A_223 = arith.constant 224 : index
      %swap3A_224 = tpu.vector_load %arg6[%swap3A_222, %swap3A_223] {strides = array<i32>} : memref<64x768xf32, #tpu.memory_space<vmem>>, vector<1x16xf32>,
      %swap3A_225 = vector.shape_cast %swap3A_224 : vector<1x16xf32> to vector<16xf32>
      %swap3A_226 = vector.shape_cast %add3A_221 : vector<16xf32> to vector<1x16xf32>
      tpu.vector_store %arg6[%swap3A_222, %swap3A_223], %swap3A_226 {strides = array<i32>} : memref<64x768xf32, #tpu.memory_space<vmem>>, vector<1x16xf32>,
      %get3A_227 = arith.index_cast %scan3A_18 : i32 to index
      %get3A_228 = arith.constant 240 : index
      %get3A_229 = tpu.vector_load %arg6[%get3A_227, %get3A_228] {strides = array<i32>} : memref<64x768xf32, #tpu.memory_space<vmem>>, vector<1x16xf32>,
      %get3A_230 = vector.shape_cast %get3A_229 : vector<1x16xf32> to vector<16xf32>
      %get3A_231 = arith.index_cast %scan3A_18 : i32 to index
      %get3A_232 = arith.constant 240 : index
      %get3A_233 = tpu.vector_load %arg7[%get3A_231, %get3A_232] {strides = array<i32>} : memref<64x768xf32, #tpu.memory_space<vmem>>, vector<1x16xf32>,
      %get3A_234 = vector.shape_cast %get3A_233 : vector<1x16xf32> to vector<16xf32>
      %add3A_235 = arith.addf %get3A_230, %get3A_234 : vector<16xf32>
      %swap3A_236 = arith.index_cast %scan3A_18 : i32 to index
      %swap3A_237 = arith.constant 240 : index
      %swap3A_238 = tpu.vector_load %arg6[%swap3A_236, %swap3A_237] {strides = array<i32>} : memref<64x768xf32, #tpu.memory_space<vmem>>, vector<1x16xf32>,
      %swap3A_239 = vector.shape_cast %swap3A_238 : vector<1x16xf32> to vector<16xf32>
      %swap3A_240 = vector.shape_cast %add3A_235 : vector<16xf32> to vector<1x16xf32>
      tpu.vector_store %arg6[%swap3A_236, %swap3A_237], %swap3A_240 {strides = array<i32>} : memref<64x768xf32, #tpu.memory_space<vmem>>, vector<1x16xf32>,
      %get3A_241 = arith.index_cast %scan3A_18 : i32 to index
      %get3A_242 = arith.constant 256 : index
      %get3A_243 = tpu.vector_load %arg6[%get3A_241, %get3A_242] {strides = array<i32>} : memref<64x768xf32, #tpu.memory_space<vmem>>, vector<1x16xf32>,
      %get3A_244 = vector.shape_cast %get3A_243 : vector<1x16xf32> to vector<16xf32>
      %get3A_245 = arith.index_cast %scan3A_18 : i32 to index
      %get3A_246 = arith.constant 256 : index
      %get3A_247 = tpu.vector_load %arg7[%get3A_245, %get3A_246] {strides = array<i32>} : memref<64x768xf32, #tpu.memory_space<vmem>>, vector<1x16xf32>,
      %get3A_248 = vector.shape_cast %get3A_247 : vector<1x16xf32> to vector<16xf32>
      %add3A_249 = arith.addf %get3A_244, %get3A_248 : vector<16xf32>
      %swap3A_250 = arith.index_cast %scan3A_18 : i32 to index
      %swap3A_251 = arith.constant 256 : index
      %swap3A_252 = tpu.vector_load %arg6[%swap3A_250, %swap3A_251] {strides = array<i32>} : memref<64x768xf32, #tpu.memory_space<vmem>>, vector<1x16xf32>,
      %swap3A_253 = vector.shape_cast %swap3A_252 : vector<1x16xf32> to vector<16xf32>
      %swap3A_254 = vector.shape_cast %add3A_249 : vector<16xf32> to vector<1x16xf32>
      tpu.vector_store %arg6[%swap3A_250, %swap3A_251], %swap3A_254 {strides = array<i32>} : memref<64x768xf32, #tpu.memory_space<vmem>>, vector<1x16xf32>,
      %get3A_255 = arith.index_cast %scan3A_18 : i32 to index
      %get3A_256 = arith.constant 272 : index
      %get3A_257 = tpu.vector_load %arg6[%get3A_255, %get3A_256] {strides = array<i32>} : memref<64x768xf32, #tpu.memory_space<vmem>>, vector<1x16xf32>,
      %get3A_258 = vector.shape_cast %get3A_257 : vector<1x16xf32> to vector<16xf32>
      %get3A_259 = arith.index_cast %scan3A_18 : i32 to index
      %get3A_260 = arith.constant 272 : index
      %get3A_261 = tpu.vector_load %arg7[%get3A_259, %get3A_260] {strides = array<i32>} : memref<64x768xf32, #tpu.memory_space<vmem>>, vector<1x16xf32>,
      %get3A_262 = vector.shape_cast %get3A_261 : vector<1x16xf32> to vector<16xf32>
      %add3A_263 = arith.addf %get3A_258, %get3A_262 : vector<16xf32>
      %swap3A_264 = arith.index_cast %scan3A_18 : i32 to index
      %swap3A_265 = arith.constant 272 : index
      %swap3A_266 = tpu.vector_load %arg6[%swap3A_264, %swap3A_265] {strides = array<i32>} : memref<64x768xf32, #tpu.memory_space<vmem>>, vector<1x16xf32>,
      %swap3A_267 = vector.shape_cast %swap3A_266 : vector<1x16xf32> to vector<16xf32>
      %swap3A_268 = vector.shape_cast %add3A_263 : vector<16xf32> to vector<1x16xf32>
      tpu.vector_store %arg6[%swap3A_264, %swap3A_265], %swap3A_268 {strides = array<i32>} : memref<64x768xf32, #tpu.memory_space<vmem>>, vector<1x16xf32>,
      %get3A_269 = arith.index_cast %scan3A_18 : i32 to index
      %get3A_270 = arith.constant 288 : index
      %get3A_271 = tpu.vector_load %arg6[%get3A_269, %get3A_270] {strides = array<i32>} : memref<64x768xf32, #tpu.memory_space<vmem>>, vector<1x16xf32>,
      %get3A_272 = vector.shape_cast %get3A_271 : vector<1x16xf32> to vector<16xf32>
      %get3A_273 = arith.index_cast %scan3A_18 : i32 to index
      %get3A_274 = arith.constant 288 : index
      %get3A_275 = tpu.vector_load %arg7[%get3A_273, %get3A_274] {strides = array<i32>} : memref<64x768xf32, #tpu.memory_space<vmem>>, vector<1x16xf32>,
      %get3A_276 = vector.shape_cast %get3A_275 : vector<1x16xf32> to vector<16xf32>
      %add3A_277 = arith.addf %get3A_272, %get3A_276 : vector<16xf32>
      %swap3A_278 = arith.index_cast %scan3A_18 : i32 to index
      %swap3A_279 = arith.constant 288 : index
      %swap3A_280 = tpu.vector_load %arg6[%swap3A_278, %swap3A_279] {strides = array<i32>} : memref<64x768xf32, #tpu.memory_space<vmem>>, vector<1x16xf32>,
      %swap3A_281 = vector.shape_cast %swap3A_280 : vector<1x16xf32> to vector<16xf32>
      %swap3A_282 = vector.shape_cast %add3A_277 : vector<16xf32> to vector<1x16xf32>
      tpu.vector_store %arg6[%swap3A_278, %swap3A_279], %swap3A_282 {strides = array<i32>} : memref<64x768xf32, #tpu.memory_space<vmem>>, vector<1x16xf32>,
      %get3A_283 = arith.index_cast %scan3A_18 : i32 to index
      %get3A_284 = arith.constant 304 : index
      %get3A_285 = tpu.vector_load %arg6[%get3A_283, %get3A_284] {strides = array<i32>} : memref<64x768xf32, #tpu.memory_space<vmem>>, vector<1x16xf32>,
      %get3A_286 = vector.shape_cast %get3A_285 : vector<1x16xf32> to vector<16xf32>
      %get3A_287 = arith.index_cast %scan3A_18 : i32 to index
      %get3A_288 = arith.constant 304 : index
      %get3A_289 = tpu.vector_load %arg7[%get3A_287, %get3A_288] {strides = array<i32>} : memref<64x768xf32, #tpu.memory_space<vmem>>, vector<1x16xf32>,
      %get3A_290 = vector.shape_cast %get3A_289 : vector<1x16xf32> to vector<16xf32>
      %add3A_291 = arith.addf %get3A_286, %get3A_290 : vector<16xf32>
      %swap3A_292 = arith.index_cast %scan3A_18 : i32 to index
      %swap3A_293 = arith.constant 304 : index
      %swap3A_294 = tpu.vector_load %arg6[%swap3A_292, %swap3A_293] {strides = array<i32>} : memref<64x768xf32, #tpu.memory_space<vmem>>, vector<1x16xf32>,
      %swap3A_295 = vector.shape_cast %swap3A_294 : vector<1x16xf32> to vector<16xf32>
      %swap3A_296 = vector.shape_cast %add3A_291 : vector<16xf32> to vector<1x16xf32>
      tpu.vector_store %arg6[%swap3A_292, %swap3A_293], %swap3A_296 {strides = array<i32>} : memref<64x768xf32, #tpu.memory_space<vmem>>, vector<1x16xf32>,
      %get3A_297 = arith.index_cast %scan3A_18 : i32 to index
      %get3A_298 = arith.constant 320 : index
      %get3A_299 = tpu.vector_load %arg6[%get3A_297, %get3A_298] {strides = array<i32>} : memref<64x768xf32, #tpu.memory_space<vmem>>, vector<1x16xf32>,
      %get3A_300 = vector.shape_cast %get3A_299 : vector<1x16xf32> to vector<16xf32>
      %get3A_301 = arith.index_cast %scan3A_18 : i32 to index
      %get3A_302 = arith.constant 320 : index
      %get3A_303 = tpu.vector_load %arg7[%get3A_301, %get3A_302] {strides = array<i32>} : memref<64x768xf32, #tpu.memory_space<vmem>>, vector<1x16xf32>,
      %get3A_304 = vector.shape_cast %get3A_303 : vector<1x16xf32> to vector<16xf32>
      %add3A_305 = arith.addf %get3A_300, %get3A_304 : vector<16xf32>
      %swap3A_306 = arith.index_cast %scan3A_18 : i32 to index
      %swap3A_307 = arith.constant 320 : index
      %swap3A_308 = tpu.vector_load %arg6[%swap3A_306, %swap3A_307] {strides = array<i32>} : memref<64x768xf32, #tpu.memory_space<vmem>>, vector<1x16xf32>,
      %swap3A_309 = vector.shape_cast %swap3A_308 : vector<1x16xf32> to vector<16xf32>
      %swap3A_310 = vector.shape_cast %add3A_305 : vector<16xf32> to vector<1x16xf32>
      tpu.vector_store %arg6[%swap3A_306, %swap3A_307], %swap3A_310 {strides = array<i32>} : memref<64x768xf32, #tpu.memory_space<vmem>>, vector<1x16xf32>,
      %get3A_311 = arith.index_cast %scan3A_18 : i32 to index
      %get3A_312 = arith.constant 336 : index
      %get3A_313 = tpu.vector_load %arg6[%get3A_311, %get3A_312] {strides = array<i32>} : memref<64x768xf32, #tpu.memory_space<vmem>>, vector<1x16xf32>,
      %get3A_314 = vector.shape_cast %get3A_313 : vector<1x16xf32> to vector<16xf32>
      %get3A_315 = arith.index_cast %scan3A_18 : i32 to index
      %get3A_316 = arith.constant 336 : index
      %get3A_317 = tpu.vector_load %arg7[%get3A_315, %get3A_316] {strides = array<i32>} : memref<64x768xf32, #tpu.memory_space<vmem>>, vector<1x16xf32>,
      %get3A_318 = vector.shape_cast %get3A_317 : vector<1x16xf32> to vector<16xf32>
      %add3A_319 = arith.addf %get3A_314, %get3A_318 : vector<16xf32>
      %swap3A_320 = arith.index_cast %scan3A_18 : i32 to index
      %swap3A_321 = arith.constant 336 : index
      %swap3A_322 = tpu.vector_load %arg6[%swap3A_320, %swap3A_321] {strides = array<i32>} : memref<64x768xf32, #tpu.memory_space<vmem>>, vector<1x16xf32>,
      %swap3A_323 = vector.shape_cast %swap3A_322 : vector<1x16xf32> to vector<16xf32>
      %swap3A_324 = vector.shape_cast %add3A_319 : vector<16xf32> to vector<1x16xf32>
      tpu.vector_store %arg6[%swap3A_320, %swap3A_321], %swap3A_324 {strides = array<i32>} : memref<64x768xf32, #tpu.memory_space<vmem>>, vector<1x16xf32>,
      %get3A_325 = arith.index_cast %scan3A_18 : i32 to index
      %get3A_326 = arith.constant 352 : index
      %get3A_327 = tpu.vector_load %arg6[%get3A_325, %get3A_326] {strides = array<i32>} : memref<64x768xf32, #tpu.memory_space<vmem>>, vector<1x16xf32>,
      %get3A_328 = vector.shape_cast %get3A_327 : vector<1x16xf32> to vector<16xf32>
      %get3A_329 = arith.index_cast %scan3A_18 : i32 to index
      %get3A_330 = arith.constant 352 : index
      %get3A_331 = tpu.vector_load %arg7[%get3A_329, %get3A_330] {strides = array<i32>} : memref<64x768xf32, #tpu.memory_space<vmem>>, vector<1x16xf32>,
      %get3A_332 = vector.shape_cast %get3A_331 : vector<1x16xf32> to vector<16xf32>
      %add3A_333 = arith.addf %get3A_328, %get3A_332 : vector<16xf32>
      %swap3A_334 = arith.index_cast %scan3A_18 : i32 to index
      %swap3A_335 = arith.constant 352 : index
      %swap3A_336 = tpu.vector_load %arg6[%swap3A_334, %swap3A_335] {strides = array<i32>} : memref<64x768xf32, #tpu.memory_space<vmem>>, vector<1x16xf32>,
      %swap3A_337 = vector.shape_cast %swap3A_336 : vector<1x16xf32> to vector<16xf32>
      %swap3A_338 = vector.shape_cast %add3A_333 : vector<16xf32> to vector<1x16xf32>
      tpu.vector_store %arg6[%swap3A_334, %swap3A_335], %swap3A_338 {strides = array<i32>} : memref<64x768xf32, #tpu.memory_space<vmem>>, vector<1x16xf32>,
      %get3A_339 = arith.index_cast %scan3A_18 : i32 to index
      %get3A_340 = arith.constant 368 : index
      %get3A_341 = tpu.vector_load %arg6[%get3A_339, %get3A_340] {strides = array<i32>} : memref<64x768xf32, #tpu.memory_space<vmem>>, vector<1x16xf32>,
      %get3A_342 = vector.shape_cast %get3A_341 : vector<1x16xf32> to vector<16xf32>
      %get3A_343 = arith.index_cast %scan3A_18 : i32 to index
      %get3A_344 = arith.constant 368 : index
      %get3A_345 = tpu.vector_load %arg7[%get3A_343, %get3A_344] {strides = array<i32>} : memref<64x768xf32, #tpu.memory_space<vmem>>, vector<1x16xf32>,
      %get3A_346 = vector.shape_cast %get3A_345 : vector<1x16xf32> to vector<16xf32>
      %add3A_347 = arith.addf %get3A_342, %get3A_346 : vector<16xf32>
      %swap3A_348 = arith.index_cast %scan3A_18 : i32 to index
      %swap3A_349 = arith.constant 368 : index
      %swap3A_350 = tpu.vector_load %arg6[%swap3A_348, %swap3A_349] {strides = array<i32>} : memref<64x768xf32, #tpu.memory_space<vmem>>, vector<1x16xf32>,
      %swap3A_351 = vector.shape_cast %swap3A_350 : vector<1x16xf32> to vector<16xf32>
      %swap3A_352 = vector.shape_cast %add3A_347 : vector<16xf32> to vector<1x16xf32>
      tpu.vector_store %arg6[%swap3A_348, %swap3A_349], %swap3A_352 {strides = array<i32>} : memref<64x768xf32, #tpu.memory_space<vmem>>, vector<1x16xf32>,
      %get3A_353 = arith.index_cast %scan3A_18 : i32 to index
      %get3A_354 = arith.constant 384 : index
      %get3A_355 = tpu.vector_load %arg6[%get3A_353, %get3A_354] {strides = array<i32>} : memref<64x768xf32, #tpu.memory_space<vmem>>, vector<1x16xf32>,
      %get3A_356 = vector.shape_cast %get3A_355 : vector<1x16xf32> to vector<16xf32>
      %get3A_357 = arith.index_cast %scan3A_18 : i32 to index
      %get3A_358 = arith.constant 384 : index
      %get3A_359 = tpu.vector_load %arg7[%get3A_357, %get3A_358] {strides = array<i32>} : memref<64x768xf32, #tpu.memory_space<vmem>>, vector<1x16xf32>,
      %get3A_360 = vector.shape_cast %get3A_359 : vector<1x16xf32> to vector<16xf32>
      %add3A_361 = arith.addf %get3A_356, %get3A_360 : vector<16xf32>
      %swap3A_362 = arith.index_cast %scan3A_18 : i32 to index
      %swap3A_363 = arith.constant 384 : index
      %swap3A_364 = tpu.vector_load %arg6[%swap3A_362, %swap3A_363] {strides = array<i32>} : memref<64x768xf32, #tpu.memory_space<vmem>>, vector<1x16xf32>,
      %swap3A_365 = vector.shape_cast %swap3A_364 : vector<1x16xf32> to vector<16xf32>
      %swap3A_366 = vector.shape_cast %add3A_361 : vector<16xf32> to vector<1x16xf32>
      tpu.vector_store %arg6[%swap3A_362, %swap3A_363], %swap3A_366 {strides = array<i32>} : memref<64x768xf32, #tpu.memory_space<vmem>>, vector<1x16xf32>,
      %get3A_367 = arith.index_cast %scan3A_18 : i32 to index
      %get3A_368 = arith.constant 400 : index
      %get3A_369 = tpu.vector_load %arg6[%get3A_367, %get3A_368] {strides = array<i32>} : memref<64x768xf32, #tpu.memory_space<vmem>>, vector<1x16xf32>,
      %get3A_370 = vector.shape_cast %get3A_369 : vector<1x16xf32> to vector<16xf32>
      %get3A_371 = arith.index_cast %scan3A_18 : i32 to index
      %get3A_372 = arith.constant 400 : index
      %get3A_373 = tpu.vector_load %arg7[%get3A_371, %get3A_372] {strides = array<i32>} : memref<64x768xf32, #tpu.memory_space<vmem>>, vector<1x16xf32>,
      %get3A_374 = vector.shape_cast %get3A_373 : vector<1x16xf32> to vector<16xf32>
      %add3A_375 = arith.addf %get3A_370, %get3A_374 : vector<16xf32>
      %swap3A_376 = arith.index_cast %scan3A_18 : i32 to index
      %swap3A_377 = arith.constant 400 : index
      %swap3A_378 = tpu.vector_load %arg6[%swap3A_376, %swap3A_377] {strides = array<i32>} : memref<64x768xf32, #tpu.memory_space<vmem>>, vector<1x16xf32>,
      %swap3A_379 = vector.shape_cast %swap3A_378 : vector<1x16xf32> to vector<16xf32>
      %swap3A_380 = vector.shape_cast %add3A_375 : vector<16xf32> to vector<1x16xf32>
      tpu.vector_store %arg6[%swap3A_376, %swap3A_377], %swap3A_380 {strides = array<i32>} : memref<64x768xf32, #tpu.memory_space<vmem>>, vector<1x16xf32>,
      %get3A_381 = arith.index_cast %scan3A_18 : i32 to index
      %get3A_382 = arith.constant 416 : index
      %get3A_383 = tpu.vector_load %arg6[%get3A_381, %get3A_382] {strides = array<i32>} : memref<64x768xf32, #tpu.memory_space<vmem>>, vector<1x16xf32>,
      %get3A_384 = vector.shape_cast %get3A_383 : vector<1x16xf32> to vector<16xf32>
      %get3A_385 = arith.index_cast %scan3A_18 : i32 to index
      %get3A_386 = arith.constant 416 : index
      %get3A_387 = tpu.vector_load %arg7[%get3A_385, %get3A_386] {strides = array<i32>} : memref<64x768xf32, #tpu.memory_space<vmem>>, vector<1x16xf32>,
      %get3A_388 = vector.shape_cast %get3A_387 : vector<1x16xf32> to vector<16xf32>
      %add3A_389 = arith.addf %get3A_384, %get3A_388 : vector<16xf32>
      %swap3A_390 = arith.index_cast %scan3A_18 : i32 to index
      %swap3A_391 = arith.constant 416 : index
      %swap3A_392 = tpu.vector_load %arg6[%swap3A_390, %swap3A_391] {strides = array<i32>} : memref<64x768xf32, #tpu.memory_space<vmem>>, vector<1x16xf32>,
      %swap3A_393 = vector.shape_cast %swap3A_392 : vector<1x16xf32> to vector<16xf32>
      %swap3A_394 = vector.shape_cast %add3A_389 : vector<16xf32> to vector<1x16xf32>
      tpu.vector_store %arg6[%swap3A_390, %swap3A_391], %swap3A_394 {strides = array<i32>} : memref<64x768xf32, #tpu.memory_space<vmem>>, vector<1x16xf32>,
      %get3A_395 = arith.index_cast %scan3A_18 : i32 to index
      %get3A_396 = arith.constant 432 : index
      %get3A_397 = tpu.vector_load %arg6[%get3A_395, %get3A_396] {strides = array<i32>} : memref<64x768xf32, #tpu.memory_space<vmem>>, vector<1x16xf32>,
      %get3A_398 = vector.shape_cast %get3A_397 : vector<1x16xf32> to vector<16xf32>
      %get3A_399 = arith.index_cast %scan3A_18 : i32 to index
      %get3A_400 = arith.constant 432 : index
      %get3A_401 = tpu.vector_load %arg7[%get3A_399, %get3A_400] {strides = array<i32>} : memref<64x768xf32, #tpu.memory_space<vmem>>, vector<1x16xf32>,
      %get3A_402 = vector.shape_cast %get3A_401 : vector<1x16xf32> to vector<16xf32>
      %add3A_403 = arith.addf %get3A_398, %get3A_402 : vector<16xf32>
      %swap3A_404 = arith.index_cast %scan3A_18 : i32 to index
      %swap3A_405 = arith.constant 432 : index
      %swap3A_406 = tpu.vector_load %arg6[%swap3A_404, %swap3A_405] {strides = array<i32>} : memref<64x768xf32, #tpu.memory_space<vmem>>, vector<1x16xf32>,
      %swap3A_407 = vector.shape_cast %swap3A_406 : vector<1x16xf32> to vector<16xf32>
      %swap3A_408 = vector.shape_cast %add3A_403 : vector<16xf32> to vector<1x16xf32>
      tpu.vector_store %arg6[%swap3A_404, %swap3A_405], %swap3A_408 {strides = array<i32>} : memref<64x768xf32, #tpu.memory_space<vmem>>, vector<1x16xf32>,
      %get3A_409 = arith.index_cast %scan3A_18 : i32 to index
      %get3A_410 = arith.constant 448 : index
      %get3A_411 = tpu.vector_load %arg6[%get3A_409, %get3A_410] {strides = array<i32>} : memref<64x768xf32, #tpu.memory_space<vmem>>, vector<1x16xf32>,
      %get3A_412 = vector.shape_cast %get3A_411 : vector<1x16xf32> to vector<16xf32>
      %get3A_413 = arith.index_cast %scan3A_18 : i32 to index
      %get3A_414 = arith.constant 448 : index
      %get3A_415 = tpu.vector_load %arg7[%get3A_413, %get3A_414] {strides = array<i32>} : memref<64x768xf32, #tpu.memory_space<vmem>>, vector<1x16xf32>,
      %get3A_416 = vector.shape_cast %get3A_415 : vector<1x16xf32> to vector<16xf32>
      %add3A_417 = arith.addf %get3A_412, %get3A_416 : vector<16xf32>
      %swap3A_418 = arith.index_cast %scan3A_18 : i32 to index
      %swap3A_419 = arith.constant 448 : index
      %swap3A_420 = tpu.vector_load %arg6[%swap3A_418, %swap3A_419] {strides = array<i32>} : memref<64x768xf32, #tpu.memory_space<vmem>>, vector<1x16xf32>,
      %swap3A_421 = vector.shape_cast %swap3A_420 : vector<1x16xf32> to vector<16xf32>
      %swap3A_422 = vector.shape_cast %add3A_417 : vector<16xf32> to vector<1x16xf32>
      tpu.vector_store %arg6[%swap3A_418, %swap3A_419], %swap3A_422 {strides = array<i32>} : memref<64x768xf32, #tpu.memory_space<vmem>>, vector<1x16xf32>,
      %get3A_423 = arith.index_cast %scan3A_18 : i32 to index
      %get3A_424 = arith.constant 464 : index
      %get3A_425 = tpu.vector_load %arg6[%get3A_423, %get3A_424] {strides = array<i32>} : memref<64x768xf32, #tpu.memory_space<vmem>>, vector<1x16xf32>,
      %get3A_426 = vector.shape_cast %get3A_425 : vector<1x16xf32> to vector<16xf32>
      %get3A_427 = arith.index_cast %scan3A_18 : i32 to index
      %get3A_428 = arith.constant 464 : index
      %get3A_429 = tpu.vector_load %arg7[%get3A_427, %get3A_428] {strides = array<i32>} : memref<64x768xf32, #tpu.memory_space<vmem>>, vector<1x16xf32>,
      %get3A_430 = vector.shape_cast %get3A_429 : vector<1x16xf32> to vector<16xf32>
      %add3A_431 = arith.addf %get3A_426, %get3A_430 : vector<16xf32>
      %swap3A_432 = arith.index_cast %scan3A_18 : i32 to index
      %swap3A_433 = arith.constant 464 : index
      %swap3A_434 = tpu.vector_load %arg6[%swap3A_432, %swap3A_433] {strides = array<i32>} : memref<64x768xf32, #tpu.memory_space<vmem>>, vector<1x16xf32>,
      %swap3A_435 = vector.shape_cast %swap3A_434 : vector<1x16xf32> to vector<16xf32>
      %swap3A_436 = vector.shape_cast %add3A_431 : vector<16xf32> to vector<1x16xf32>
      tpu.vector_store %arg6[%swap3A_432, %swap3A_433], %swap3A_436 {strides = array<i32>} : memref<64x768xf32, #tpu.memory_space<vmem>>, vector<1x16xf32>,
      %get3A_437 = arith.index_cast %scan3A_18 : i32 to index
      %get3A_438 = arith.constant 480 : index
      %get3A_439 = tpu.vector_load %arg6[%get3A_437, %get3A_438] {strides = array<i32>} : memref<64x768xf32, #tpu.memory_space<vmem>>, vector<1x16xf32>,
      %get3A_440 = vector.shape_cast %get3A_439 : vector<1x16xf32> to vector<16xf32>
      %get3A_441 = arith.index_cast %scan3A_18 : i32 to index
      %get3A_442 = arith.constant 480 : index
      %get3A_443 = tpu.vector_load %arg7[%get3A_441, %get3A_442] {strides = array<i32>} : memref<64x768xf32, #tpu.memory_space<vmem>>, vector<1x16xf32>,
      %get3A_444 = vector.shape_cast %get3A_443 : vector<1x16xf32> to vector<16xf32>
      %add3A_445 = arith.addf %get3A_440, %get3A_444 : vector<16xf32>
      %swap3A_446 = arith.index_cast %scan3A_18 : i32 to index
      %swap3A_447 = arith.constant 480 : index
      %swap3A_448 = tpu.vector_load %arg6[%swap3A_446, %swap3A_447] {strides = array<i32>} : memref<64x768xf32, #tpu.memory_space<vmem>>, vector<1x16xf32>,
      %swap3A_449 = vector.shape_cast %swap3A_448 : vector<1x16xf32> to vector<16xf32>
      %swap3A_450 = vector.shape_cast %add3A_445 : vector<16xf32> to vector<1x16xf32>
      tpu.vector_store %arg6[%swap3A_446, %swap3A_447], %swap3A_450 {strides = array<i32>} : memref<64x768xf32, #tpu.memory_space<vmem>>, vector<1x16xf32>,
      %get3A_451 = arith.index_cast %scan3A_18 : i32 to index
      %get3A_452 = arith.constant 496 : index
      %get3A_453 = tpu.vector_load %arg6[%get3A_451, %get3A_452] {strides = array<i32>} : memref<64x768xf32, #tpu.memory_space<vmem>>, vector<1x16xf32>,
      %get3A_454 = vector.shape_cast %get3A_453 : vector<1x16xf32> to vector<16xf32>
      %get3A_455 = arith.index_cast %scan3A_18 : i32 to index
      %get3A_456 = arith.constant 496 : index
      %get3A_457 = tpu.vector_load %arg7[%get3A_455, %get3A_456] {strides = array<i32>} : memref<64x768xf32, #tpu.memory_space<vmem>>, vector<1x16xf32>,
      %get3A_458 = vector.shape_cast %get3A_457 : vector<1x16xf32> to vector<16xf32>
      %add3A_459 = arith.addf %get3A_454, %get3A_458 : vector<16xf32>
      %swap3A_460 = arith.index_cast %scan3A_18 : i32 to index
      %swap3A_461 = arith.constant 496 : index
      %swap3A_462 = tpu.vector_load %arg6[%swap3A_460, %swap3A_461] {strides = array<i32>} : memref<64x768xf32, #tpu.memory_space<vmem>>, vector<1x16xf32>,
      %swap3A_463 = vector.shape_cast %swap3A_462 : vector<1x16xf32> to vector<16xf32>
      %swap3A_464 = vector.shape_cast %add3A_459 : vector<16xf32> to vector<1x16xf32>
      tpu.vector_store %arg6[%swap3A_460, %swap3A_461], %swap3A_464 {strides = array<i32>} : memref<64x768xf32, #tpu.memory_space<vmem>>, vector<1x16xf32>,
      %get3A_465 = arith.index_cast %scan3A_18 : i32 to index
      %get3A_466 = arith.constant 512 : index
      %get3A_467 = tpu.vector_load %arg6[%get3A_465, %get3A_466] {strides = array<i32>} : memref<64x768xf32, #tpu.memory_space<vmem>>, vector<1x16xf32>,
      %get3A_468 = vector.shape_cast %get3A_467 : vector<1x16xf32> to vector<16xf32>
      %get3A_469 = arith.index_cast %scan3A_18 : i32 to index
      %get3A_470 = arith.constant 512 : index
      %get3A_471 = tpu.vector_load %arg7[%get3A_469, %get3A_470] {strides = array<i32>} : memref<64x768xf32, #tpu.memory_space<vmem>>, vector<1x16xf32>,
      %get3A_472 = vector.shape_cast %get3A_471 : vector<1x16xf32> to vector<16xf32>
      %add3A_473 = arith.addf %get3A_468, %get3A_472 : vector<16xf32>
      %swap3A_474 = arith.index_cast %scan3A_18 : i32 to index
      %swap3A_475 = arith.constant 512 : index
      %swap3A_476 = tpu.vector_load %arg6[%swap3A_474, %swap3A_475] {strides = array<i32>} : memref<64x768xf32, #tpu.memory_space<vmem>>, vector<1x16xf32>,
      %swap3A_477 = vector.shape_cast %swap3A_476 : vector<1x16xf32> to vector<16xf32>
      %swap3A_478 = vector.shape_cast %add3A_473 : vector<16xf32> to vector<1x16xf32>
      tpu.vector_store %arg6[%swap3A_474, %swap3A_475], %swap3A_478 {strides = array<i32>} : memref<64x768xf32, #tpu.memory_space<vmem>>, vector<1x16xf32>,
      %get3A_479 = arith.index_cast %scan3A_18 : i32 to index
      %get3A_480 = arith.constant 528 : index
      %get3A_481 = tpu.vector_load %arg6[%get3A_479, %get3A_480] {strides = array<i32>} : memref<64x768xf32, #tpu.memory_space<vmem>>, vector<1x16xf32>,
      %get3A_482 = vector.shape_cast %get3A_481 : vector<1x16xf32> to vector<16xf32>
      %get3A_483 = arith.index_cast %scan3A_18 : i32 to index
      %get3A_484 = arith.constant 528 : index
      %get3A_485 = tpu.vector_load %arg7[%get3A_483, %get3A_484] {strides = array<i32>} : memref<64x768xf32, #tpu.memory_space<vmem>>, vector<1x16xf32>,
      %get3A_486 = vector.shape_cast %get3A_485 : vector<1x16xf32> to vector<16xf32>
      %add3A_487 = arith.addf %get3A_482, %get3A_486 : vector<16xf32>
      %swap3A_488 = arith.index_cast %scan3A_18 : i32 to index
      %swap3A_489 = arith.constant 528 : index
      %swap3A_490 = tpu.vector_load %arg6[%swap3A_488, %swap3A_489] {strides = array<i32>} : memref<64x768xf32, #tpu.memory_space<vmem>>, vector<1x16xf32>,
      %swap3A_491 = vector.shape_cast %swap3A_490 : vector<1x16xf32> to vector<16xf32>
      %swap3A_492 = vector.shape_cast %add3A_487 : vector<16xf32> to vector<1x16xf32>
      tpu.vector_store %arg6[%swap3A_488, %swap3A_489], %swap3A_492 {strides = array<i32>} : memref<64x768xf32, #tpu.memory_space<vmem>>, vector<1x16xf32>,
      %get3A_493 = arith.index_cast %scan3A_18 : i32 to index
      %get3A_494 = arith.constant 544 : index
      %get3A_495 = tpu.vector_load %arg6[%get3A_493, %get3A_494] {strides = array<i32>} : memref<64x768xf32, #tpu.memory_space<vmem>>, vector<1x16xf32>,
      %get3A_496 = vector.shape_cast %get3A_495 : vector<1x16xf32> to vector<16xf32>
      %get3A_497 = arith.index_cast %scan3A_18 : i32 to index
      %get3A_498 = arith.constant 544 : index
      %get3A_499 = tpu.vector_load %arg7[%get3A_497, %get3A_498] {strides = array<i32>} : memref<64x768xf32, #tpu.memory_space<vmem>>, vector<1x16xf32>,
      %get3A_500 = vector.shape_cast %get3A_499 : vector<1x16xf32> to vector<16xf32>
      %add3A_501 = arith.addf %get3A_496, %get3A_500 : vector<16xf32>
      %swap3A_502 = arith.index_cast %scan3A_18 : i32 to index
      %swap3A_503 = arith.constant 544 : index
      %swap3A_504 = tpu.vector_load %arg6[%swap3A_502, %swap3A_503] {strides = array<i32>} : memref<64x768xf32, #tpu.memory_space<vmem>>, vector<1x16xf32>,
      %swap3A_505 = vector.shape_cast %swap3A_504 : vector<1x16xf32> to vector<16xf32>
      %swap3A_506 = vector.shape_cast %add3A_501 : vector<16xf32> to vector<1x16xf32>
      tpu.vector_store %arg6[%swap3A_502, %swap3A_503], %swap3A_506 {strides = array<i32>} : memref<64x768xf32, #tpu.memory_space<vmem>>, vector<1x16xf32>,
      %get3A_507 = arith.index_cast %scan3A_18 : i32 to index
      %get3A_508 = arith.constant 560 : index
      %get3A_509 = tpu.vector_load %arg6[%get3A_507, %get3A_508] {strides = array<i32>} : memref<64x768xf32, #tpu.memory_space<vmem>>, vector<1x16xf32>,
      %get3A_510 = vector.shape_cast %get3A_509 : vector<1x16xf32> to vector<16xf32>
      %get3A_511 = arith.index_cast %scan3A_18 : i32 to index
      %get3A_512 = arith.constant 560 : index
      %get3A_513 = tpu.vector_load %arg7[%get3A_511, %get3A_512] {strides = array<i32>} : memref<64x768xf32, #tpu.memory_space<vmem>>, vector<1x16xf32>,
      %get3A_514 = vector.shape_cast %get3A_513 : vector<1x16xf32> to vector<16xf32>
      %add3A_515 = arith.addf %get3A_510, %get3A_514 : vector<16xf32>
      %swap3A_516 = arith.index_cast %scan3A_18 : i32 to index
      %swap3A_517 = arith.constant 560 : index
      %swap3A_518 = tpu.vector_load %arg6[%swap3A_516, %swap3A_517] {strides = array<i32>} : memref<64x768xf32, #tpu.memory_space<vmem>>, vector<1x16xf32>,
      %swap3A_519 = vector.shape_cast %swap3A_518 : vector<1x16xf32> to vector<16xf32>
      %swap3A_520 = vector.shape_cast %add3A_515 : vector<16xf32> to vector<1x16xf32>
      tpu.vector_store %arg6[%swap3A_516, %swap3A_517], %swap3A_520 {strides = array<i32>} : memref<64x768xf32, #tpu.memory_space<vmem>>, vector<1x16xf32>,
      %get3A_521 = arith.index_cast %scan3A_18 : i32 to index
      %get3A_522 = arith.constant 576 : index
      %get3A_523 = tpu.vector_load %arg6[%get3A_521, %get3A_522] {strides = array<i32>} : memref<64x768xf32, #tpu.memory_space<vmem>>, vector<1x16xf32>,
      %get3A_524 = vector.shape_cast %get3A_523 : vector<1x16xf32> to vector<16xf32>
      %get3A_525 = arith.index_cast %scan3A_18 : i32 to index
      %get3A_526 = arith.constant 576 : index
      %get3A_527 = tpu.vector_load %arg7[%get3A_525, %get3A_526] {strides = array<i32>} : memref<64x768xf32, #tpu.memory_space<vmem>>, vector<1x16xf32>,
      %get3A_528 = vector.shape_cast %get3A_527 : vector<1x16xf32> to vector<16xf32>
      %add3A_529 = arith.addf %get3A_524, %get3A_528 : vector<16xf32>
      %swap3A_530 = arith.index_cast %scan3A_18 : i32 to index
      %swap3A_531 = arith.constant 576 : index
      %swap3A_532 = tpu.vector_load %arg6[%swap3A_530, %swap3A_531] {strides = array<i32>} : memref<64x768xf32, #tpu.memory_space<vmem>>, vector<1x16xf32>,
      %swap3A_533 = vector.shape_cast %swap3A_532 : vector<1x16xf32> to vector<16xf32>
      %swap3A_534 = vector.shape_cast %add3A_529 : vector<16xf32> to vector<1x16xf32>
      tpu.vector_store %arg6[%swap3A_530, %swap3A_531], %swap3A_534 {strides = array<i32>} : memref<64x768xf32, #tpu.memory_space<vmem>>, vector<1x16xf32>,
      %get3A_535 = arith.index_cast %scan3A_18 : i32 to index
      %get3A_536 = arith.constant 592 : index
      %get3A_537 = tpu.vector_load %arg6[%get3A_535, %get3A_536] {strides = array<i32>} : memref<64x768xf32, #tpu.memory_space<vmem>>, vector<1x16xf32>,
      %get3A_538 = vector.shape_cast %get3A_537 : vector<1x16xf32> to vector<16xf32>
      %get3A_539 = arith.index_cast %scan3A_18 : i32 to index
      %get3A_540 = arith.constant 592 : index
      %get3A_541 = tpu.vector_load %arg7[%get3A_539, %get3A_540] {strides = array<i32>} : memref<64x768xf32, #tpu.memory_space<vmem>>, vector<1x16xf32>,
      %get3A_542 = vector.shape_cast %get3A_541 : vector<1x16xf32> to vector<16xf32>
      %add3A_543 = arith.addf %get3A_538, %get3A_542 : vector<16xf32>
      %swap3A_544 = arith.index_cast %scan3A_18 : i32 to index
      %swap3A_545 = arith.constant 592 : index
      %swap3A_546 = tpu.vector_load %arg6[%swap3A_544, %swap3A_545] {strides = array<i32>} : memref<64x768xf32, #tpu.memory_space<vmem>>, vector<1x16xf32>,
      %swap3A_547 = vector.shape_cast %swap3A_546 : vector<1x16xf32> to vector<16xf32>
      %swap3A_548 = vector.shape_cast %add3A_543 : vector<16xf32> to vector<1x16xf32>
      tpu.vector_store %arg6[%swap3A_544, %swap3A_545], %swap3A_548 {strides = array<i32>} : memref<64x768xf32, #tpu.memory_space<vmem>>, vector<1x16xf32>,
      %get3A_549 = arith.index_cast %scan3A_18 : i32 to index
      %get3A_550 = arith.constant 608 : index
      %get3A_551 = tpu.vector_load %arg6[%get3A_549, %get3A_550] {strides = array<i32>} : memref<64x768xf32, #tpu.memory_space<vmem>>, vector<1x16xf32>,
      %get3A_552 = vector.shape_cast %get3A_551 : vector<1x16xf32> to vector<16xf32>
      %get3A_553 = arith.index_cast %scan3A_18 : i32 to index
      %get3A_554 = arith.constant 608 : index
      %get3A_555 = tpu.vector_load %arg7[%get3A_553, %get3A_554] {strides = array<i32>} : memref<64x768xf32, #tpu.memory_space<vmem>>, vector<1x16xf32>,
      %get3A_556 = vector.shape_cast %get3A_555 : vector<1x16xf32> to vector<16xf32>
      %add3A_557 = arith.addf %get3A_552, %get3A_556 : vector<16xf32>
      %swap3A_558 = arith.index_cast %scan3A_18 : i32 to index
      %swap3A_559 = arith.constant 608 : index
      %swap3A_560 = tpu.vector_load %arg6[%swap3A_558, %swap3A_559] {strides = array<i32>} : memref<64x768xf32, #tpu.memory_space<vmem>>, vector<1x16xf32>,
      %swap3A_561 = vector.shape_cast %swap3A_560 : vector<1x16xf32> to vector<16xf32>
      %swap3A_562 = vector.shape_cast %add3A_557 : vector<16xf32> to vector<1x16xf32>
      tpu.vector_store %arg6[%swap3A_558, %swap3A_559], %swap3A_562 {strides = array<i32>} : memref<64x768xf32, #tpu.memory_space<vmem>>, vector<1x16xf32>,
      %get3A_563 = arith.index_cast %scan3A_18 : i32 to index
      %get3A_564 = arith.constant 624 : index
      %get3A_565 = tpu.vector_load %arg6[%get3A_563, %get3A_564] {strides = array<i32>} : memref<64x768xf32, #tpu.memory_space<vmem>>, vector<1x16xf32>,
      %get3A_566 = vector.shape_cast %get3A_565 : vector<1x16xf32> to vector<16xf32>
      %get3A_567 = arith.index_cast %scan3A_18 : i32 to index
      %get3A_568 = arith.constant 624 : index
      %get3A_569 = tpu.vector_load %arg7[%get3A_567, %get3A_568] {strides = array<i32>} : memref<64x768xf32, #tpu.memory_space<vmem>>, vector<1x16xf32>,
      %get3A_570 = vector.shape_cast %get3A_569 : vector<1x16xf32> to vector<16xf32>
      %add3A_571 = arith.addf %get3A_566, %get3A_570 : vector<16xf32>
      %swap3A_572 = arith.index_cast %scan3A_18 : i32 to index
      %swap3A_573 = arith.constant 624 : index
      %swap3A_574 = tpu.vector_load %arg6[%swap3A_572, %swap3A_573] {strides = array<i32>} : memref<64x768xf32, #tpu.memory_space<vmem>>, vector<1x16xf32>,
      %swap3A_575 = vector.shape_cast %swap3A_574 : vector<1x16xf32> to vector<16xf32>
      %swap3A_576 = vector.shape_cast %add3A_571 : vector<16xf32> to vector<1x16xf32>
      tpu.vector_store %arg6[%swap3A_572, %swap3A_573], %swap3A_576 {strides = array<i32>} : memref<64x768xf32, #tpu.memory_space<vmem>>, vector<1x16xf32>,
      %get3A_577 = arith.index_cast %scan3A_18 : i32 to index
      %get3A_578 = arith.constant 640 : index
      %get3A_579 = tpu.vector_load %arg6[%get3A_577, %get3A_578] {strides = array<i32>} : memref<64x768xf32, #tpu.memory_space<vmem>>, vector<1x16xf32>,
      %get3A_580 = vector.shape_cast %get3A_579 : vector<1x16xf32> to vector<16xf32>
      %get3A_581 = arith.index_cast %scan3A_18 : i32 to index
      %get3A_582 = arith.constant 640 : index
      %get3A_583 = tpu.vector_load %arg7[%get3A_581, %get3A_582] {strides = array<i32>} : memref<64x768xf32, #tpu.memory_space<vmem>>, vector<1x16xf32>,
      %get3A_584 = vector.shape_cast %get3A_583 : vector<1x16xf32> to vector<16xf32>
      %add3A_585 = arith.addf %get3A_580, %get3A_584 : vector<16xf32>
      %swap3A_586 = arith.index_cast %scan3A_18 : i32 to index
      %swap3A_587 = arith.constant 640 : index
      %swap3A_588 = tpu.vector_load %arg6[%swap3A_586, %swap3A_587] {strides = array<i32>} : memref<64x768xf32, #tpu.memory_space<vmem>>, vector<1x16xf32>,
      %swap3A_589 = vector.shape_cast %swap3A_588 : vector<1x16xf32> to vector<16xf32>
      %swap3A_590 = vector.shape_cast %add3A_585 : vector<16xf32> to vector<1x16xf32>
      tpu.vector_store %arg6[%swap3A_586, %swap3A_587], %swap3A_590 {strides = array<i32>} : memref<64x768xf32, #tpu.memory_space<vmem>>, vector<1x16xf32>,
      %get3A_591 = arith.index_cast %scan3A_18 : i32 to index
      %get3A_592 = arith.constant 656 : index
      %get3A_593 = tpu.vector_load %arg6[%get3A_591, %get3A_592] {strides = array<i32>} : memref<64x768xf32, #tpu.memory_space<vmem>>, vector<1x16xf32>,
      %get3A_594 = vector.shape_cast %get3A_593 : vector<1x16xf32> to vector<16xf32>
      %get3A_595 = arith.index_cast %scan3A_18 : i32 to index
      %get3A_596 = arith.constant 656 : index
      %get3A_597 = tpu.vector_load %arg7[%get3A_595, %get3A_596] {strides = array<i32>} : memref<64x768xf32, #tpu.memory_space<vmem>>, vector<1x16xf32>,
      %get3A_598 = vector.shape_cast %get3A_597 : vector<1x16xf32> to vector<16xf32>
      %add3A_599 = arith.addf %get3A_594, %get3A_598 : vector<16xf32>
      %swap3A_600 = arith.index_cast %scan3A_18 : i32 to index
      %swap3A_601 = arith.constant 656 : index
      %swap3A_602 = tpu.vector_load %arg6[%swap3A_600, %swap3A_601] {strides = array<i32>} : memref<64x768xf32, #tpu.memory_space<vmem>>, vector<1x16xf32>,
      %swap3A_603 = vector.shape_cast %swap3A_602 : vector<1x16xf32> to vector<16xf32>
      %swap3A_604 = vector.shape_cast %add3A_599 : vector<16xf32> to vector<1x16xf32>
      tpu.vector_store %arg6[%swap3A_600, %swap3A_601], %swap3A_604 {strides = array<i32>} : memref<64x768xf32, #tpu.memory_space<vmem>>, vector<1x16xf32>,
      %get3A_605 = arith.index_cast %scan3A_18 : i32 to index
      %get3A_606 = arith.constant 672 : index
      %get3A_607 = tpu.vector_load %arg6[%get3A_605, %get3A_606] {strides = array<i32>} : memref<64x768xf32, #tpu.memory_space<vmem>>, vector<1x16xf32>,
      %get3A_608 = vector.shape_cast %get3A_607 : vector<1x16xf32> to vector<16xf32>
      %get3A_609 = arith.index_cast %scan3A_18 : i32 to index
      %get3A_610 = arith.constant 672 : index
      %get3A_611 = tpu.vector_load %arg7[%get3A_609, %get3A_610] {strides = array<i32>} : memref<64x768xf32, #tpu.memory_space<vmem>>, vector<1x16xf32>,
      %get3A_612 = vector.shape_cast %get3A_611 : vector<1x16xf32> to vector<16xf32>
      %add3A_613 = arith.addf %get3A_608, %get3A_612 : vector<16xf32>
      %swap3A_614 = arith.index_cast %scan3A_18 : i32 to index
      %swap3A_615 = arith.constant 672 : index
      %swap3A_616 = tpu.vector_load %arg6[%swap3A_614, %swap3A_615] {strides = array<i32>} : memref<64x768xf32, #tpu.memory_space<vmem>>, vector<1x16xf32>,
      %swap3A_617 = vector.shape_cast %swap3A_616 : vector<1x16xf32> to vector<16xf32>
      %swap3A_618 = vector.shape_cast %add3A_613 : vector<16xf32> to vector<1x16xf32>
      tpu.vector_store %arg6[%swap3A_614, %swap3A_615], %swap3A_618 {strides = array<i32>} : memref<64x768xf32, #tpu.memory_space<vmem>>, vector<1x16xf32>,
      %get3A_619 = arith.index_cast %scan3A_18 : i32 to index
      %get3A_620 = arith.constant 688 : index
      %get3A_621 = tpu.vector_load %arg6[%get3A_619, %get3A_620] {strides = array<i32>} : memref<64x768xf32, #tpu.memory_space<vmem>>, vector<1x16xf32>,
      %get3A_622 = vector.shape_cast %get3A_621 : vector<1x16xf32> to vector<16xf32>
      %get3A_623 = arith.index_cast %scan3A_18 : i32 to index
      %get3A_624 = arith.constant 688 : index
      %get3A_625 = tpu.vector_load %arg7[%get3A_623, %get3A_624] {strides = array<i32>} : memref<64x768xf32, #tpu.memory_space<vmem>>, vector<1x16xf32>,
      %get3A_626 = vector.shape_cast %get3A_625 : vector<1x16xf32> to vector<16xf32>
      %add3A_627 = arith.addf %get3A_622, %get3A_626 : vector<16xf32>
      %swap3A_628 = arith.index_cast %scan3A_18 : i32 to index
      %swap3A_629 = arith.constant 688 : index
      %swap3A_630 = tpu.vector_load %arg6[%swap3A_628, %swap3A_629] {strides = array<i32>} : memref<64x768xf32, #tpu.memory_space<vmem>>, vector<1x16xf32>,
      %swap3A_631 = vector.shape_cast %swap3A_630 : vector<1x16xf32> to vector<16xf32>
      %swap3A_632 = vector.shape_cast %add3A_627 : vector<16xf32> to vector<1x16xf32>
      tpu.vector_store %arg6[%swap3A_628, %swap3A_629], %swap3A_632 {strides = array<i32>} : memref<64x768xf32, #tpu.memory_space<vmem>>, vector<1x16xf32>,
      %get3A_633 = arith.index_cast %scan3A_18 : i32 to index
      %get3A_634 = arith.constant 704 : index
      %get3A_635 = tpu.vector_load %arg6[%get3A_633, %get3A_634] {strides = array<i32>} : memref<64x768xf32, #tpu.memory_space<vmem>>, vector<1x16xf32>,
      %get3A_636 = vector.shape_cast %get3A_635 : vector<1x16xf32> to vector<16xf32>
      %get3A_637 = arith.index_cast %scan3A_18 : i32 to index
      %get3A_638 = arith.constant 704 : index
      %get3A_639 = tpu.vector_load %arg7[%get3A_637, %get3A_638] {strides = array<i32>} : memref<64x768xf32, #tpu.memory_space<vmem>>, vector<1x16xf32>,
      %get3A_640 = vector.shape_cast %get3A_639 : vector<1x16xf32> to vector<16xf32>
      %add3A_641 = arith.addf %get3A_636, %get3A_640 : vector<16xf32>
      %swap3A_642 = arith.index_cast %scan3A_18 : i32 to index
      %swap3A_643 = arith.constant 704 : index
      %swap3A_644 = tpu.vector_load %arg6[%swap3A_642, %swap3A_643] {strides = array<i32>} : memref<64x768xf32, #tpu.memory_space<vmem>>, vector<1x16xf32>,
      %swap3A_645 = vector.shape_cast %swap3A_644 : vector<1x16xf32> to vector<16xf32>
      %swap3A_646 = vector.shape_cast %add3A_641 : vector<16xf32> to vector<1x16xf32>
      tpu.vector_store %arg6[%swap3A_642, %swap3A_643], %swap3A_646 {strides = array<i32>} : memref<64x768xf32, #tpu.memory_space<vmem>>, vector<1x16xf32>,
      %get3A_647 = arith.index_cast %scan3A_18 : i32 to index
      %get3A_648 = arith.constant 720 : index
      %get3A_649 = tpu.vector_load %arg6[%get3A_647, %get3A_648] {strides = array<i32>} : memref<64x768xf32, #tpu.memory_space<vmem>>, vector<1x16xf32>,
      %get3A_650 = vector.shape_cast %get3A_649 : vector<1x16xf32> to vector<16xf32>
      %get3A_651 = arith.index_cast %scan3A_18 : i32 to index
      %get3A_652 = arith.constant 720 : index
      %get3A_653 = tpu.vector_load %arg7[%get3A_651, %get3A_652] {strides = array<i32>} : memref<64x768xf32, #tpu.memory_space<vmem>>, vector<1x16xf32>,
      %get3A_654 = vector.shape_cast %get3A_653 : vector<1x16xf32> to vector<16xf32>
      %add3A_655 = arith.addf %get3A_650, %get3A_654 : vector<16xf32>
      %swap3A_656 = arith.index_cast %scan3A_18 : i32 to index
      %swap3A_657 = arith.constant 720 : index
      %swap3A_658 = tpu.vector_load %arg6[%swap3A_656, %swap3A_657] {strides = array<i32>} : memref<64x768xf32, #tpu.memory_space<vmem>>, vector<1x16xf32>,
      %swap3A_659 = vector.shape_cast %swap3A_658 : vector<1x16xf32> to vector<16xf32>
      %swap3A_660 = vector.shape_cast %add3A_655 : vector<16xf32> to vector<1x16xf32>
      tpu.vector_store %arg6[%swap3A_656, %swap3A_657], %swap3A_660 {strides = array<i32>} : memref<64x768xf32, #tpu.memory_space<vmem>>, vector<1x16xf32>,
      %get3A_661 = arith.index_cast %scan3A_18 : i32 to index
      %get3A_662 = arith.constant 736 : index
      %get3A_663 = tpu.vector_load %arg6[%get3A_661, %get3A_662] {strides = array<i32>} : memref<64x768xf32, #tpu.memory_space<vmem>>, vector<1x16xf32>,
      %get3A_664 = vector.shape_cast %get3A_663 : vector<1x16xf32> to vector<16xf32>
      %get3A_665 = arith.index_cast %scan3A_18 : i32 to index
      %get3A_666 = arith.constant 736 : index
      %get3A_667 = tpu.vector_load %arg7[%get3A_665, %get3A_666] {strides = array<i32>} : memref<64x768xf32, #tpu.memory_space<vmem>>, vector<1x16xf32>,
      %get3A_668 = vector.shape_cast %get3A_667 : vector<1x16xf32> to vector<16xf32>
      %add3A_669 = arith.addf %get3A_664, %get3A_668 : vector<16xf32>
      %swap3A_670 = arith.index_cast %scan3A_18 : i32 to index
      %swap3A_671 = arith.constant 736 : index
      %swap3A_672 = tpu.vector_load %arg6[%swap3A_670, %swap3A_671] {strides = array<i32>} : memref<64x768xf32, #tpu.memory_space<vmem>>, vector<1x16xf32>,
      %swap3A_673 = vector.shape_cast %swap3A_672 : vector<1x16xf32> to vector<16xf32>
      %swap3A_674 = vector.shape_cast %add3A_669 : vector<16xf32> to vector<1x16xf32>
      tpu.vector_store %arg6[%swap3A_670, %swap3A_671], %swap3A_674 {strides = array<i32>} : memref<64x768xf32, #tpu.memory_space<vmem>>, vector<1x16xf32>,
      %get3A_675 = arith.index_cast %scan3A_18 : i32 to index
      %get3A_676 = arith.constant 752 : index
      %get3A_677 = tpu.vector_load %arg6[%get3A_675, %get3A_676] {strides = array<i32>} : memref<64x768xf32, #tpu.memory_space<vmem>>, vector<1x16xf32>,
      %get3A_678 = vector.shape_cast %get3A_677 : vector<1x16xf32> to vector<16xf32>
      %get3A_679 = arith.index_cast %scan3A_18 : i32 to index
      %get3A_680 = arith.constant 752 : index
      %get3A_681 = tpu.vector_load %arg7[%get3A_679, %get3A_680] {strides = array<i32>} : memref<64x768xf32, #tpu.memory_space<vmem>>, vector<1x16xf32>,
      %get3A_682 = vector.shape_cast %get3A_681 : vector<1x16xf32> to vector<16xf32>
      %add3A_683 = arith.addf %get3A_678, %get3A_682 : vector<16xf32>
      %swap3A_684 = arith.index_cast %scan3A_18 : i32 to index
      %swap3A_685 = arith.constant 752 : index
      %swap3A_686 = tpu.vector_load %arg6[%swap3A_684, %swap3A_685] {strides = array<i32>} : memref<64x768xf32, #tpu.memory_space<vmem>>, vector<1x16xf32>,
      %swap3A_687 = vector.shape_cast %swap3A_686 : vector<1x16xf32> to vector<16xf32>
      %swap3A_688 = vector.shape_cast %add3A_683 : vector<16xf32> to vector<1x16xf32>
      tpu.vector_store %arg6[%swap3A_684, %swap3A_685], %swap3A_688 {strides = array<i32>} : memref<64x768xf32, #tpu.memory_space<vmem>>, vector<1x16xf32>,
    }
    %scan3A_17 = arith.constant 64 : i32
    "tpu.region"() ({
      %run_scoped3A = tpu.sem_alloc : memref<!tpu.dma_semaphore, #tpu.memory_space<semaphore_mem>>
      %dma_start3A_18 = arith.constant 0 : i32
      %dma_start3A_19 = tpu.memref_slice %arg5[%mul3A_2, %dma_start3A_18] : memref<2048x768xf32, #tpu.memory_space<hbm>> -> memref<64x768xf32, #tpu.memory_space<hbm>>
      %dma_start3A_20 = arith.constant 0 : i32
      %dma_start3A_21 = tpu.memref_slice %arg5[%mul3A_2, %dma_start3A_20] : memref<2048x768xf32, #tpu.memory_space<hbm>> -> memref<64x768xf32, #tpu.memory_space<hbm>>
      tpu.enqueue_dma source(%arg6 : memref<64x768xf32, #tpu.memory_space<vmem>>) target(%dma_start3A_21 : memref<64x768xf32, #tpu.memory_space<hbm>>) target_semaphore(%run_scoped3A : memref<!tpu.dma_semaphore, #tpu.memory_space<semaphore_mem>>)
      %dma_wait3A_22 = arith.constant 0 : i32
      %dma_wait3A_23 = tpu.memref_slice %arg5[%mul3A_2, %dma_wait3A_22] : memref<2048x768xf32, #tpu.memory_space<hbm>> -> memref<64x768xf32, #tpu.memory_space<hbm>>
      %dma_wait3A_24 = arith.constant 0 : i32
      %dma_wait3A_25 = tpu.memref_slice %arg5[%mul3A_2, %dma_wait3A_24] : memref<2048x768xf32, #tpu.memory_space<hbm>> -> memref<64x768xf32, #tpu.memory_space<hbm>>
      tpu.wait_dma2 semaphore(%run_scoped3A : memref<!tpu.dma_semaphore, #tpu.memory_space<semaphore_mem>>) src(%arg6 : memref<64x768xf32, #tpu.memory_space<vmem>>) dst(%dma_wait3A_25 : memref<64x768xf32, #tpu.memory_space<hbm>>)
      tpu.yield
    }) : () -> ()
    return
  }
}

module attributes {stable_mosaic.version = 14 : i64} {
  func.func @_mlp_body(%arg0: i32, %arg1: memref<4x23xi32, #tpu.memory_space<smem>>, %arg2: memref<256x768xf32, #tpu.memory_space<vmem>>, %arg3: memref<8x6144x768xf32, #tpu.memory_space<any>>, %arg4: memref<1x1x6144xf32, #tpu.memory_space<vmem>>, %arg5: memref<8x768x3072xf32, #tpu.memory_space<any>>, %arg6: memref<1x1x768xf32, #tpu.memory_space<vmem>>, %arg7: memref<256x128xf32, #tpu.memory_space<vmem>>, %arg8: memref<256x768xf32, #tpu.memory_space<vmem>>, %arg9: memref<2x6144x768xf32, #tpu.memory_space<vmem>>, %arg10: memref<2x768x3072xf32, #tpu.memory_space<vmem>>, %arg11: memref<2x!tpu.dma_semaphore, #tpu.memory_space<semaphore_mem>>, %arg12: memref<2x!tpu.dma_semaphore, #tpu.memory_space<semaphore_mem>>) attributes {dimension_semantics = [#tpu.dimension_semantics<arbitrary>], iteration_bounds = array<i64: 23>, scalar_prefetch = 1 : i64, scratch_operands = 4 : i64, tpu.core_type = #tpu.core_type<tc>, window_params = [{transform_indices = @transform_0, window_bounds = array<i64: 256, 768>}, {}, {transform_indices = @transform_2, window_bounds = array<i64: 1, 1, 6144>}, {}, {transform_indices = @transform_4, window_bounds = array<i64: 1, 1, 768>}, {transform_indices = @transform_5, window_bounds = array<i64: 256, 128>}, {transform_indices = @transform_6, window_bounds = array<i64: 256, 768>}]} {
    %get3A = arith.constant 0 : index
    %get3A_0 = arith.index_cast %arg0 : i32 to index
    %get3A_1 = memref.load %arg1[%get3A, %get3A_0] : memref<4x23xi32, #tpu.memory_space<smem>>
    %get3A_2 = arith.constant 1 : index
    %get3A_3 = arith.index_cast %arg0 : i32 to index
    %get3A_4 = memref.load %arg1[%get3A_2, %get3A_3] : memref<4x23xi32, #tpu.memory_space<smem>>
    %get3A_5 = arith.constant 2 : index
    %get3A_6 = arith.index_cast %arg0 : i32 to index
    %get3A_7 = memref.load %arg1[%get3A_5, %get3A_6] : memref<4x23xi32, #tpu.memory_space<smem>>
    %get3A_8 = arith.constant 3 : index
    %get3A_9 = arith.index_cast %arg0 : i32 to index
    %get3A_10 = memref.load %arg1[%get3A_8, %get3A_9] : memref<4x23xi32, #tpu.memory_space<smem>>
    %eq3A = arith.constant 0 : i32
    %eq3A_11 = arith.cmpi eq, %arg0, %eq3A : i32
    %convert_element_type3A = arith.extui %eq3A_11 : i1 to i32
    %cond3A = arith.constant 0 : i32
    %cond3A_12 = arith.cmpi ne, %convert_element_type3A, %cond3A : i32
    scf.if %cond3A_12 {
      %dma_start3A = tpu.memref_slice %arg11[%get3A_7] : memref<2x!tpu.dma_semaphore, #tpu.memory_space<semaphore_mem>> -> memref<1x!tpu.dma_semaphore, #tpu.memory_space<semaphore_mem>>
      %dma_start3A_71 = tpu.memref_squeeze %dma_start3A : memref<1x!tpu.dma_semaphore, #tpu.memory_space<semaphore_mem>> -> memref<!tpu.dma_semaphore, #tpu.memory_space<semaphore_mem>>
      %dma_start3A_72 = arith.constant 0 : i32
      %dma_start3A_73 = arith.constant 0 : i32
      %dma_start3A_74 = tpu.memref_slice %arg9[%get3A_7, %dma_start3A_72, %dma_start3A_73] : memref<2x6144x768xf32, #tpu.memory_space<vmem>> -> memref<1x768x768xf32, #tpu.memory_space<vmem>>
      %dma_start3A_75 = tpu.memref_squeeze %dma_start3A_74 : memref<1x768x768xf32, #tpu.memory_space<vmem>> -> memref<768x768xf32, #tpu.memory_space<vmem>>
      %dma_start3A_76 = arith.constant 0 : i32
      %dma_start3A_77 = arith.constant 0 : i32
      %dma_start3A_78 = tpu.memref_slice %arg3[%get3A_1, %dma_start3A_76, %dma_start3A_77] : memref<8x6144x768xf32, #tpu.memory_space<any>> -> memref<1x768x768xf32, #tpu.memory_space<any>>
      %dma_start3A_79 = tpu.memref_squeeze %dma_start3A_78 : memref<1x768x768xf32, #tpu.memory_space<any>> -> memref<768x768xf32, #tpu.memory_space<any>>
      tpu.enqueue_dma source(%dma_start3A_79 : memref<768x768xf32, #tpu.memory_space<any>>) target(%dma_start3A_75 : memref<768x768xf32, #tpu.memory_space<vmem>>) target_semaphore(%dma_start3A_71 : memref<!tpu.dma_semaphore, #tpu.memory_space<semaphore_mem>>)
      %dma_start3A_80 = tpu.memref_slice %arg11[%get3A_7] : memref<2x!tpu.dma_semaphore, #tpu.memory_space<semaphore_mem>> -> memref<1x!tpu.dma_semaphore, #tpu.memory_space<semaphore_mem>>
      %dma_start3A_81 = tpu.memref_squeeze %dma_start3A_80 : memref<1x!tpu.dma_semaphore, #tpu.memory_space<semaphore_mem>> -> memref<!tpu.dma_semaphore, #tpu.memory_space<semaphore_mem>>
      %dma_start3A_82 = arith.constant 768 : i32
      %dma_start3A_83 = arith.constant 0 : i32
      %dma_start3A_84 = tpu.memref_slice %arg9[%get3A_7, %dma_start3A_82, %dma_start3A_83] : memref<2x6144x768xf32, #tpu.memory_space<vmem>> -> memref<1x768x768xf32, #tpu.memory_space<vmem>>
      %dma_start3A_85 = tpu.memref_squeeze %dma_start3A_84 : memref<1x768x768xf32, #tpu.memory_space<vmem>> -> memref<768x768xf32, #tpu.memory_space<vmem>>
      %dma_start3A_86 = arith.constant 768 : i32
      %dma_start3A_87 = arith.constant 0 : i32
      %dma_start3A_88 = tpu.memref_slice %arg3[%get3A_1, %dma_start3A_86, %dma_start3A_87] : memref<8x6144x768xf32, #tpu.memory_space<any>> -> memref<1x768x768xf32, #tpu.memory_space<any>>
      %dma_start3A_89 = tpu.memref_squeeze %dma_start3A_88 : memref<1x768x768xf32, #tpu.memory_space<any>> -> memref<768x768xf32, #tpu.memory_space<any>>
      tpu.enqueue_dma source(%dma_start3A_89 : memref<768x768xf32, #tpu.memory_space<any>>) target(%dma_start3A_85 : memref<768x768xf32, #tpu.memory_space<vmem>>) target_semaphore(%dma_start3A_81 : memref<!tpu.dma_semaphore, #tpu.memory_space<semaphore_mem>>)
      %dma_start3A_90 = tpu.memref_slice %arg11[%get3A_7] : memref<2x!tpu.dma_semaphore, #tpu.memory_space<semaphore_mem>> -> memref<1x!tpu.dma_semaphore, #tpu.memory_space<semaphore_mem>>
      %dma_start3A_91 = tpu.memref_squeeze %dma_start3A_90 : memref<1x!tpu.dma_semaphore, #tpu.memory_space<semaphore_mem>> -> memref<!tpu.dma_semaphore, #tpu.memory_space<semaphore_mem>>
      %dma_start3A_92 = arith.constant 1536 : i32
      %dma_start3A_93 = arith.constant 0 : i32
      %dma_start3A_94 = tpu.memref_slice %arg9[%get3A_7, %dma_start3A_92, %dma_start3A_93] : memref<2x6144x768xf32, #tpu.memory_space<vmem>> -> memref<1x768x768xf32, #tpu.memory_space<vmem>>
      %dma_start3A_95 = tpu.memref_squeeze %dma_start3A_94 : memref<1x768x768xf32, #tpu.memory_space<vmem>> -> memref<768x768xf32, #tpu.memory_space<vmem>>
      %dma_start3A_96 = arith.constant 1536 : i32
      %dma_start3A_97 = arith.constant 0 : i32
      %dma_start3A_98 = tpu.memref_slice %arg3[%get3A_1, %dma_start3A_96, %dma_start3A_97] : memref<8x6144x768xf32, #tpu.memory_space<any>> -> memref<1x768x768xf32, #tpu.memory_space<any>>
      %dma_start3A_99 = tpu.memref_squeeze %dma_start3A_98 : memref<1x768x768xf32, #tpu.memory_space<any>> -> memref<768x768xf32, #tpu.memory_space<any>>
      tpu.enqueue_dma source(%dma_start3A_99 : memref<768x768xf32, #tpu.memory_space<any>>) target(%dma_start3A_95 : memref<768x768xf32, #tpu.memory_space<vmem>>) target_semaphore(%dma_start3A_91 : memref<!tpu.dma_semaphore, #tpu.memory_space<semaphore_mem>>)
      %dma_start3A_100 = tpu.memref_slice %arg11[%get3A_7] : memref<2x!tpu.dma_semaphore, #tpu.memory_space<semaphore_mem>> -> memref<1x!tpu.dma_semaphore, #tpu.memory_space<semaphore_mem>>
      %dma_start3A_101 = tpu.memref_squeeze %dma_start3A_100 : memref<1x!tpu.dma_semaphore, #tpu.memory_space<semaphore_mem>> -> memref<!tpu.dma_semaphore, #tpu.memory_space<semaphore_mem>>
      %dma_start3A_102 = arith.constant 2304 : i32
      %dma_start3A_103 = arith.constant 0 : i32
      %dma_start3A_104 = tpu.memref_slice %arg9[%get3A_7, %dma_start3A_102, %dma_start3A_103] : memref<2x6144x768xf32, #tpu.memory_space<vmem>> -> memref<1x768x768xf32, #tpu.memory_space<vmem>>
      %dma_start3A_105 = tpu.memref_squeeze %dma_start3A_104 : memref<1x768x768xf32, #tpu.memory_space<vmem>> -> memref<768x768xf32, #tpu.memory_space<vmem>>
      %dma_start3A_106 = arith.constant 2304 : i32
      %dma_start3A_107 = arith.constant 0 : i32
      %dma_start3A_108 = tpu.memref_slice %arg3[%get3A_1, %dma_start3A_106, %dma_start3A_107] : memref<8x6144x768xf32, #tpu.memory_space<any>> -> memref<1x768x768xf32, #tpu.memory_space<any>>
      %dma_start3A_109 = tpu.memref_squeeze %dma_start3A_108 : memref<1x768x768xf32, #tpu.memory_space<any>> -> memref<768x768xf32, #tpu.memory_space<any>>
      tpu.enqueue_dma source(%dma_start3A_109 : memref<768x768xf32, #tpu.memory_space<any>>) target(%dma_start3A_105 : memref<768x768xf32, #tpu.memory_space<vmem>>) target_semaphore(%dma_start3A_101 : memref<!tpu.dma_semaphore, #tpu.memory_space<semaphore_mem>>)
      %dma_start3A_110 = tpu.memref_slice %arg11[%get3A_7] : memref<2x!tpu.dma_semaphore, #tpu.memory_space<semaphore_mem>> -> memref<1x!tpu.dma_semaphore, #tpu.memory_space<semaphore_mem>>
      %dma_start3A_111 = tpu.memref_squeeze %dma_start3A_110 : memref<1x!tpu.dma_semaphore, #tpu.memory_space<semaphore_mem>> -> memref<!tpu.dma_semaphore, #tpu.memory_space<semaphore_mem>>
      %dma_start3A_112 = arith.constant 3072 : i32
      %dma_start3A_113 = arith.constant 0 : i32
      %dma_start3A_114 = tpu.memref_slice %arg9[%get3A_7, %dma_start3A_112, %dma_start3A_113] : memref<2x6144x768xf32, #tpu.memory_space<vmem>> -> memref<1x768x768xf32, #tpu.memory_space<vmem>>
      %dma_start3A_115 = tpu.memref_squeeze %dma_start3A_114 : memref<1x768x768xf32, #tpu.memory_space<vmem>> -> memref<768x768xf32, #tpu.memory_space<vmem>>
      %dma_start3A_116 = arith.constant 3072 : i32
      %dma_start3A_117 = arith.constant 0 : i32
      %dma_start3A_118 = tpu.memref_slice %arg3[%get3A_1, %dma_start3A_116, %dma_start3A_117] : memref<8x6144x768xf32, #tpu.memory_space<any>> -> memref<1x768x768xf32, #tpu.memory_space<any>>
      %dma_start3A_119 = tpu.memref_squeeze %dma_start3A_118 : memref<1x768x768xf32, #tpu.memory_space<any>> -> memref<768x768xf32, #tpu.memory_space<any>>
      tpu.enqueue_dma source(%dma_start3A_119 : memref<768x768xf32, #tpu.memory_space<any>>) target(%dma_start3A_115 : memref<768x768xf32, #tpu.memory_space<vmem>>) target_semaphore(%dma_start3A_111 : memref<!tpu.dma_semaphore, #tpu.memory_space<semaphore_mem>>)
      %dma_start3A_120 = tpu.memref_slice %arg11[%get3A_7] : memref<2x!tpu.dma_semaphore, #tpu.memory_space<semaphore_mem>> -> memref<1x!tpu.dma_semaphore, #tpu.memory_space<semaphore_mem>>
      %dma_start3A_121 = tpu.memref_squeeze %dma_start3A_120 : memref<1x!tpu.dma_semaphore, #tpu.memory_space<semaphore_mem>> -> memref<!tpu.dma_semaphore, #tpu.memory_space<semaphore_mem>>
      %dma_start3A_122 = arith.constant 3840 : i32
      %dma_start3A_123 = arith.constant 0 : i32
      %dma_start3A_124 = tpu.memref_slice %arg9[%get3A_7, %dma_start3A_122, %dma_start3A_123] : memref<2x6144x768xf32, #tpu.memory_space<vmem>> -> memref<1x768x768xf32, #tpu.memory_space<vmem>>
      %dma_start3A_125 = tpu.memref_squeeze %dma_start3A_124 : memref<1x768x768xf32, #tpu.memory_space<vmem>> -> memref<768x768xf32, #tpu.memory_space<vmem>>
      %dma_start3A_126 = arith.constant 3840 : i32
      %dma_start3A_127 = arith.constant 0 : i32
      %dma_start3A_128 = tpu.memref_slice %arg3[%get3A_1, %dma_start3A_126, %dma_start3A_127] : memref<8x6144x768xf32, #tpu.memory_space<any>> -> memref<1x768x768xf32, #tpu.memory_space<any>>
      %dma_start3A_129 = tpu.memref_squeeze %dma_start3A_128 : memref<1x768x768xf32, #tpu.memory_space<any>> -> memref<768x768xf32, #tpu.memory_space<any>>
      tpu.enqueue_dma source(%dma_start3A_129 : memref<768x768xf32, #tpu.memory_space<any>>) target(%dma_start3A_125 : memref<768x768xf32, #tpu.memory_space<vmem>>) target_semaphore(%dma_start3A_121 : memref<!tpu.dma_semaphore, #tpu.memory_space<semaphore_mem>>)
      %dma_start3A_130 = tpu.memref_slice %arg11[%get3A_7] : memref<2x!tpu.dma_semaphore, #tpu.memory_space<semaphore_mem>> -> memref<1x!tpu.dma_semaphore, #tpu.memory_space<semaphore_mem>>
      %dma_start3A_131 = tpu.memref_squeeze %dma_start3A_130 : memref<1x!tpu.dma_semaphore, #tpu.memory_space<semaphore_mem>> -> memref<!tpu.dma_semaphore, #tpu.memory_space<semaphore_mem>>
      %dma_start3A_132 = arith.constant 4608 : i32
      %dma_start3A_133 = arith.constant 0 : i32
      %dma_start3A_134 = tpu.memref_slice %arg9[%get3A_7, %dma_start3A_132, %dma_start3A_133] : memref<2x6144x768xf32, #tpu.memory_space<vmem>> -> memref<1x768x768xf32, #tpu.memory_space<vmem>>
      %dma_start3A_135 = tpu.memref_squeeze %dma_start3A_134 : memref<1x768x768xf32, #tpu.memory_space<vmem>> -> memref<768x768xf32, #tpu.memory_space<vmem>>
      %dma_start3A_136 = arith.constant 4608 : i32
      %dma_start3A_137 = arith.constant 0 : i32
      %dma_start3A_138 = tpu.memref_slice %arg3[%get3A_1, %dma_start3A_136, %dma_start3A_137] : memref<8x6144x768xf32, #tpu.memory_space<any>> -> memref<1x768x768xf32, #tpu.memory_space<any>>
      %dma_start3A_139 = tpu.memref_squeeze %dma_start3A_138 : memref<1x768x768xf32, #tpu.memory_space<any>> -> memref<768x768xf32, #tpu.memory_space<any>>
      tpu.enqueue_dma source(%dma_start3A_139 : memref<768x768xf32, #tpu.memory_space<any>>) target(%dma_start3A_135 : memref<768x768xf32, #tpu.memory_space<vmem>>) target_semaphore(%dma_start3A_131 : memref<!tpu.dma_semaphore, #tpu.memory_space<semaphore_mem>>)
      %dma_start3A_140 = tpu.memref_slice %arg11[%get3A_7] : memref<2x!tpu.dma_semaphore, #tpu.memory_space<semaphore_mem>> -> memref<1x!tpu.dma_semaphore, #tpu.memory_space<semaphore_mem>>
      %dma_start3A_141 = tpu.memref_squeeze %dma_start3A_140 : memref<1x!tpu.dma_semaphore, #tpu.memory_space<semaphore_mem>> -> memref<!tpu.dma_semaphore, #tpu.memory_space<semaphore_mem>>
      %dma_start3A_142 = arith.constant 5376 : i32
      %dma_start3A_143 = arith.constant 0 : i32
      %dma_start3A_144 = tpu.memref_slice %arg9[%get3A_7, %dma_start3A_142, %dma_start3A_143] : memref<2x6144x768xf32, #tpu.memory_space<vmem>> -> memref<1x768x768xf32, #tpu.memory_space<vmem>>
      %dma_start3A_145 = tpu.memref_squeeze %dma_start3A_144 : memref<1x768x768xf32, #tpu.memory_space<vmem>> -> memref<768x768xf32, #tpu.memory_space<vmem>>
      %dma_start3A_146 = arith.constant 5376 : i32
      %dma_start3A_147 = arith.constant 0 : i32
      %dma_start3A_148 = tpu.memref_slice %arg3[%get3A_1, %dma_start3A_146, %dma_start3A_147] : memref<8x6144x768xf32, #tpu.memory_space<any>> -> memref<1x768x768xf32, #tpu.memory_space<any>>
      %dma_start3A_149 = tpu.memref_squeeze %dma_start3A_148 : memref<1x768x768xf32, #tpu.memory_space<any>> -> memref<768x768xf32, #tpu.memory_space<any>>
      tpu.enqueue_dma source(%dma_start3A_149 : memref<768x768xf32, #tpu.memory_space<any>>) target(%dma_start3A_145 : memref<768x768xf32, #tpu.memory_space<vmem>>) target_semaphore(%dma_start3A_141 : memref<!tpu.dma_semaphore, #tpu.memory_space<semaphore_mem>>)
      %dma_start3A_150 = tpu.memref_slice %arg12[%get3A_7] : memref<2x!tpu.dma_semaphore, #tpu.memory_space<semaphore_mem>> -> memref<1x!tpu.dma_semaphore, #tpu.memory_space<semaphore_mem>>
      %dma_start3A_151 = tpu.memref_squeeze %dma_start3A_150 : memref<1x!tpu.dma_semaphore, #tpu.memory_space<semaphore_mem>> -> memref<!tpu.dma_semaphore, #tpu.memory_space<semaphore_mem>>
      %dma_start3A_152 = arith.constant 0 : i32
      %dma_start3A_153 = arith.constant 0 : i32
      %dma_start3A_154 = tpu.memref_slice %arg10[%get3A_7, %dma_start3A_152, %dma_start3A_153] : memref<2x768x3072xf32, #tpu.memory_space<vmem>> -> memref<1x192x3072xf32, #tpu.memory_space<vmem>>
      %dma_start3A_155 = tpu.memref_squeeze %dma_start3A_154 : memref<1x192x3072xf32, #tpu.memory_space<vmem>> -> memref<192x3072xf32, #tpu.memory_space<vmem>>
      %dma_start3A_156 = arith.constant 0 : i32
      %dma_start3A_157 = arith.constant 0 : i32
      %dma_start3A_158 = tpu.memref_slice %arg5[%get3A_1, %dma_start3A_156, %dma_start3A_157] : memref<8x768x3072xf32, #tpu.memory_space<any>> -> memref<1x192x3072xf32, #tpu.memory_space<any>>
      %dma_start3A_159 = tpu.memref_squeeze %dma_start3A_158 : memref<1x192x3072xf32, #tpu.memory_space<any>> -> memref<192x3072xf32, #tpu.memory_space<any>>
      tpu.enqueue_dma source(%dma_start3A_159 : memref<192x3072xf32, #tpu.memory_space<any>>) target(%dma_start3A_155 : memref<192x3072xf32, #tpu.memory_space<vmem>>) target_semaphore(%dma_start3A_151 : memref<!tpu.dma_semaphore, #tpu.memory_space<semaphore_mem>>)
      %dma_start3A_160 = tpu.memref_slice %arg12[%get3A_7] : memref<2x!tpu.dma_semaphore, #tpu.memory_space<semaphore_mem>> -> memref<1x!tpu.dma_semaphore, #tpu.memory_space<semaphore_mem>>
      %dma_start3A_161 = tpu.memref_squeeze %dma_start3A_160 : memref<1x!tpu.dma_semaphore, #tpu.memory_space<semaphore_mem>> -> memref<!tpu.dma_semaphore, #tpu.memory_space<semaphore_mem>>
      %dma_start3A_162 = arith.constant 192 : i32
      %dma_start3A_163 = arith.constant 0 : i32
      %dma_start3A_164 = tpu.memref_slice %arg10[%get3A_7, %dma_start3A_162, %dma_start3A_163] : memref<2x768x3072xf32, #tpu.memory_space<vmem>> -> memref<1x192x3072xf32, #tpu.memory_space<vmem>>
      %dma_start3A_165 = tpu.memref_squeeze %dma_start3A_164 : memref<1x192x3072xf32, #tpu.memory_space<vmem>> -> memref<192x3072xf32, #tpu.memory_space<vmem>>
      %dma_start3A_166 = arith.constant 192 : i32
      %dma_start3A_167 = arith.constant 0 : i32
      %dma_start3A_168 = tpu.memref_slice %arg5[%get3A_1, %dma_start3A_166, %dma_start3A_167] : memref<8x768x3072xf32, #tpu.memory_space<any>> -> memref<1x192x3072xf32, #tpu.memory_space<any>>
      %dma_start3A_169 = tpu.memref_squeeze %dma_start3A_168 : memref<1x192x3072xf32, #tpu.memory_space<any>> -> memref<192x3072xf32, #tpu.memory_space<any>>
      tpu.enqueue_dma source(%dma_start3A_169 : memref<192x3072xf32, #tpu.memory_space<any>>) target(%dma_start3A_165 : memref<192x3072xf32, #tpu.memory_space<vmem>>) target_semaphore(%dma_start3A_161 : memref<!tpu.dma_semaphore, #tpu.memory_space<semaphore_mem>>)
      %dma_start3A_170 = tpu.memref_slice %arg12[%get3A_7] : memref<2x!tpu.dma_semaphore, #tpu.memory_space<semaphore_mem>> -> memref<1x!tpu.dma_semaphore, #tpu.memory_space<semaphore_mem>>
      %dma_start3A_171 = tpu.memref_squeeze %dma_start3A_170 : memref<1x!tpu.dma_semaphore, #tpu.memory_space<semaphore_mem>> -> memref<!tpu.dma_semaphore, #tpu.memory_space<semaphore_mem>>
      %dma_start3A_172 = arith.constant 384 : i32
      %dma_start3A_173 = arith.constant 0 : i32
      %dma_start3A_174 = tpu.memref_slice %arg10[%get3A_7, %dma_start3A_172, %dma_start3A_173] : memref<2x768x3072xf32, #tpu.memory_space<vmem>> -> memref<1x192x3072xf32, #tpu.memory_space<vmem>>
      %dma_start3A_175 = tpu.memref_squeeze %dma_start3A_174 : memref<1x192x3072xf32, #tpu.memory_space<vmem>> -> memref<192x3072xf32, #tpu.memory_space<vmem>>
      %dma_start3A_176 = arith.constant 384 : i32
      %dma_start3A_177 = arith.constant 0 : i32
      %dma_start3A_178 = tpu.memref_slice %arg5[%get3A_1, %dma_start3A_176, %dma_start3A_177] : memref<8x768x3072xf32, #tpu.memory_space<any>> -> memref<1x192x3072xf32, #tpu.memory_space<any>>
      %dma_start3A_179 = tpu.memref_squeeze %dma_start3A_178 : memref<1x192x3072xf32, #tpu.memory_space<any>> -> memref<192x3072xf32, #tpu.memory_space<any>>
      tpu.enqueue_dma source(%dma_start3A_179 : memref<192x3072xf32, #tpu.memory_space<any>>) target(%dma_start3A_175 : memref<192x3072xf32, #tpu.memory_space<vmem>>) target_semaphore(%dma_start3A_171 : memref<!tpu.dma_semaphore, #tpu.memory_space<semaphore_mem>>)
      %dma_start3A_180 = tpu.memref_slice %arg12[%get3A_7] : memref<2x!tpu.dma_semaphore, #tpu.memory_space<semaphore_mem>> -> memref<1x!tpu.dma_semaphore, #tpu.memory_space<semaphore_mem>>
      %dma_start3A_181 = tpu.memref_squeeze %dma_start3A_180 : memref<1x!tpu.dma_semaphore, #tpu.memory_space<semaphore_mem>> -> memref<!tpu.dma_semaphore, #tpu.memory_space<semaphore_mem>>
      %dma_start3A_182 = arith.constant 576 : i32
      %dma_start3A_183 = arith.constant 0 : i32
      %dma_start3A_184 = tpu.memref_slice %arg10[%get3A_7, %dma_start3A_182, %dma_start3A_183] : memref<2x768x3072xf32, #tpu.memory_space<vmem>> -> memref<1x192x3072xf32, #tpu.memory_space<vmem>>
      %dma_start3A_185 = tpu.memref_squeeze %dma_start3A_184 : memref<1x192x3072xf32, #tpu.memory_space<vmem>> -> memref<192x3072xf32, #tpu.memory_space<vmem>>
      %dma_start3A_186 = arith.constant 576 : i32
      %dma_start3A_187 = arith.constant 0 : i32
      %dma_start3A_188 = tpu.memref_slice %arg5[%get3A_1, %dma_start3A_186, %dma_start3A_187] : memref<8x768x3072xf32, #tpu.memory_space<any>> -> memref<1x192x3072xf32, #tpu.memory_space<any>>
      %dma_start3A_189 = tpu.memref_squeeze %dma_start3A_188 : memref<1x192x3072xf32, #tpu.memory_space<any>> -> memref<192x3072xf32, #tpu.memory_space<any>>
      tpu.enqueue_dma source(%dma_start3A_189 : memref<192x3072xf32, #tpu.memory_space<any>>) target(%dma_start3A_185 : memref<192x3072xf32, #tpu.memory_space<vmem>>) target_semaphore(%dma_start3A_181 : memref<!tpu.dma_semaphore, #tpu.memory_space<semaphore_mem>>)
    } else {
    }
    %eq3A_13 = arith.constant 1 : i32
    %eq3A_14 = arith.cmpi eq, %get3A_10, %eq3A_13 : i32
    %convert_element_type3A_15 = arith.extui %eq3A_14 : i1 to i32
    %cond3A_16 = arith.constant 0 : i32
    %cond3A_17 = arith.cmpi ne, %convert_element_type3A_15, %cond3A_16 : i32
    scf.if %cond3A_17 {
      %dma_wait3A = tpu.memref_slice %arg11[%get3A_7] : memref<2x!tpu.dma_semaphore, #tpu.memory_space<semaphore_mem>> -> memref<1x!tpu.dma_semaphore, #tpu.memory_space<semaphore_mem>>
      %dma_wait3A_71 = tpu.memref_squeeze %dma_wait3A : memref<1x!tpu.dma_semaphore, #tpu.memory_space<semaphore_mem>> -> memref<!tpu.dma_semaphore, #tpu.memory_space<semaphore_mem>>
      %dma_wait3A_72 = arith.constant 0 : i32
      %dma_wait3A_73 = arith.constant 0 : i32
      %dma_wait3A_74 = tpu.memref_slice %arg9[%get3A_7, %dma_wait3A_72, %dma_wait3A_73] : memref<2x6144x768xf32, #tpu.memory_space<vmem>> -> memref<1x768x768xf32, #tpu.memory_space<vmem>>
      %dma_wait3A_75 = tpu.memref_squeeze %dma_wait3A_74 : memref<1x768x768xf32, #tpu.memory_space<vmem>> -> memref<768x768xf32, #tpu.memory_space<vmem>>
      %dma_wait3A_76 = arith.constant 0 : i32
      %dma_wait3A_77 = arith.constant 0 : i32
      %dma_wait3A_78 = tpu.memref_slice %arg3[%get3A_1, %dma_wait3A_76, %dma_wait3A_77] : memref<8x6144x768xf32, #tpu.memory_space<any>> -> memref<1x768x768xf32, #tpu.memory_space<any>>
      %dma_wait3A_79 = tpu.memref_squeeze %dma_wait3A_78 : memref<1x768x768xf32, #tpu.memory_space<any>> -> memref<768x768xf32, #tpu.memory_space<any>>
      tpu.wait_dma2 semaphore(%dma_wait3A_71 : memref<!tpu.dma_semaphore, #tpu.memory_space<semaphore_mem>>) src(%dma_wait3A_79 : memref<768x768xf32, #tpu.memory_space<any>>) dst(%dma_wait3A_75 : memref<768x768xf32, #tpu.memory_space<vmem>>)
      %dma_wait3A_80 = tpu.memref_slice %arg11[%get3A_7] : memref<2x!tpu.dma_semaphore, #tpu.memory_space<semaphore_mem>> -> memref<1x!tpu.dma_semaphore, #tpu.memory_space<semaphore_mem>>
      %dma_wait3A_81 = tpu.memref_squeeze %dma_wait3A_80 : memref<1x!tpu.dma_semaphore, #tpu.memory_space<semaphore_mem>> -> memref<!tpu.dma_semaphore, #tpu.memory_space<semaphore_mem>>
      %dma_wait3A_82 = arith.constant 768 : i32
      %dma_wait3A_83 = arith.constant 0 : i32
      %dma_wait3A_84 = tpu.memref_slice %arg9[%get3A_7, %dma_wait3A_82, %dma_wait3A_83] : memref<2x6144x768xf32, #tpu.memory_space<vmem>> -> memref<1x768x768xf32, #tpu.memory_space<vmem>>
      %dma_wait3A_85 = tpu.memref_squeeze %dma_wait3A_84 : memref<1x768x768xf32, #tpu.memory_space<vmem>> -> memref<768x768xf32, #tpu.memory_space<vmem>>
      %dma_wait3A_86 = arith.constant 768 : i32
      %dma_wait3A_87 = arith.constant 0 : i32
      %dma_wait3A_88 = tpu.memref_slice %arg3[%get3A_1, %dma_wait3A_86, %dma_wait3A_87] : memref<8x6144x768xf32, #tpu.memory_space<any>> -> memref<1x768x768xf32, #tpu.memory_space<any>>
      %dma_wait3A_89 = tpu.memref_squeeze %dma_wait3A_88 : memref<1x768x768xf32, #tpu.memory_space<any>> -> memref<768x768xf32, #tpu.memory_space<any>>
      tpu.wait_dma2 semaphore(%dma_wait3A_81 : memref<!tpu.dma_semaphore, #tpu.memory_space<semaphore_mem>>) src(%dma_wait3A_89 : memref<768x768xf32, #tpu.memory_space<any>>) dst(%dma_wait3A_85 : memref<768x768xf32, #tpu.memory_space<vmem>>)
      %dma_wait3A_90 = tpu.memref_slice %arg11[%get3A_7] : memref<2x!tpu.dma_semaphore, #tpu.memory_space<semaphore_mem>> -> memref<1x!tpu.dma_semaphore, #tpu.memory_space<semaphore_mem>>
      %dma_wait3A_91 = tpu.memref_squeeze %dma_wait3A_90 : memref<1x!tpu.dma_semaphore, #tpu.memory_space<semaphore_mem>> -> memref<!tpu.dma_semaphore, #tpu.memory_space<semaphore_mem>>
      %dma_wait3A_92 = arith.constant 1536 : i32
      %dma_wait3A_93 = arith.constant 0 : i32
      %dma_wait3A_94 = tpu.memref_slice %arg9[%get3A_7, %dma_wait3A_92, %dma_wait3A_93] : memref<2x6144x768xf32, #tpu.memory_space<vmem>> -> memref<1x768x768xf32, #tpu.memory_space<vmem>>
      %dma_wait3A_95 = tpu.memref_squeeze %dma_wait3A_94 : memref<1x768x768xf32, #tpu.memory_space<vmem>> -> memref<768x768xf32, #tpu.memory_space<vmem>>
      %dma_wait3A_96 = arith.constant 1536 : i32
      %dma_wait3A_97 = arith.constant 0 : i32
      %dma_wait3A_98 = tpu.memref_slice %arg3[%get3A_1, %dma_wait3A_96, %dma_wait3A_97] : memref<8x6144x768xf32, #tpu.memory_space<any>> -> memref<1x768x768xf32, #tpu.memory_space<any>>
      %dma_wait3A_99 = tpu.memref_squeeze %dma_wait3A_98 : memref<1x768x768xf32, #tpu.memory_space<any>> -> memref<768x768xf32, #tpu.memory_space<any>>
      tpu.wait_dma2 semaphore(%dma_wait3A_91 : memref<!tpu.dma_semaphore, #tpu.memory_space<semaphore_mem>>) src(%dma_wait3A_99 : memref<768x768xf32, #tpu.memory_space<any>>) dst(%dma_wait3A_95 : memref<768x768xf32, #tpu.memory_space<vmem>>)
      %dma_wait3A_100 = tpu.memref_slice %arg11[%get3A_7] : memref<2x!tpu.dma_semaphore, #tpu.memory_space<semaphore_mem>> -> memref<1x!tpu.dma_semaphore, #tpu.memory_space<semaphore_mem>>
      %dma_wait3A_101 = tpu.memref_squeeze %dma_wait3A_100 : memref<1x!tpu.dma_semaphore, #tpu.memory_space<semaphore_mem>> -> memref<!tpu.dma_semaphore, #tpu.memory_space<semaphore_mem>>
      %dma_wait3A_102 = arith.constant 2304 : i32
      %dma_wait3A_103 = arith.constant 0 : i32
      %dma_wait3A_104 = tpu.memref_slice %arg9[%get3A_7, %dma_wait3A_102, %dma_wait3A_103] : memref<2x6144x768xf32, #tpu.memory_space<vmem>> -> memref<1x768x768xf32, #tpu.memory_space<vmem>>
      %dma_wait3A_105 = tpu.memref_squeeze %dma_wait3A_104 : memref<1x768x768xf32, #tpu.memory_space<vmem>> -> memref<768x768xf32, #tpu.memory_space<vmem>>
      %dma_wait3A_106 = arith.constant 2304 : i32
      %dma_wait3A_107 = arith.constant 0 : i32
      %dma_wait3A_108 = tpu.memref_slice %arg3[%get3A_1, %dma_wait3A_106, %dma_wait3A_107] : memref<8x6144x768xf32, #tpu.memory_space<any>> -> memref<1x768x768xf32, #tpu.memory_space<any>>
      %dma_wait3A_109 = tpu.memref_squeeze %dma_wait3A_108 : memref<1x768x768xf32, #tpu.memory_space<any>> -> memref<768x768xf32, #tpu.memory_space<any>>
      tpu.wait_dma2 semaphore(%dma_wait3A_101 : memref<!tpu.dma_semaphore, #tpu.memory_space<semaphore_mem>>) src(%dma_wait3A_109 : memref<768x768xf32, #tpu.memory_space<any>>) dst(%dma_wait3A_105 : memref<768x768xf32, #tpu.memory_space<vmem>>)
      %dma_wait3A_110 = tpu.memref_slice %arg11[%get3A_7] : memref<2x!tpu.dma_semaphore, #tpu.memory_space<semaphore_mem>> -> memref<1x!tpu.dma_semaphore, #tpu.memory_space<semaphore_mem>>
      %dma_wait3A_111 = tpu.memref_squeeze %dma_wait3A_110 : memref<1x!tpu.dma_semaphore, #tpu.memory_space<semaphore_mem>> -> memref<!tpu.dma_semaphore, #tpu.memory_space<semaphore_mem>>
      %dma_wait3A_112 = arith.constant 3072 : i32
      %dma_wait3A_113 = arith.constant 0 : i32
      %dma_wait3A_114 = tpu.memref_slice %arg9[%get3A_7, %dma_wait3A_112, %dma_wait3A_113] : memref<2x6144x768xf32, #tpu.memory_space<vmem>> -> memref<1x768x768xf32, #tpu.memory_space<vmem>>
      %dma_wait3A_115 = tpu.memref_squeeze %dma_wait3A_114 : memref<1x768x768xf32, #tpu.memory_space<vmem>> -> memref<768x768xf32, #tpu.memory_space<vmem>>
      %dma_wait3A_116 = arith.constant 3072 : i32
      %dma_wait3A_117 = arith.constant 0 : i32
      %dma_wait3A_118 = tpu.memref_slice %arg3[%get3A_1, %dma_wait3A_116, %dma_wait3A_117] : memref<8x6144x768xf32, #tpu.memory_space<any>> -> memref<1x768x768xf32, #tpu.memory_space<any>>
      %dma_wait3A_119 = tpu.memref_squeeze %dma_wait3A_118 : memref<1x768x768xf32, #tpu.memory_space<any>> -> memref<768x768xf32, #tpu.memory_space<any>>
      tpu.wait_dma2 semaphore(%dma_wait3A_111 : memref<!tpu.dma_semaphore, #tpu.memory_space<semaphore_mem>>) src(%dma_wait3A_119 : memref<768x768xf32, #tpu.memory_space<any>>) dst(%dma_wait3A_115 : memref<768x768xf32, #tpu.memory_space<vmem>>)
      %dma_wait3A_120 = tpu.memref_slice %arg11[%get3A_7] : memref<2x!tpu.dma_semaphore, #tpu.memory_space<semaphore_mem>> -> memref<1x!tpu.dma_semaphore, #tpu.memory_space<semaphore_mem>>
      %dma_wait3A_121 = tpu.memref_squeeze %dma_wait3A_120 : memref<1x!tpu.dma_semaphore, #tpu.memory_space<semaphore_mem>> -> memref<!tpu.dma_semaphore, #tpu.memory_space<semaphore_mem>>
      %dma_wait3A_122 = arith.constant 3840 : i32
      %dma_wait3A_123 = arith.constant 0 : i32
      %dma_wait3A_124 = tpu.memref_slice %arg9[%get3A_7, %dma_wait3A_122, %dma_wait3A_123] : memref<2x6144x768xf32, #tpu.memory_space<vmem>> -> memref<1x768x768xf32, #tpu.memory_space<vmem>>
      %dma_wait3A_125 = tpu.memref_squeeze %dma_wait3A_124 : memref<1x768x768xf32, #tpu.memory_space<vmem>> -> memref<768x768xf32, #tpu.memory_space<vmem>>
      %dma_wait3A_126 = arith.constant 3840 : i32
      %dma_wait3A_127 = arith.constant 0 : i32
      %dma_wait3A_128 = tpu.memref_slice %arg3[%get3A_1, %dma_wait3A_126, %dma_wait3A_127] : memref<8x6144x768xf32, #tpu.memory_space<any>> -> memref<1x768x768xf32, #tpu.memory_space<any>>
      %dma_wait3A_129 = tpu.memref_squeeze %dma_wait3A_128 : memref<1x768x768xf32, #tpu.memory_space<any>> -> memref<768x768xf32, #tpu.memory_space<any>>
      tpu.wait_dma2 semaphore(%dma_wait3A_121 : memref<!tpu.dma_semaphore, #tpu.memory_space<semaphore_mem>>) src(%dma_wait3A_129 : memref<768x768xf32, #tpu.memory_space<any>>) dst(%dma_wait3A_125 : memref<768x768xf32, #tpu.memory_space<vmem>>)
      %dma_wait3A_130 = tpu.memref_slice %arg11[%get3A_7] : memref<2x!tpu.dma_semaphore, #tpu.memory_space<semaphore_mem>> -> memref<1x!tpu.dma_semaphore, #tpu.memory_space<semaphore_mem>>
      %dma_wait3A_131 = tpu.memref_squeeze %dma_wait3A_130 : memref<1x!tpu.dma_semaphore, #tpu.memory_space<semaphore_mem>> -> memref<!tpu.dma_semaphore, #tpu.memory_space<semaphore_mem>>
      %dma_wait3A_132 = arith.constant 4608 : i32
      %dma_wait3A_133 = arith.constant 0 : i32
      %dma_wait3A_134 = tpu.memref_slice %arg9[%get3A_7, %dma_wait3A_132, %dma_wait3A_133] : memref<2x6144x768xf32, #tpu.memory_space<vmem>> -> memref<1x768x768xf32, #tpu.memory_space<vmem>>
      %dma_wait3A_135 = tpu.memref_squeeze %dma_wait3A_134 : memref<1x768x768xf32, #tpu.memory_space<vmem>> -> memref<768x768xf32, #tpu.memory_space<vmem>>
      %dma_wait3A_136 = arith.constant 4608 : i32
      %dma_wait3A_137 = arith.constant 0 : i32
      %dma_wait3A_138 = tpu.memref_slice %arg3[%get3A_1, %dma_wait3A_136, %dma_wait3A_137] : memref<8x6144x768xf32, #tpu.memory_space<any>> -> memref<1x768x768xf32, #tpu.memory_space<any>>
      %dma_wait3A_139 = tpu.memref_squeeze %dma_wait3A_138 : memref<1x768x768xf32, #tpu.memory_space<any>> -> memref<768x768xf32, #tpu.memory_space<any>>
      tpu.wait_dma2 semaphore(%dma_wait3A_131 : memref<!tpu.dma_semaphore, #tpu.memory_space<semaphore_mem>>) src(%dma_wait3A_139 : memref<768x768xf32, #tpu.memory_space<any>>) dst(%dma_wait3A_135 : memref<768x768xf32, #tpu.memory_space<vmem>>)
      %dma_wait3A_140 = tpu.memref_slice %arg11[%get3A_7] : memref<2x!tpu.dma_semaphore, #tpu.memory_space<semaphore_mem>> -> memref<1x!tpu.dma_semaphore, #tpu.memory_space<semaphore_mem>>
      %dma_wait3A_141 = tpu.memref_squeeze %dma_wait3A_140 : memref<1x!tpu.dma_semaphore, #tpu.memory_space<semaphore_mem>> -> memref<!tpu.dma_semaphore, #tpu.memory_space<semaphore_mem>>
      %dma_wait3A_142 = arith.constant 5376 : i32
      %dma_wait3A_143 = arith.constant 0 : i32
      %dma_wait3A_144 = tpu.memref_slice %arg9[%get3A_7, %dma_wait3A_142, %dma_wait3A_143] : memref<2x6144x768xf32, #tpu.memory_space<vmem>> -> memref<1x768x768xf32, #tpu.memory_space<vmem>>
      %dma_wait3A_145 = tpu.memref_squeeze %dma_wait3A_144 : memref<1x768x768xf32, #tpu.memory_space<vmem>> -> memref<768x768xf32, #tpu.memory_space<vmem>>
      %dma_wait3A_146 = arith.constant 5376 : i32
      %dma_wait3A_147 = arith.constant 0 : i32
      %dma_wait3A_148 = tpu.memref_slice %arg3[%get3A_1, %dma_wait3A_146, %dma_wait3A_147] : memref<8x6144x768xf32, #tpu.memory_space<any>> -> memref<1x768x768xf32, #tpu.memory_space<any>>
      %dma_wait3A_149 = tpu.memref_squeeze %dma_wait3A_148 : memref<1x768x768xf32, #tpu.memory_space<any>> -> memref<768x768xf32, #tpu.memory_space<any>>
      tpu.wait_dma2 semaphore(%dma_wait3A_141 : memref<!tpu.dma_semaphore, #tpu.memory_space<semaphore_mem>>) src(%dma_wait3A_149 : memref<768x768xf32, #tpu.memory_space<any>>) dst(%dma_wait3A_145 : memref<768x768xf32, #tpu.memory_space<vmem>>)
      %dma_wait3A_150 = tpu.memref_slice %arg12[%get3A_7] : memref<2x!tpu.dma_semaphore, #tpu.memory_space<semaphore_mem>> -> memref<1x!tpu.dma_semaphore, #tpu.memory_space<semaphore_mem>>
      %dma_wait3A_151 = tpu.memref_squeeze %dma_wait3A_150 : memref<1x!tpu.dma_semaphore, #tpu.memory_space<semaphore_mem>> -> memref<!tpu.dma_semaphore, #tpu.memory_space<semaphore_mem>>
      %dma_wait3A_152 = arith.constant 0 : i32
      %dma_wait3A_153 = arith.constant 0 : i32
      %dma_wait3A_154 = tpu.memref_slice %arg10[%get3A_7, %dma_wait3A_152, %dma_wait3A_153] : memref<2x768x3072xf32, #tpu.memory_space<vmem>> -> memref<1x192x3072xf32, #tpu.memory_space<vmem>>
      %dma_wait3A_155 = tpu.memref_squeeze %dma_wait3A_154 : memref<1x192x3072xf32, #tpu.memory_space<vmem>> -> memref<192x3072xf32, #tpu.memory_space<vmem>>
      %dma_wait3A_156 = arith.constant 0 : i32
      %dma_wait3A_157 = arith.constant 0 : i32
      %dma_wait3A_158 = tpu.memref_slice %arg5[%get3A_1, %dma_wait3A_156, %dma_wait3A_157] : memref<8x768x3072xf32, #tpu.memory_space<any>> -> memref<1x192x3072xf32, #tpu.memory_space<any>>
      %dma_wait3A_159 = tpu.memref_squeeze %dma_wait3A_158 : memref<1x192x3072xf32, #tpu.memory_space<any>> -> memref<192x3072xf32, #tpu.memory_space<any>>
      tpu.wait_dma2 semaphore(%dma_wait3A_151 : memref<!tpu.dma_semaphore, #tpu.memory_space<semaphore_mem>>) src(%dma_wait3A_159 : memref<192x3072xf32, #tpu.memory_space<any>>) dst(%dma_wait3A_155 : memref<192x3072xf32, #tpu.memory_space<vmem>>)
      %dma_wait3A_160 = tpu.memref_slice %arg12[%get3A_7] : memref<2x!tpu.dma_semaphore, #tpu.memory_space<semaphore_mem>> -> memref<1x!tpu.dma_semaphore, #tpu.memory_space<semaphore_mem>>
      %dma_wait3A_161 = tpu.memref_squeeze %dma_wait3A_160 : memref<1x!tpu.dma_semaphore, #tpu.memory_space<semaphore_mem>> -> memref<!tpu.dma_semaphore, #tpu.memory_space<semaphore_mem>>
      %dma_wait3A_162 = arith.constant 192 : i32
      %dma_wait3A_163 = arith.constant 0 : i32
      %dma_wait3A_164 = tpu.memref_slice %arg10[%get3A_7, %dma_wait3A_162, %dma_wait3A_163] : memref<2x768x3072xf32, #tpu.memory_space<vmem>> -> memref<1x192x3072xf32, #tpu.memory_space<vmem>>
      %dma_wait3A_165 = tpu.memref_squeeze %dma_wait3A_164 : memref<1x192x3072xf32, #tpu.memory_space<vmem>> -> memref<192x3072xf32, #tpu.memory_space<vmem>>
      %dma_wait3A_166 = arith.constant 192 : i32
      %dma_wait3A_167 = arith.constant 0 : i32
      %dma_wait3A_168 = tpu.memref_slice %arg5[%get3A_1, %dma_wait3A_166, %dma_wait3A_167] : memref<8x768x3072xf32, #tpu.memory_space<any>> -> memref<1x192x3072xf32, #tpu.memory_space<any>>
      %dma_wait3A_169 = tpu.memref_squeeze %dma_wait3A_168 : memref<1x192x3072xf32, #tpu.memory_space<any>> -> memref<192x3072xf32, #tpu.memory_space<any>>
      tpu.wait_dma2 semaphore(%dma_wait3A_161 : memref<!tpu.dma_semaphore, #tpu.memory_space<semaphore_mem>>) src(%dma_wait3A_169 : memref<192x3072xf32, #tpu.memory_space<any>>) dst(%dma_wait3A_165 : memref<192x3072xf32, #tpu.memory_space<vmem>>)
      %dma_wait3A_170 = tpu.memref_slice %arg12[%get3A_7] : memref<2x!tpu.dma_semaphore, #tpu.memory_space<semaphore_mem>> -> memref<1x!tpu.dma_semaphore, #tpu.memory_space<semaphore_mem>>
      %dma_wait3A_171 = tpu.memref_squeeze %dma_wait3A_170 : memref<1x!tpu.dma_semaphore, #tpu.memory_space<semaphore_mem>> -> memref<!tpu.dma_semaphore, #tpu.memory_space<semaphore_mem>>
      %dma_wait3A_172 = arith.constant 384 : i32
      %dma_wait3A_173 = arith.constant 0 : i32
      %dma_wait3A_174 = tpu.memref_slice %arg10[%get3A_7, %dma_wait3A_172, %dma_wait3A_173] : memref<2x768x3072xf32, #tpu.memory_space<vmem>> -> memref<1x192x3072xf32, #tpu.memory_space<vmem>>
      %dma_wait3A_175 = tpu.memref_squeeze %dma_wait3A_174 : memref<1x192x3072xf32, #tpu.memory_space<vmem>> -> memref<192x3072xf32, #tpu.memory_space<vmem>>
      %dma_wait3A_176 = arith.constant 384 : i32
      %dma_wait3A_177 = arith.constant 0 : i32
      %dma_wait3A_178 = tpu.memref_slice %arg5[%get3A_1, %dma_wait3A_176, %dma_wait3A_177] : memref<8x768x3072xf32, #tpu.memory_space<any>> -> memref<1x192x3072xf32, #tpu.memory_space<any>>
      %dma_wait3A_179 = tpu.memref_squeeze %dma_wait3A_178 : memref<1x192x3072xf32, #tpu.memory_space<any>> -> memref<192x3072xf32, #tpu.memory_space<any>>
      tpu.wait_dma2 semaphore(%dma_wait3A_171 : memref<!tpu.dma_semaphore, #tpu.memory_space<semaphore_mem>>) src(%dma_wait3A_179 : memref<192x3072xf32, #tpu.memory_space<any>>) dst(%dma_wait3A_175 : memref<192x3072xf32, #tpu.memory_space<vmem>>)
      %dma_wait3A_180 = tpu.memref_slice %arg12[%get3A_7] : memref<2x!tpu.dma_semaphore, #tpu.memory_space<semaphore_mem>> -> memref<1x!tpu.dma_semaphore, #tpu.memory_space<semaphore_mem>>
      %dma_wait3A_181 = tpu.memref_squeeze %dma_wait3A_180 : memref<1x!tpu.dma_semaphore, #tpu.memory_space<semaphore_mem>> -> memref<!tpu.dma_semaphore, #tpu.memory_space<semaphore_mem>>
      %dma_wait3A_182 = arith.constant 576 : i32
      %dma_wait3A_183 = arith.constant 0 : i32
      %dma_wait3A_184 = tpu.memref_slice %arg10[%get3A_7, %dma_wait3A_182, %dma_wait3A_183] : memref<2x768x3072xf32, #tpu.memory_space<vmem>> -> memref<1x192x3072xf32, #tpu.memory_space<vmem>>
      %dma_wait3A_185 = tpu.memref_squeeze %dma_wait3A_184 : memref<1x192x3072xf32, #tpu.memory_space<vmem>> -> memref<192x3072xf32, #tpu.memory_space<vmem>>
      %dma_wait3A_186 = arith.constant 576 : i32
      %dma_wait3A_187 = arith.constant 0 : i32
      %dma_wait3A_188 = tpu.memref_slice %arg5[%get3A_1, %dma_wait3A_186, %dma_wait3A_187] : memref<8x768x3072xf32, #tpu.memory_space<any>> -> memref<1x192x3072xf32, #tpu.memory_space<any>>
      %dma_wait3A_189 = tpu.memref_squeeze %dma_wait3A_188 : memref<1x192x3072xf32, #tpu.memory_space<any>> -> memref<192x3072xf32, #tpu.memory_space<any>>
      tpu.wait_dma2 semaphore(%dma_wait3A_181 : memref<!tpu.dma_semaphore, #tpu.memory_space<semaphore_mem>>) src(%dma_wait3A_189 : memref<192x3072xf32, #tpu.memory_space<any>>) dst(%dma_wait3A_185 : memref<192x3072xf32, #tpu.memory_space<vmem>>)
    } else {
    }
    %eq3A_18 = arith.constant 1 : i32
    %eq3A_19 = arith.cmpi eq, %get3A_10, %eq3A_18 : i32
    %lt3A = arith.constant 8 : i32
    %lt3A_20 = arith.cmpi slt, %get3A_4, %lt3A : i32
    %and3A = arith.andi %eq3A_19, %lt3A_20 : i1
    %convert_element_type3A_21 = arith.extui %and3A : i1 to i32
    %cond3A_22 = arith.constant 0 : i32
    %cond3A_23 = arith.cmpi ne, %convert_element_type3A_21, %cond3A_22 : i32
    scf.if %cond3A_23 {
      %sub3A = arith.constant 1 : i32
      %sub3A_71 = arith.subi %sub3A, %get3A_7 : i32
      %dma_start3A = tpu.memref_slice %arg11[%sub3A_71] : memref<2x!tpu.dma_semaphore, #tpu.memory_space<semaphore_mem>> -> memref<1x!tpu.dma_semaphore, #tpu.memory_space<semaphore_mem>>
      %dma_start3A_72 = tpu.memref_squeeze %dma_start3A : memref<1x!tpu.dma_semaphore, #tpu.memory_space<semaphore_mem>> -> memref<!tpu.dma_semaphore, #tpu.memory_space<semaphore_mem>>
      %dma_start3A_73 = arith.constant 0 : i32
      %dma_start3A_74 = arith.constant 0 : i32
      %dma_start3A_75 = tpu.memref_slice %arg9[%sub3A_71, %dma_start3A_73, %dma_start3A_74] : memref<2x6144x768xf32, #tpu.memory_space<vmem>> -> memref<1x768x768xf32, #tpu.memory_space<vmem>>
      %dma_start3A_76 = tpu.memref_squeeze %dma_start3A_75 : memref<1x768x768xf32, #tpu.memory_space<vmem>> -> memref<768x768xf32, #tpu.memory_space<vmem>>
      %dma_start3A_77 = arith.constant 0 : i32
      %dma_start3A_78 = arith.constant 0 : i32
      %dma_start3A_79 = tpu.memref_slice %arg3[%get3A_4, %dma_start3A_77, %dma_start3A_78] : memref<8x6144x768xf32, #tpu.memory_space<any>> -> memref<1x768x768xf32, #tpu.memory_space<any>>
      %dma_start3A_80 = tpu.memref_squeeze %dma_start3A_79 : memref<1x768x768xf32, #tpu.memory_space<any>> -> memref<768x768xf32, #tpu.memory_space<any>>
      tpu.enqueue_dma source(%dma_start3A_80 : memref<768x768xf32, #tpu.memory_space<any>>) target(%dma_start3A_76 : memref<768x768xf32, #tpu.memory_space<vmem>>) target_semaphore(%dma_start3A_72 : memref<!tpu.dma_semaphore, #tpu.memory_space<semaphore_mem>>)
      %dma_start3A_81 = tpu.memref_slice %arg11[%sub3A_71] : memref<2x!tpu.dma_semaphore, #tpu.memory_space<semaphore_mem>> -> memref<1x!tpu.dma_semaphore, #tpu.memory_space<semaphore_mem>>
      %dma_start3A_82 = tpu.memref_squeeze %dma_start3A_81 : memref<1x!tpu.dma_semaphore, #tpu.memory_space<semaphore_mem>> -> memref<!tpu.dma_semaphore, #tpu.memory_space<semaphore_mem>>
      %dma_start3A_83 = arith.constant 768 : i32
      %dma_start3A_84 = arith.constant 0 : i32
      %dma_start3A_85 = tpu.memref_slice %arg9[%sub3A_71, %dma_start3A_83, %dma_start3A_84] : memref<2x6144x768xf32, #tpu.memory_space<vmem>> -> memref<1x768x768xf32, #tpu.memory_space<vmem>>
      %dma_start3A_86 = tpu.memref_squeeze %dma_start3A_85 : memref<1x768x768xf32, #tpu.memory_space<vmem>> -> memref<768x768xf32, #tpu.memory_space<vmem>>
      %dma_start3A_87 = arith.constant 768 : i32
      %dma_start3A_88 = arith.constant 0 : i32
      %dma_start3A_89 = tpu.memref_slice %arg3[%get3A_4, %dma_start3A_87, %dma_start3A_88] : memref<8x6144x768xf32, #tpu.memory_space<any>> -> memref<1x768x768xf32, #tpu.memory_space<any>>
      %dma_start3A_90 = tpu.memref_squeeze %dma_start3A_89 : memref<1x768x768xf32, #tpu.memory_space<any>> -> memref<768x768xf32, #tpu.memory_space<any>>
      tpu.enqueue_dma source(%dma_start3A_90 : memref<768x768xf32, #tpu.memory_space<any>>) target(%dma_start3A_86 : memref<768x768xf32, #tpu.memory_space<vmem>>) target_semaphore(%dma_start3A_82 : memref<!tpu.dma_semaphore, #tpu.memory_space<semaphore_mem>>)
      %dma_start3A_91 = tpu.memref_slice %arg11[%sub3A_71] : memref<2x!tpu.dma_semaphore, #tpu.memory_space<semaphore_mem>> -> memref<1x!tpu.dma_semaphore, #tpu.memory_space<semaphore_mem>>
      %dma_start3A_92 = tpu.memref_squeeze %dma_start3A_91 : memref<1x!tpu.dma_semaphore, #tpu.memory_space<semaphore_mem>> -> memref<!tpu.dma_semaphore, #tpu.memory_space<semaphore_mem>>
      %dma_start3A_93 = arith.constant 1536 : i32
      %dma_start3A_94 = arith.constant 0 : i32
      %dma_start3A_95 = tpu.memref_slice %arg9[%sub3A_71, %dma_start3A_93, %dma_start3A_94] : memref<2x6144x768xf32, #tpu.memory_space<vmem>> -> memref<1x768x768xf32, #tpu.memory_space<vmem>>
      %dma_start3A_96 = tpu.memref_squeeze %dma_start3A_95 : memref<1x768x768xf32, #tpu.memory_space<vmem>> -> memref<768x768xf32, #tpu.memory_space<vmem>>
      %dma_start3A_97 = arith.constant 1536 : i32
      %dma_start3A_98 = arith.constant 0 : i32
      %dma_start3A_99 = tpu.memref_slice %arg3[%get3A_4, %dma_start3A_97, %dma_start3A_98] : memref<8x6144x768xf32, #tpu.memory_space<any>> -> memref<1x768x768xf32, #tpu.memory_space<any>>
      %dma_start3A_100 = tpu.memref_squeeze %dma_start3A_99 : memref<1x768x768xf32, #tpu.memory_space<any>> -> memref<768x768xf32, #tpu.memory_space<any>>
      tpu.enqueue_dma source(%dma_start3A_100 : memref<768x768xf32, #tpu.memory_space<any>>) target(%dma_start3A_96 : memref<768x768xf32, #tpu.memory_space<vmem>>) target_semaphore(%dma_start3A_92 : memref<!tpu.dma_semaphore, #tpu.memory_space<semaphore_mem>>)
      %dma_start3A_101 = tpu.memref_slice %arg11[%sub3A_71] : memref<2x!tpu.dma_semaphore, #tpu.memory_space<semaphore_mem>> -> memref<1x!tpu.dma_semaphore, #tpu.memory_space<semaphore_mem>>
      %dma_start3A_102 = tpu.memref_squeeze %dma_start3A_101 : memref<1x!tpu.dma_semaphore, #tpu.memory_space<semaphore_mem>> -> memref<!tpu.dma_semaphore, #tpu.memory_space<semaphore_mem>>
      %dma_start3A_103 = arith.constant 2304 : i32
      %dma_start3A_104 = arith.constant 0 : i32
      %dma_start3A_105 = tpu.memref_slice %arg9[%sub3A_71, %dma_start3A_103, %dma_start3A_104] : memref<2x6144x768xf32, #tpu.memory_space<vmem>> -> memref<1x768x768xf32, #tpu.memory_space<vmem>>
      %dma_start3A_106 = tpu.memref_squeeze %dma_start3A_105 : memref<1x768x768xf32, #tpu.memory_space<vmem>> -> memref<768x768xf32, #tpu.memory_space<vmem>>
      %dma_start3A_107 = arith.constant 2304 : i32
      %dma_start3A_108 = arith.constant 0 : i32
      %dma_start3A_109 = tpu.memref_slice %arg3[%get3A_4, %dma_start3A_107, %dma_start3A_108] : memref<8x6144x768xf32, #tpu.memory_space<any>> -> memref<1x768x768xf32, #tpu.memory_space<any>>
      %dma_start3A_110 = tpu.memref_squeeze %dma_start3A_109 : memref<1x768x768xf32, #tpu.memory_space<any>> -> memref<768x768xf32, #tpu.memory_space<any>>
      tpu.enqueue_dma source(%dma_start3A_110 : memref<768x768xf32, #tpu.memory_space<any>>) target(%dma_start3A_106 : memref<768x768xf32, #tpu.memory_space<vmem>>) target_semaphore(%dma_start3A_102 : memref<!tpu.dma_semaphore, #tpu.memory_space<semaphore_mem>>)
      %dma_start3A_111 = tpu.memref_slice %arg11[%sub3A_71] : memref<2x!tpu.dma_semaphore, #tpu.memory_space<semaphore_mem>> -> memref<1x!tpu.dma_semaphore, #tpu.memory_space<semaphore_mem>>
      %dma_start3A_112 = tpu.memref_squeeze %dma_start3A_111 : memref<1x!tpu.dma_semaphore, #tpu.memory_space<semaphore_mem>> -> memref<!tpu.dma_semaphore, #tpu.memory_space<semaphore_mem>>
      %dma_start3A_113 = arith.constant 3072 : i32
      %dma_start3A_114 = arith.constant 0 : i32
      %dma_start3A_115 = tpu.memref_slice %arg9[%sub3A_71, %dma_start3A_113, %dma_start3A_114] : memref<2x6144x768xf32, #tpu.memory_space<vmem>> -> memref<1x768x768xf32, #tpu.memory_space<vmem>>
      %dma_start3A_116 = tpu.memref_squeeze %dma_start3A_115 : memref<1x768x768xf32, #tpu.memory_space<vmem>> -> memref<768x768xf32, #tpu.memory_space<vmem>>
      %dma_start3A_117 = arith.constant 3072 : i32
      %dma_start3A_118 = arith.constant 0 : i32
      %dma_start3A_119 = tpu.memref_slice %arg3[%get3A_4, %dma_start3A_117, %dma_start3A_118] : memref<8x6144x768xf32, #tpu.memory_space<any>> -> memref<1x768x768xf32, #tpu.memory_space<any>>
      %dma_start3A_120 = tpu.memref_squeeze %dma_start3A_119 : memref<1x768x768xf32, #tpu.memory_space<any>> -> memref<768x768xf32, #tpu.memory_space<any>>
      tpu.enqueue_dma source(%dma_start3A_120 : memref<768x768xf32, #tpu.memory_space<any>>) target(%dma_start3A_116 : memref<768x768xf32, #tpu.memory_space<vmem>>) target_semaphore(%dma_start3A_112 : memref<!tpu.dma_semaphore, #tpu.memory_space<semaphore_mem>>)
      %dma_start3A_121 = tpu.memref_slice %arg11[%sub3A_71] : memref<2x!tpu.dma_semaphore, #tpu.memory_space<semaphore_mem>> -> memref<1x!tpu.dma_semaphore, #tpu.memory_space<semaphore_mem>>
      %dma_start3A_122 = tpu.memref_squeeze %dma_start3A_121 : memref<1x!tpu.dma_semaphore, #tpu.memory_space<semaphore_mem>> -> memref<!tpu.dma_semaphore, #tpu.memory_space<semaphore_mem>>
      %dma_start3A_123 = arith.constant 3840 : i32
      %dma_start3A_124 = arith.constant 0 : i32
      %dma_start3A_125 = tpu.memref_slice %arg9[%sub3A_71, %dma_start3A_123, %dma_start3A_124] : memref<2x6144x768xf32, #tpu.memory_space<vmem>> -> memref<1x768x768xf32, #tpu.memory_space<vmem>>
      %dma_start3A_126 = tpu.memref_squeeze %dma_start3A_125 : memref<1x768x768xf32, #tpu.memory_space<vmem>> -> memref<768x768xf32, #tpu.memory_space<vmem>>
      %dma_start3A_127 = arith.constant 3840 : i32
      %dma_start3A_128 = arith.constant 0 : i32
      %dma_start3A_129 = tpu.memref_slice %arg3[%get3A_4, %dma_start3A_127, %dma_start3A_128] : memref<8x6144x768xf32, #tpu.memory_space<any>> -> memref<1x768x768xf32, #tpu.memory_space<any>>
      %dma_start3A_130 = tpu.memref_squeeze %dma_start3A_129 : memref<1x768x768xf32, #tpu.memory_space<any>> -> memref<768x768xf32, #tpu.memory_space<any>>
      tpu.enqueue_dma source(%dma_start3A_130 : memref<768x768xf32, #tpu.memory_space<any>>) target(%dma_start3A_126 : memref<768x768xf32, #tpu.memory_space<vmem>>) target_semaphore(%dma_start3A_122 : memref<!tpu.dma_semaphore, #tpu.memory_space<semaphore_mem>>)
      %dma_start3A_131 = tpu.memref_slice %arg11[%sub3A_71] : memref<2x!tpu.dma_semaphore, #tpu.memory_space<semaphore_mem>> -> memref<1x!tpu.dma_semaphore, #tpu.memory_space<semaphore_mem>>
      %dma_start3A_132 = tpu.memref_squeeze %dma_start3A_131 : memref<1x!tpu.dma_semaphore, #tpu.memory_space<semaphore_mem>> -> memref<!tpu.dma_semaphore, #tpu.memory_space<semaphore_mem>>
      %dma_start3A_133 = arith.constant 4608 : i32
      %dma_start3A_134 = arith.constant 0 : i32
      %dma_start3A_135 = tpu.memref_slice %arg9[%sub3A_71, %dma_start3A_133, %dma_start3A_134] : memref<2x6144x768xf32, #tpu.memory_space<vmem>> -> memref<1x768x768xf32, #tpu.memory_space<vmem>>
      %dma_start3A_136 = tpu.memref_squeeze %dma_start3A_135 : memref<1x768x768xf32, #tpu.memory_space<vmem>> -> memref<768x768xf32, #tpu.memory_space<vmem>>
      %dma_start3A_137 = arith.constant 4608 : i32
      %dma_start3A_138 = arith.constant 0 : i32
      %dma_start3A_139 = tpu.memref_slice %arg3[%get3A_4, %dma_start3A_137, %dma_start3A_138] : memref<8x6144x768xf32, #tpu.memory_space<any>> -> memref<1x768x768xf32, #tpu.memory_space<any>>
      %dma_start3A_140 = tpu.memref_squeeze %dma_start3A_139 : memref<1x768x768xf32, #tpu.memory_space<any>> -> memref<768x768xf32, #tpu.memory_space<any>>
      tpu.enqueue_dma source(%dma_start3A_140 : memref<768x768xf32, #tpu.memory_space<any>>) target(%dma_start3A_136 : memref<768x768xf32, #tpu.memory_space<vmem>>) target_semaphore(%dma_start3A_132 : memref<!tpu.dma_semaphore, #tpu.memory_space<semaphore_mem>>)
      %dma_start3A_141 = tpu.memref_slice %arg11[%sub3A_71] : memref<2x!tpu.dma_semaphore, #tpu.memory_space<semaphore_mem>> -> memref<1x!tpu.dma_semaphore, #tpu.memory_space<semaphore_mem>>
      %dma_start3A_142 = tpu.memref_squeeze %dma_start3A_141 : memref<1x!tpu.dma_semaphore, #tpu.memory_space<semaphore_mem>> -> memref<!tpu.dma_semaphore, #tpu.memory_space<semaphore_mem>>
      %dma_start3A_143 = arith.constant 5376 : i32
      %dma_start3A_144 = arith.constant 0 : i32
      %dma_start3A_145 = tpu.memref_slice %arg9[%sub3A_71, %dma_start3A_143, %dma_start3A_144] : memref<2x6144x768xf32, #tpu.memory_space<vmem>> -> memref<1x768x768xf32, #tpu.memory_space<vmem>>
      %dma_start3A_146 = tpu.memref_squeeze %dma_start3A_145 : memref<1x768x768xf32, #tpu.memory_space<vmem>> -> memref<768x768xf32, #tpu.memory_space<vmem>>
      %dma_start3A_147 = arith.constant 5376 : i32
      %dma_start3A_148 = arith.constant 0 : i32
      %dma_start3A_149 = tpu.memref_slice %arg3[%get3A_4, %dma_start3A_147, %dma_start3A_148] : memref<8x6144x768xf32, #tpu.memory_space<any>> -> memref<1x768x768xf32, #tpu.memory_space<any>>
      %dma_start3A_150 = tpu.memref_squeeze %dma_start3A_149 : memref<1x768x768xf32, #tpu.memory_space<any>> -> memref<768x768xf32, #tpu.memory_space<any>>
      tpu.enqueue_dma source(%dma_start3A_150 : memref<768x768xf32, #tpu.memory_space<any>>) target(%dma_start3A_146 : memref<768x768xf32, #tpu.memory_space<vmem>>) target_semaphore(%dma_start3A_142 : memref<!tpu.dma_semaphore, #tpu.memory_space<semaphore_mem>>)
      %dma_start3A_151 = tpu.memref_slice %arg12[%sub3A_71] : memref<2x!tpu.dma_semaphore, #tpu.memory_space<semaphore_mem>> -> memref<1x!tpu.dma_semaphore, #tpu.memory_space<semaphore_mem>>
      %dma_start3A_152 = tpu.memref_squeeze %dma_start3A_151 : memref<1x!tpu.dma_semaphore, #tpu.memory_space<semaphore_mem>> -> memref<!tpu.dma_semaphore, #tpu.memory_space<semaphore_mem>>
      %dma_start3A_153 = arith.constant 0 : i32
      %dma_start3A_154 = arith.constant 0 : i32
      %dma_start3A_155 = tpu.memref_slice %arg10[%sub3A_71, %dma_start3A_153, %dma_start3A_154] : memref<2x768x3072xf32, #tpu.memory_space<vmem>> -> memref<1x192x3072xf32, #tpu.memory_space<vmem>>
      %dma_start3A_156 = tpu.memref_squeeze %dma_start3A_155 : memref<1x192x3072xf32, #tpu.memory_space<vmem>> -> memref<192x3072xf32, #tpu.memory_space<vmem>>
      %dma_start3A_157 = arith.constant 0 : i32
      %dma_start3A_158 = arith.constant 0 : i32
      %dma_start3A_159 = tpu.memref_slice %arg5[%get3A_4, %dma_start3A_157, %dma_start3A_158] : memref<8x768x3072xf32, #tpu.memory_space<any>> -> memref<1x192x3072xf32, #tpu.memory_space<any>>
      %dma_start3A_160 = tpu.memref_squeeze %dma_start3A_159 : memref<1x192x3072xf32, #tpu.memory_space<any>> -> memref<192x3072xf32, #tpu.memory_space<any>>
      tpu.enqueue_dma source(%dma_start3A_160 : memref<192x3072xf32, #tpu.memory_space<any>>) target(%dma_start3A_156 : memref<192x3072xf32, #tpu.memory_space<vmem>>) target_semaphore(%dma_start3A_152 : memref<!tpu.dma_semaphore, #tpu.memory_space<semaphore_mem>>)
      %dma_start3A_161 = tpu.memref_slice %arg12[%sub3A_71] : memref<2x!tpu.dma_semaphore, #tpu.memory_space<semaphore_mem>> -> memref<1x!tpu.dma_semaphore, #tpu.memory_space<semaphore_mem>>
      %dma_start3A_162 = tpu.memref_squeeze %dma_start3A_161 : memref<1x!tpu.dma_semaphore, #tpu.memory_space<semaphore_mem>> -> memref<!tpu.dma_semaphore, #tpu.memory_space<semaphore_mem>>
      %dma_start3A_163 = arith.constant 192 : i32
      %dma_start3A_164 = arith.constant 0 : i32
      %dma_start3A_165 = tpu.memref_slice %arg10[%sub3A_71, %dma_start3A_163, %dma_start3A_164] : memref<2x768x3072xf32, #tpu.memory_space<vmem>> -> memref<1x192x3072xf32, #tpu.memory_space<vmem>>
      %dma_start3A_166 = tpu.memref_squeeze %dma_start3A_165 : memref<1x192x3072xf32, #tpu.memory_space<vmem>> -> memref<192x3072xf32, #tpu.memory_space<vmem>>
      %dma_start3A_167 = arith.constant 192 : i32
      %dma_start3A_168 = arith.constant 0 : i32
      %dma_start3A_169 = tpu.memref_slice %arg5[%get3A_4, %dma_start3A_167, %dma_start3A_168] : memref<8x768x3072xf32, #tpu.memory_space<any>> -> memref<1x192x3072xf32, #tpu.memory_space<any>>
      %dma_start3A_170 = tpu.memref_squeeze %dma_start3A_169 : memref<1x192x3072xf32, #tpu.memory_space<any>> -> memref<192x3072xf32, #tpu.memory_space<any>>
      tpu.enqueue_dma source(%dma_start3A_170 : memref<192x3072xf32, #tpu.memory_space<any>>) target(%dma_start3A_166 : memref<192x3072xf32, #tpu.memory_space<vmem>>) target_semaphore(%dma_start3A_162 : memref<!tpu.dma_semaphore, #tpu.memory_space<semaphore_mem>>)
      %dma_start3A_171 = tpu.memref_slice %arg12[%sub3A_71] : memref<2x!tpu.dma_semaphore, #tpu.memory_space<semaphore_mem>> -> memref<1x!tpu.dma_semaphore, #tpu.memory_space<semaphore_mem>>
      %dma_start3A_172 = tpu.memref_squeeze %dma_start3A_171 : memref<1x!tpu.dma_semaphore, #tpu.memory_space<semaphore_mem>> -> memref<!tpu.dma_semaphore, #tpu.memory_space<semaphore_mem>>
      %dma_start3A_173 = arith.constant 384 : i32
      %dma_start3A_174 = arith.constant 0 : i32
      %dma_start3A_175 = tpu.memref_slice %arg10[%sub3A_71, %dma_start3A_173, %dma_start3A_174] : memref<2x768x3072xf32, #tpu.memory_space<vmem>> -> memref<1x192x3072xf32, #tpu.memory_space<vmem>>
      %dma_start3A_176 = tpu.memref_squeeze %dma_start3A_175 : memref<1x192x3072xf32, #tpu.memory_space<vmem>> -> memref<192x3072xf32, #tpu.memory_space<vmem>>
      %dma_start3A_177 = arith.constant 384 : i32
      %dma_start3A_178 = arith.constant 0 : i32
      %dma_start3A_179 = tpu.memref_slice %arg5[%get3A_4, %dma_start3A_177, %dma_start3A_178] : memref<8x768x3072xf32, #tpu.memory_space<any>> -> memref<1x192x3072xf32, #tpu.memory_space<any>>
      %dma_start3A_180 = tpu.memref_squeeze %dma_start3A_179 : memref<1x192x3072xf32, #tpu.memory_space<any>> -> memref<192x3072xf32, #tpu.memory_space<any>>
      tpu.enqueue_dma source(%dma_start3A_180 : memref<192x3072xf32, #tpu.memory_space<any>>) target(%dma_start3A_176 : memref<192x3072xf32, #tpu.memory_space<vmem>>) target_semaphore(%dma_start3A_172 : memref<!tpu.dma_semaphore, #tpu.memory_space<semaphore_mem>>)
      %dma_start3A_181 = tpu.memref_slice %arg12[%sub3A_71] : memref<2x!tpu.dma_semaphore, #tpu.memory_space<semaphore_mem>> -> memref<1x!tpu.dma_semaphore, #tpu.memory_space<semaphore_mem>>
      %dma_start3A_182 = tpu.memref_squeeze %dma_start3A_181 : memref<1x!tpu.dma_semaphore, #tpu.memory_space<semaphore_mem>> -> memref<!tpu.dma_semaphore, #tpu.memory_space<semaphore_mem>>
      %dma_start3A_183 = arith.constant 576 : i32
      %dma_start3A_184 = arith.constant 0 : i32
      %dma_start3A_185 = tpu.memref_slice %arg10[%sub3A_71, %dma_start3A_183, %dma_start3A_184] : memref<2x768x3072xf32, #tpu.memory_space<vmem>> -> memref<1x192x3072xf32, #tpu.memory_space<vmem>>
      %dma_start3A_186 = tpu.memref_squeeze %dma_start3A_185 : memref<1x192x3072xf32, #tpu.memory_space<vmem>> -> memref<192x3072xf32, #tpu.memory_space<vmem>>
      %dma_start3A_187 = arith.constant 576 : i32
      %dma_start3A_188 = arith.constant 0 : i32
      %dma_start3A_189 = tpu.memref_slice %arg5[%get3A_4, %dma_start3A_187, %dma_start3A_188] : memref<8x768x3072xf32, #tpu.memory_space<any>> -> memref<1x192x3072xf32, #tpu.memory_space<any>>
      %dma_start3A_190 = tpu.memref_squeeze %dma_start3A_189 : memref<1x192x3072xf32, #tpu.memory_space<any>> -> memref<192x3072xf32, #tpu.memory_space<any>>
      tpu.enqueue_dma source(%dma_start3A_190 : memref<192x3072xf32, #tpu.memory_space<any>>) target(%dma_start3A_186 : memref<192x3072xf32, #tpu.memory_space<vmem>>) target_semaphore(%dma_start3A_182 : memref<!tpu.dma_semaphore, #tpu.memory_space<semaphore_mem>>)
    } else {
    }
    %get3A_24 = arith.constant 0 : index
    %get3A_25 = arith.constant 0 : index
    %get3A_26 = vector.load %arg2[%get3A_24, %get3A_25] : memref<256x768xf32, #tpu.memory_space<vmem>>, vector<256x768xf32>
    %get3A_27 = arith.index_cast %get3A_7 : i32 to index
    %get3A_28 = arith.constant 0 : index
    %get3A_29 = arith.constant 0 : index
    %get3A_30 = vector.load %arg9[%get3A_27, %get3A_28, %get3A_29] : memref<2x6144x768xf32, #tpu.memory_space<vmem>>, vector<1x6144x768xf32>
    %get3A_31 = vector.shape_cast %get3A_30 : vector<1x6144x768xf32> to vector<6144x768xf32>
    %dot_general3A = arith.constant dense<0.000000e+00> : vector<256x6144xf32>
    %dot_general3A_32 = tpu.matmul %get3A_26, %get3A_31, %dot_general3A {dimension_numbers = #tpu.dot_dimension_numbers<[1], [1], [0], [0], [0, 0, 1, 0], [], []>, transpose_lhs_hint = false} : vector<256x768xf32>, vector<6144x768xf32>, vector<256x6144xf32> -> vector<256x6144xf32>
    %get3A_33 = arith.constant 0 : index
    %get3A_34 = arith.constant 0 : index
    %get3A_35 = arith.constant 0 : index
    %get3A_36 = vector.load %arg4[%get3A_33, %get3A_34, %get3A_35] : memref<1x1x6144xf32, #tpu.memory_space<vmem>>, vector<1x1x6144xf32>
    %get3A_37 = vector.shape_cast %get3A_36 : vector<1x1x6144xf32> to vector<1x6144xf32>
    %add3A = vector.broadcast %get3A_37 : vector<1x6144xf32> to vector<256x6144xf32>
    %add3A_38 = arith.addf %dot_general3A_32, %add3A : vector<256x6144xf32>
    %slice3A = vector.extract_strided_slice %add3A_38 {offsets = [0, 0], sizes = [256, 3072], strides = [1, 1]} : vector<256x6144xf32> to vector<256x3072xf32>
    %slice3A_39 = vector.extract_strided_slice %add3A_38 {offsets = [0, 3072], sizes = [256, 3072], strides = [1, 1]} : vector<256x6144xf32> to vector<256x3072xf32>
    %mul3A = arith.constant 5.000000e-01 : f32
    %mul3A_40 = vector.broadcast %mul3A : f32 to vector<256x3072xf32>
    %mul3A_41 = arith.mulf %slice3A_39, %mul3A_40 : vector<256x3072xf32>
    %mul3A_42 = arith.constant 0.707106769 : f32
    %mul3A_43 = vector.broadcast %mul3A_42 : f32 to vector<256x3072xf32>
    %mul3A_44 = arith.mulf %slice3A_39, %mul3A_43 : vector<256x3072xf32>
    %erf3A = math.erf %mul3A_44 : vector<256x3072xf32>
    %add3A_45 = arith.constant 1.000000e+00 : f32
    %add3A_46 = vector.broadcast %add3A_45 : f32 to vector<256x3072xf32>
    %add3A_47 = arith.addf %add3A_46, %erf3A : vector<256x3072xf32>
    %mul3A_48 = arith.mulf %mul3A_41, %add3A_47 : vector<256x3072xf32>
    %mul3A_49 = arith.mulf %slice3A, %mul3A_48 : vector<256x3072xf32>
    %get3A_50 = arith.index_cast %get3A_7 : i32 to index
    %get3A_51 = arith.constant 0 : index
    %get3A_52 = arith.constant 0 : index
    %get3A_53 = vector.load %arg10[%get3A_50, %get3A_51, %get3A_52] : memref<2x768x3072xf32, #tpu.memory_space<vmem>>, vector<1x768x3072xf32>
    %get3A_54 = vector.shape_cast %get3A_53 : vector<1x768x3072xf32> to vector<768x3072xf32>
    %dot_general3A_55 = arith.constant dense<0.000000e+00> : vector<256x768xf32>
    %dot_general3A_56 = tpu.matmul %mul3A_49, %get3A_54, %dot_general3A_55 {dimension_numbers = #tpu.dot_dimension_numbers<[1], [1], [0], [0], [0, 0, 1, 0], [], []>, transpose_lhs_hint = false} : vector<256x3072xf32>, vector<768x3072xf32>, vector<256x768xf32> -> vector<256x768xf32>
    %get3A_57 = arith.constant 0 : index
    %get3A_58 = arith.constant 0 : index
    %get3A_59 = arith.constant 0 : index
    %get3A_60 = vector.load %arg6[%get3A_57, %get3A_58, %get3A_59] : memref<1x1x768xf32, #tpu.memory_space<vmem>>, vector<1x1x768xf32>
    %get3A_61 = vector.shape_cast %get3A_60 : vector<1x1x768xf32> to vector<1x768xf32>
    %add3A_62 = vector.broadcast %get3A_61 : vector<1x768xf32> to vector<256x768xf32>
    %add3A_63 = arith.addf %dot_general3A_56, %add3A_62 : vector<256x768xf32>
    %get3A_64 = arith.constant 0 : index
    %get3A_65 = arith.constant 0 : index
    %get3A_66 = vector.load %arg7[%get3A_64, %get3A_65] : memref<256x128xf32, #tpu.memory_space<vmem>>, vector<256x1xf32>
    %mul3A_67 = vector.broadcast %get3A_66 : vector<256x1xf32> to vector<256x768xf32>
    %mul3A_68 = arith.mulf %add3A_63, %mul3A_67 : vector<256x768xf32>
    %swap3A = arith.constant 0 : index
    %swap3A_69 = arith.constant 0 : index
    %swap3A_70 = vector.load %arg8[%swap3A, %swap3A_69] : memref<256x768xf32, #tpu.memory_space<vmem>>, vector<256x768xf32>
    tpu.vector_store %arg8[%swap3A, %swap3A_69], %mul3A_68 {strides = array<i32>} : memref<256x768xf32, #tpu.memory_space<vmem>>, vector<256x768xf32>,
    return
  }
  func.func @transform_0(%arg0: i32, %arg1: memref<4x23xi32, #tpu.memory_space<smem>>) -> (i32, i32) {
    %c0_i32 = arith.constant 0 : i32
    %c0_i32_0 = arith.constant 0 : i32
    return %arg0, %c0_i32 : i32, i32
  }
  func.func @transform_2(%arg0: i32, %arg1: memref<4x23xi32, #tpu.memory_space<smem>>) -> (i32, i32, i32) {
    %get3A = arith.constant 0 : index
    %get3A_0 = arith.index_cast %arg0 : i32 to index
    %get3A_1 = memref.load %arg1[%get3A, %get3A_0] : memref<4x23xi32, #tpu.memory_space<smem>>
    %c0_i32 = arith.constant 0 : i32
    %c0_i32_2 = arith.constant 0 : i32
    %c0_i32_3 = arith.constant 0 : i32
    return %get3A_1, %c0_i32, %c0_i32_2 : i32, i32, i32
  }
  func.func @transform_4(%arg0: i32, %arg1: memref<4x23xi32, #tpu.memory_space<smem>>) -> (i32, i32, i32) {
    %get3A = arith.constant 0 : index
    %get3A_0 = arith.index_cast %arg0 : i32 to index
    %get3A_1 = memref.load %arg1[%get3A, %get3A_0] : memref<4x23xi32, #tpu.memory_space<smem>>
    %c0_i32 = arith.constant 0 : i32
    %c0_i32_2 = arith.constant 0 : i32
    %c0_i32_3 = arith.constant 0 : i32
    return %get3A_1, %c0_i32, %c0_i32_2 : i32, i32, i32
  }
  func.func @transform_5(%arg0: i32, %arg1: memref<4x23xi32, #tpu.memory_space<smem>>) -> (i32, i32) {
    %c0_i32 = arith.constant 0 : i32
    %c0_i32_0 = arith.constant 0 : i32
    return %arg0, %c0_i32 : i32, i32
  }
  func.func @transform_6(%arg0: i32, %arg1: memref<4x23xi32, #tpu.memory_space<smem>>) -> (i32, i32) {
    %c0_i32 = arith.constant 0 : i32
    %c0_i32_0 = arith.constant 0 : i32
    return %arg0, %c0_i32 : i32, i32
  }
}

module attributes {stable_mosaic.version = 14 : i64} {
  func.func @_router_body(%arg0: memref<2048x768xf32, #tpu.memory_space<vmem>>, %arg1: memref<8x768xf32, #tpu.memory_space<vmem>>, %arg2: memref<1x8xf32, #tpu.memory_space<vmem>>, %arg3: memref<2048x8xf32, #tpu.memory_space<vmem>>, %arg4: memref<8x128xf32, #tpu.memory_space<vmem>>, %arg5: memref<2048x128xf32, #tpu.memory_space<vmem>>, %arg6: memref<2048x128xf32, #tpu.memory_space<vmem>>) attributes {dimension_semantics = [], scalar_prefetch = 0 : i64, scratch_operands = 0 : i64, tpu.core_type = #tpu.core_type<tc>} {
    %get3A = arith.constant 0 : index
    %get3A_0 = arith.constant 0 : index
    %get3A_1 = vector.load %arg0[%get3A, %get3A_0] : memref<2048x768xf32, #tpu.memory_space<vmem>>, vector<2048x768xf32>
    %get3A_2 = arith.constant 0 : index
    %get3A_3 = arith.constant 0 : index
    %get3A_4 = vector.load %arg1[%get3A_2, %get3A_3] : memref<8x768xf32, #tpu.memory_space<vmem>>, vector<8x768xf32>
    %dot_general3A = arith.constant dense<0.000000e+00> : vector<2048x8xf32>
    %dot_general3A_5 = tpu.matmul %get3A_1, %get3A_4, %dot_general3A {dimension_numbers = #tpu.dot_dimension_numbers<[1], [1], [0], [0], [0, 0, 1, 0], [], []>, transpose_lhs_hint = false} : vector<2048x768xf32>, vector<8x768xf32>, vector<2048x8xf32> -> vector<2048x8xf32>
    %get3A_6 = arith.constant 0 : index
    %get3A_7 = arith.constant 0 : index
    %get3A_8 = vector.load %arg2[%get3A_6, %get3A_7] : memref<1x8xf32, #tpu.memory_space<vmem>>, vector<1x8xf32>
    %add3A = vector.broadcast %get3A_8 : vector<1x8xf32> to vector<2048x8xf32>
    %add3A_9 = arith.addf %dot_general3A_5, %add3A : vector<2048x8xf32>
    %iota3A = tpu.iota {dimensions = array<i32: 1>} : vector<2048x8xi32>
    %reduce_max3A = arith.constant dense<0xFF800000> : vector<2048xf32>
    %reduce_max3A_10 = vector.multi_reduction <maximumf>, %add3A_9, %reduce_max3A [1] : vector<2048x8xf32> to vector<2048xf32>
    %broadcast_in_dim3A = vector.shape_cast %reduce_max3A_10 : vector<2048xf32> to vector<2048x1xf32>
    %eq3A = vector.broadcast %broadcast_in_dim3A : vector<2048x1xf32> to vector<2048x8xf32>
    %eq3A_11 = arith.cmpf oeq, %add3A_9, %eq3A : vector<2048x8xf32>
    %jit3A = arith.constant 8 : i32
    %broadcast_in_dim3A_12 = vector.broadcast %jit3A : i32 to vector<2048x8xi32>
    %select_n3A = arith.select %eq3A_11, %iota3A, %broadcast_in_dim3A_12 : vector<2048x8xi1>, vector<2048x8xi32>
    %reduce_min3A = arith.constant dense<2147483647> : vector<2048xi32>
    %reduce_min3A_13 = vector.multi_reduction <minsi>, %select_n3A, %reduce_min3A [1] : vector<2048x8xi32> to vector<2048xi32>
    %broadcast_in_dim3A_14 = vector.shape_cast %reduce_min3A_13 : vector<2048xi32> to vector<2048x1xi32>
    %eq3A_15 = vector.broadcast %broadcast_in_dim3A_14 : vector<2048x1xi32> to vector<2048x8xi32>
    %eq3A_16 = arith.cmpi eq, %iota3A, %eq3A_15 : vector<2048x8xi32>
    %jit3A_17 = arith.constant 0xFF800000 : f32
    %broadcast_in_dim3A_18 = vector.broadcast %jit3A_17 : f32 to vector<2048x8xf32>
    %select_n3A_19 = arith.select %eq3A_16, %broadcast_in_dim3A_18, %add3A_9 : vector<2048x8xi1>, vector<2048x8xf32>
    %reduce_max3A_20 = arith.constant dense<0xFF800000> : vector<2048xf32>
    %reduce_max3A_21 = vector.multi_reduction <maximumf>, %select_n3A_19, %reduce_max3A_20 [1] : vector<2048x8xf32> to vector<2048xf32>
    %broadcast_in_dim3A_22 = vector.shape_cast %reduce_max3A_21 : vector<2048xf32> to vector<2048x1xf32>
    %eq3A_23 = vector.broadcast %broadcast_in_dim3A_22 : vector<2048x1xf32> to vector<2048x8xf32>
    %eq3A_24 = arith.cmpf oeq, %select_n3A_19, %eq3A_23 : vector<2048x8xf32>
    %jit3A_25 = arith.constant 8 : i32
    %broadcast_in_dim3A_26 = vector.broadcast %jit3A_25 : i32 to vector<2048x8xi32>
    %select_n3A_27 = arith.select %eq3A_24, %iota3A, %broadcast_in_dim3A_26 : vector<2048x8xi1>, vector<2048x8xi32>
    %reduce_min3A_28 = arith.constant dense<2147483647> : vector<2048xi32>
    %reduce_min3A_29 = vector.multi_reduction <minsi>, %select_n3A_27, %reduce_min3A_28 [1] : vector<2048x8xi32> to vector<2048xi32>
    %broadcast_in_dim3A_30 = vector.shape_cast %reduce_min3A_29 : vector<2048xi32> to vector<2048x1xi32>
    %sub3A = arith.subf %broadcast_in_dim3A_22, %broadcast_in_dim3A : vector<2048x1xf32>
    %exp3A = math.exp %sub3A : vector<2048x1xf32>
    %add3A_31 = arith.constant 1.000000e+00 : f32
    %add3A_32 = vector.broadcast %add3A_31 : f32 to vector<2048x1xf32>
    %add3A_33 = arith.addf %add3A_32, %exp3A : vector<2048x1xf32>
    %div3A = arith.constant 1.000000e+00 : f32
    %div3A_34 = vector.broadcast %div3A : f32 to vector<2048x1xf32>
    %div3A_35 = arith.divf %div3A_34, %add3A_33 : vector<2048x1xf32>
    %mul3A = arith.mulf %exp3A, %div3A_35 : vector<2048x1xf32>
    %eq3A_36 = vector.broadcast %broadcast_in_dim3A_14 : vector<2048x1xi32> to vector<2048x8xi32>
    %eq3A_37 = arith.cmpi eq, %iota3A, %eq3A_36 : vector<2048x8xi32>
    %convert_element_type3A = arith.extui %eq3A_37 : vector<2048x8xi1> to vector<2048x8xi32>
    %convert_element_type3A_38 = arith.sitofp %convert_element_type3A : vector<2048x8xi32> to vector<2048x8xf32>
    %eq3A_39 = vector.broadcast %broadcast_in_dim3A_30 : vector<2048x1xi32> to vector<2048x8xi32>
    %eq3A_40 = arith.cmpi eq, %iota3A, %eq3A_39 : vector<2048x8xi32>
    %convert_element_type3A_41 = arith.extui %eq3A_40 : vector<2048x8xi1> to vector<2048x8xi32>
    %convert_element_type3A_42 = arith.sitofp %convert_element_type3A_41 : vector<2048x8xi32> to vector<2048x8xf32>
    %add3A_43 = arith.addf %convert_element_type3A_38, %convert_element_type3A_42 : vector<2048x8xf32>
    %iota3A_44 = tpu.iota {dimensions = array<i32: 0>} : vector<2048x2048xi32>
    %iota3A_45 = tpu.iota {dimensions = array<i32: 1>} : vector<2048x2048xi32>
    %ge3A = arith.cmpi sge, %iota3A_44, %iota3A_45 : vector<2048x2048xi32>
    %convert_element_type3A_46 = arith.extui %ge3A : vector<2048x2048xi1> to vector<2048x2048xi32>
    %convert_element_type3A_47 = arith.sitofp %convert_element_type3A_46 : vector<2048x2048xi32> to vector<2048x2048xf32>
    %dot_general3A_48 = arith.constant dense<0.000000e+00> : vector<2048x8xf32>
    %dot_general3A_49 = tpu.matmul %convert_element_type3A_47, %add3A_43, %dot_general3A_48 {dimension_numbers = #tpu.dot_dimension_numbers<[1], [0], [0], [1], [0, 0, 1, 1], [], []>, transpose_lhs_hint = false} : vector<2048x2048xf32>, vector<2048x8xf32>, vector<2048x8xf32> -> vector<2048x8xf32>
    %sub3A_50 = arith.subf %dot_general3A_49, %add3A_43 : vector<2048x8xf32>
    %slice3A = vector.extract_strided_slice %dot_general3A_49 {offsets = [2047, 0], sizes = [1, 8], strides = [1, 1]} : vector<2048x8xf32> to vector<1x8xf32>
    %broadcast_in_dim3A_51 = arith.constant 1.000000e+00 : f32
    %broadcast_in_dim3A_52 = vector.broadcast %broadcast_in_dim3A_51 : f32 to vector<2048x1xf32>
    %dot_general3A_53 = arith.constant dense<0.000000e+00> : vector<8x1xf32>
    %dot_general3A_54 = tpu.matmul %add3A_43, %broadcast_in_dim3A_52, %dot_general3A_53 {dimension_numbers = #tpu.dot_dimension_numbers<[0], [0], [1], [1], [0, 1, 1, 1], [], []>, transpose_lhs_hint = false} : vector<2048x8xf32>, vector<2048x1xf32>, vector<8x1xf32> -> vector<8x1xf32>
    %add3A_55 = arith.constant 2.550000e+02 : f32
    %add3A_56 = vector.broadcast %add3A_55 : f32 to vector<1x8xf32>
    %add3A_57 = arith.addf %slice3A, %add3A_56 : vector<1x8xf32>
    %mul3A_58 = arith.constant 3.906250e-03 : f32
    %mul3A_59 = vector.broadcast %mul3A_58 : f32 to vector<1x8xf32>
    %mul3A_60 = arith.mulf %add3A_57, %mul3A_59 : vector<1x8xf32>
    %floor3A = math.floor %mul3A_60 : vector<1x8xf32>
    %mul3A_61 = arith.constant 2.560000e+02 : f32
    %mul3A_62 = vector.broadcast %mul3A_61 : f32 to vector<1x8xf32>
    %mul3A_63 = arith.mulf %floor3A, %mul3A_62 : vector<1x8xf32>
    %add3A_64 = arith.constant 2.550000e+02 : f32
    %add3A_65 = vector.broadcast %add3A_64 : f32 to vector<8x1xf32>
    %add3A_66 = arith.addf %dot_general3A_54, %add3A_65 : vector<8x1xf32>
    %mul3A_67 = arith.constant 3.906250e-03 : f32
    %mul3A_68 = vector.broadcast %mul3A_67 : f32 to vector<8x1xf32>
    %mul3A_69 = arith.mulf %add3A_66, %mul3A_68 : vector<8x1xf32>
    %floor3A_70 = math.floor %mul3A_69 : vector<8x1xf32>
    %mul3A_71 = arith.constant 2.560000e+02 : f32
    %mul3A_72 = vector.broadcast %mul3A_71 : f32 to vector<8x1xf32>
    %mul3A_73 = arith.mulf %floor3A_70, %mul3A_72 : vector<8x1xf32>
    %iota3A_74 = tpu.iota {dimensions = array<i32: 0>} : vector<8x8xi32>
    %iota3A_75 = tpu.iota {dimensions = array<i32: 1>} : vector<8x8xi32>
    %le3A = arith.cmpi sle, %iota3A_74, %iota3A_75 : vector<8x8xi32>
    %convert_element_type3A_76 = arith.extui %le3A : vector<8x8xi1> to vector<8x8xi32>
    %convert_element_type3A_77 = arith.sitofp %convert_element_type3A_76 : vector<8x8xi32> to vector<8x8xf32>
    %dot_general3A_78 = arith.constant dense<0.000000e+00> : vector<1x8xf32>
    %dot_general3A_79 = tpu.matmul %mul3A_63, %convert_element_type3A_77, %dot_general3A_78 {dimension_numbers = #tpu.dot_dimension_numbers<[1], [0], [0], [1], [0, 0, 1, 1], [], []>, transpose_lhs_hint = false} : vector<1x8xf32>, vector<8x8xf32>, vector<1x8xf32> -> vector<1x8xf32>
    %sub3A_80 = arith.subf %dot_general3A_79, %mul3A_63 : vector<1x8xf32>
    %ge3A_81 = arith.cmpi sge, %iota3A_74, %iota3A_75 : vector<8x8xi32>
    %convert_element_type3A_82 = arith.extui %ge3A_81 : vector<8x8xi1> to vector<8x8xi32>
    %convert_element_type3A_83 = arith.sitofp %convert_element_type3A_82 : vector<8x8xi32> to vector<8x8xf32>
    %dot_general3A_84 = arith.constant dense<0.000000e+00> : vector<8x1xf32>
    %dot_general3A_85 = tpu.matmul %convert_element_type3A_83, %mul3A_73, %dot_general3A_84 {dimension_numbers = #tpu.dot_dimension_numbers<[1], [0], [0], [1], [0, 0, 1, 1], [], []>, transpose_lhs_hint = false} : vector<8x8xf32>, vector<8x1xf32>, vector<8x1xf32> -> vector<8x1xf32>
    %add3A_86 = vector.broadcast %sub3A_80 : vector<1x8xf32> to vector<2048x8xf32>
    %add3A_87 = arith.addf %sub3A_50, %add3A_86 : vector<2048x8xf32>
    %mul3A_88 = arith.mulf %convert_element_type3A_38, %add3A_87 : vector<2048x8xf32>
    %reduce_sum3A = arith.constant dense<0.000000e+00> : vector<2048xf32>
    %reduce_sum3A_89 = vector.multi_reduction <add>, %mul3A_88, %reduce_sum3A [1] : vector<2048x8xf32> to vector<2048xf32>
    %broadcast_in_dim3A_90 = vector.shape_cast %reduce_sum3A_89 : vector<2048xf32> to vector<2048x1xf32>
    %mul3A_91 = arith.mulf %convert_element_type3A_42, %add3A_87 : vector<2048x8xf32>
    %reduce_sum3A_92 = arith.constant dense<0.000000e+00> : vector<2048xf32>
    %reduce_sum3A_93 = vector.multi_reduction <add>, %mul3A_91, %reduce_sum3A_92 [1] : vector<2048x8xf32> to vector<2048xf32>
    %broadcast_in_dim3A_94 = vector.shape_cast %reduce_sum3A_93 : vector<2048xf32> to vector<2048x1xf32>
    %sub3A_95 = arith.subf %dot_general3A_85, %mul3A_73 : vector<8x1xf32>
    %gt3A = arith.constant 0.000000e+00 : f32
    %gt3A_96 = vector.broadcast %gt3A : f32 to vector<8x1xf32>
    %gt3A_97 = arith.cmpf ogt, %mul3A_73, %gt3A_96 : vector<8x1xf32>
    %iota3A_98 = tpu.iota {dimensions = array<i32: 1>} : vector<8x128xi32>
    %convert_element_type3A_99 = arith.sitofp %iota3A_98 : vector<8x128xi32> to vector<8x128xf32>
    %mul3A_100 = arith.constant 2.560000e+02 : f32
    %mul3A_101 = vector.broadcast %mul3A_100 : f32 to vector<8x128xf32>
    %mul3A_102 = arith.mulf %convert_element_type3A_99, %mul3A_101 : vector<8x128xf32>
    %iota3A_103 = tpu.iota {dimensions = array<i32: 0>} : vector<8x128xi32>
    %convert_element_type3A_104 = arith.sitofp %iota3A_103 : vector<8x128xi32> to vector<8x128xf32>
    %le3A_105 = vector.broadcast %sub3A_95 : vector<8x1xf32> to vector<8x128xf32>
    %le3A_106 = arith.cmpf ole, %le3A_105, %mul3A_102 : vector<8x128xf32>
    %and3A = vector.broadcast %gt3A_97 : vector<8x1xi1> to vector<8x128xi1>
    %and3A_107 = arith.andi %and3A, %le3A_106 : vector<8x128xi1>
    %jit3A_108 = arith.constant -1.000000e+00 : f32
    %broadcast_in_dim3A_109 = vector.broadcast %jit3A_108 : f32 to vector<8x128xf32>
    %select_n3A_110 = arith.select %and3A_107, %convert_element_type3A_104, %broadcast_in_dim3A_109 : vector<8x128xi1>, vector<8x128xf32>
    %reduce_max3A_111 = arith.constant dense<0xFF800000> : vector<128xf32>
    %reduce_max3A_112 = vector.multi_reduction <maximumf>, %select_n3A_110, %reduce_max3A_111 [0] : vector<8x128xf32> to vector<128xf32>
    %broadcast_in_dim3A_113 = vector.shape_cast %reduce_max3A_112 : vector<128xf32> to vector<1x128xf32>
    %convert_element_type3A_114 = arith.extui %and3A_107 : vector<8x128xi1> to vector<8x128xi32>
    %convert_element_type3A_115 = arith.sitofp %convert_element_type3A_114 : vector<8x128xi32> to vector<8x128xf32>
    %reduce_sum3A_116 = arith.constant dense<0.000000e+00> : vector<128xf32>
    %reduce_sum3A_117 = vector.multi_reduction <add>, %convert_element_type3A_115, %reduce_sum3A_116 [0] : vector<8x128xf32> to vector<128xf32>
    %broadcast_in_dim3A_118 = vector.shape_cast %reduce_sum3A_117 : vector<128xf32> to vector<1x128xf32>
    %sub3A_119 = arith.constant 1.000000e+00 : f32
    %sub3A_120 = vector.broadcast %sub3A_119 : f32 to vector<1x128xf32>
    %sub3A_121 = arith.subf %broadcast_in_dim3A_118, %sub3A_120 : vector<1x128xf32>
    %mul3A_122 = arith.constant 5.000000e-01 : f32
    %mul3A_123 = vector.broadcast %mul3A_122 : f32 to vector<1x128xf32>
    %mul3A_124 = arith.mulf %sub3A_121, %mul3A_123 : vector<1x128xf32>
    %floor3A_125 = math.floor %mul3A_124 : vector<1x128xf32>
    %mul3A_126 = arith.constant 2.000000e+00 : f32
    %mul3A_127 = vector.broadcast %mul3A_126 : f32 to vector<1x128xf32>
    %mul3A_128 = arith.mulf %mul3A_127, %floor3A_125 : vector<1x128xf32>
    %sub3A_129 = arith.subf %sub3A_121, %mul3A_128 : vector<1x128xf32>
    %eq3A_130 = vector.broadcast %sub3A_95 : vector<8x1xf32> to vector<8x128xf32>
    %eq3A_131 = arith.cmpf oeq, %eq3A_130, %mul3A_102 : vector<8x128xf32>
    %and3A_132 = vector.broadcast %gt3A_97 : vector<8x1xi1> to vector<8x128xi1>
    %and3A_133 = arith.andi %and3A_132, %eq3A_131 : vector<8x128xi1>
    %convert_element_type3A_134 = arith.extui %and3A_133 : vector<8x128xi1> to vector<8x128xi32>
    %convert_element_type3A_135 = arith.sitofp %convert_element_type3A_134 : vector<8x128xi32> to vector<8x128xf32>
    %reduce_sum3A_136 = arith.constant dense<0.000000e+00> : vector<128xf32>
    %reduce_sum3A_137 = vector.multi_reduction <add>, %convert_element_type3A_135, %reduce_sum3A_136 [0] : vector<8x128xf32> to vector<128xf32>
    %broadcast_in_dim3A_138 = vector.shape_cast %reduce_sum3A_137 : vector<128xf32> to vector<1x128xf32>
    %gt3A_139 = vector.broadcast %sub3A_95 : vector<8x1xf32> to vector<8x128xf32>
    %gt3A_140 = arith.cmpf ogt, %gt3A_139, %mul3A_102 : vector<8x128xf32>
    %and3A_141 = vector.broadcast %gt3A_97 : vector<8x1xi1> to vector<8x128xi1>
    %and3A_142 = arith.andi %and3A_141, %gt3A_140 : vector<8x128xi1>
    %jit3A_143 = arith.constant 9.900000e+01 : f32
    %broadcast_in_dim3A_144 = vector.broadcast %jit3A_143 : f32 to vector<8x128xf32>
    %select_n3A_145 = arith.select %and3A_142, %convert_element_type3A_104, %broadcast_in_dim3A_144 : vector<8x128xi1>, vector<8x128xf32>
    %reduce_min3A_146 = arith.constant dense<0x7F800000> : vector<128xf32>
    %reduce_min3A_147 = vector.multi_reduction <minimumf>, %select_n3A_145, %reduce_min3A_146 [0] : vector<8x128xf32> to vector<128xf32>
    %broadcast_in_dim3A_148 = vector.shape_cast %reduce_min3A_147 : vector<128xf32> to vector<1x128xf32>
    %iota3A_149 = tpu.iota {dimensions = array<i32: 1>} : vector<2048x8xi32>
    %eq3A_150 = arith.constant 0 : i32
    %eq3A_151 = vector.broadcast %eq3A_150 : i32 to vector<2048x8xi32>
    %eq3A_152 = arith.cmpi eq, %iota3A_149, %eq3A_151 : vector<2048x8xi32>
    %eq3A_153 = arith.constant 1 : i32
    %eq3A_154 = vector.broadcast %eq3A_153 : i32 to vector<2048x8xi32>
    %eq3A_155 = arith.cmpi eq, %iota3A_149, %eq3A_154 : vector<2048x8xi32>
    %eq3A_156 = arith.constant 2 : i32
    %eq3A_157 = vector.broadcast %eq3A_156 : i32 to vector<2048x8xi32>
    %eq3A_158 = arith.cmpi eq, %iota3A_149, %eq3A_157 : vector<2048x8xi32>
    %eq3A_159 = arith.constant 3 : i32
    %eq3A_160 = vector.broadcast %eq3A_159 : i32 to vector<2048x8xi32>
    %eq3A_161 = arith.cmpi eq, %iota3A_149, %eq3A_160 : vector<2048x8xi32>
    %jit3A_162 = arith.constant 0.000000e+00 : f32
    %broadcast_in_dim3A_163 = vector.shape_cast %mul3A : vector<2048x1xf32> to vector<2048x1xf32>
    %broadcast_in_dim3A_164 = vector.broadcast %broadcast_in_dim3A_163 : vector<2048x1xf32> to vector<2048x8xf32>
    %broadcast_in_dim3A_165 = vector.broadcast %jit3A_162 : f32 to vector<2048x8xf32>
    %select_n3A_166 = arith.select %eq3A_161, %broadcast_in_dim3A_164, %broadcast_in_dim3A_165 : vector<2048x8xi1>, vector<2048x8xf32>
    %broadcast_in_dim3A_167 = vector.shape_cast %div3A_35 : vector<2048x1xf32> to vector<2048x1xf32>
    %broadcast_in_dim3A_168 = vector.broadcast %broadcast_in_dim3A_167 : vector<2048x1xf32> to vector<2048x8xf32>
    %select_n3A_169 = arith.select %eq3A_158, %broadcast_in_dim3A_168, %select_n3A_166 : vector<2048x8xi1>, vector<2048x8xf32>
    %broadcast_in_dim3A_170 = vector.shape_cast %broadcast_in_dim3A_94 : vector<2048x1xf32> to vector<2048x1xf32>
    %broadcast_in_dim3A_171 = vector.broadcast %broadcast_in_dim3A_170 : vector<2048x1xf32> to vector<2048x8xf32>
    %select_n3A_172 = arith.select %eq3A_155, %broadcast_in_dim3A_171, %select_n3A_169 : vector<2048x8xi1>, vector<2048x8xf32>
    %broadcast_in_dim3A_173 = vector.shape_cast %broadcast_in_dim3A_90 : vector<2048x1xf32> to vector<2048x1xf32>
    %broadcast_in_dim3A_174 = vector.broadcast %broadcast_in_dim3A_173 : vector<2048x1xf32> to vector<2048x8xf32>
    %select_n3A_175 = arith.select %eq3A_152, %broadcast_in_dim3A_174, %select_n3A_172 : vector<2048x8xi1>, vector<2048x8xf32>
    %swap3A = arith.constant 0 : index
    %swap3A_176 = arith.constant 0 : index
    %swap3A_177 = vector.load %arg3[%swap3A, %swap3A_176] : memref<2048x8xf32, #tpu.memory_space<vmem>>, vector<2048x8xf32>
    tpu.vector_store %arg3[%swap3A, %swap3A_176], %select_n3A_175 {strides = array<i32>} : memref<2048x8xf32, #tpu.memory_space<vmem>>, vector<2048x8xf32>,
    %iota3A_178 = tpu.iota {dimensions = array<i32: 0>} : vector<8x128xi32>
    %eq3A_179 = arith.constant 0 : i32
    %eq3A_180 = vector.broadcast %eq3A_179 : i32 to vector<8x128xi32>
    %eq3A_181 = arith.cmpi eq, %iota3A_178, %eq3A_180 : vector<8x128xi32>
    %eq3A_182 = arith.constant 1 : i32
    %eq3A_183 = vector.broadcast %eq3A_182 : i32 to vector<8x128xi32>
    %eq3A_184 = arith.cmpi eq, %iota3A_178, %eq3A_183 : vector<8x128xi32>
    %eq3A_185 = arith.constant 2 : i32
    %eq3A_186 = vector.broadcast %eq3A_185 : i32 to vector<8x128xi32>
    %eq3A_187 = arith.cmpi eq, %iota3A_178, %eq3A_186 : vector<8x128xi32>
    %broadcast_in_dim3A_188 = vector.shape_cast %sub3A_129 : vector<1x128xf32> to vector<1x128xf32>
    %broadcast_in_dim3A_189 = vector.broadcast %broadcast_in_dim3A_188 : vector<1x128xf32> to vector<8x128xf32>
    %broadcast_in_dim3A_190 = vector.shape_cast %broadcast_in_dim3A_138 : vector<1x128xf32> to vector<1x128xf32>
    %broadcast_in_dim3A_191 = vector.broadcast %broadcast_in_dim3A_190 : vector<1x128xf32> to vector<8x128xf32>
    %select_n3A_192 = arith.select %eq3A_187, %broadcast_in_dim3A_189, %broadcast_in_dim3A_191 : vector<8x128xi1>, vector<8x128xf32>
    %broadcast_in_dim3A_193 = vector.shape_cast %broadcast_in_dim3A_148 : vector<1x128xf32> to vector<1x128xf32>
    %broadcast_in_dim3A_194 = vector.broadcast %broadcast_in_dim3A_193 : vector<1x128xf32> to vector<8x128xf32>
    %select_n3A_195 = arith.select %eq3A_184, %broadcast_in_dim3A_194, %select_n3A_192 : vector<8x128xi1>, vector<8x128xf32>
    %broadcast_in_dim3A_196 = vector.shape_cast %broadcast_in_dim3A_113 : vector<1x128xf32> to vector<1x128xf32>
    %broadcast_in_dim3A_197 = vector.broadcast %broadcast_in_dim3A_196 : vector<1x128xf32> to vector<8x128xf32>
    %select_n3A_198 = arith.select %eq3A_181, %broadcast_in_dim3A_197, %select_n3A_195 : vector<8x128xi1>, vector<8x128xf32>
    %swap3A_199 = arith.constant 0 : index
    %swap3A_200 = arith.constant 0 : index
    %swap3A_201 = vector.load %arg4[%swap3A_199, %swap3A_200] : memref<8x128xf32, #tpu.memory_space<vmem>>, vector<8x128xf32>
    tpu.vector_store %arg4[%swap3A_199, %swap3A_200], %select_n3A_198 {strides = array<i32>} : memref<8x128xf32, #tpu.memory_space<vmem>>, vector<8x128xf32>,
    %broadcast_in_dim3A_202 = vector.shape_cast %div3A_35 : vector<2048x1xf32> to vector<2048x1xf32>
    %broadcast_in_dim3A_203 = vector.broadcast %broadcast_in_dim3A_202 : vector<2048x1xf32> to vector<2048x128xf32>
    %swap3A_204 = arith.constant 0 : index
    %swap3A_205 = arith.constant 0 : index
    %swap3A_206 = vector.load %arg5[%swap3A_204, %swap3A_205] : memref<2048x128xf32, #tpu.memory_space<vmem>>, vector<2048x128xf32>
    tpu.vector_store %arg5[%swap3A_204, %swap3A_205], %broadcast_in_dim3A_203 {strides = array<i32>} : memref<2048x128xf32, #tpu.memory_space<vmem>>, vector<2048x128xf32>,
    %broadcast_in_dim3A_207 = vector.shape_cast %mul3A : vector<2048x1xf32> to vector<2048x1xf32>
    %broadcast_in_dim3A_208 = vector.broadcast %broadcast_in_dim3A_207 : vector<2048x1xf32> to vector<2048x128xf32>
    %swap3A_209 = arith.constant 0 : index
    %swap3A_210 = arith.constant 0 : index
    %swap3A_211 = vector.load %arg6[%swap3A_209, %swap3A_210] : memref<2048x128xf32, #tpu.memory_space<vmem>>, vector<2048x128xf32>
    tpu.vector_store %arg6[%swap3A_209, %swap3A_210], %broadcast_in_dim3A_208 {strides = array<i32>} : memref<2048x128xf32, #tpu.memory_space<vmem>>, vector<2048x128xf32>,
    return
  }
}

</mosaic_0001>

<sc_bundles>
// kernel: kernel.6.cloned.1.call-start
scs
__scs_entry_jumppad:
0x0: {  	(pc) =	sbr.rel $0x88, $3  }
0x1: {  	(tag) =	ssettag $0x0;
	lr =	simm.s32 $0x1  }
0x2: {  	[smem:$0x3F9A] =	sst lr;
	_ =	strace $0xD0000000  }
0x3: {  	_ = 	snop  }
0x4: {  	_ = 	snop  }
0x5: {  	_ = 	snop  }
0x6: {  	_ = 	snop  }
0x7: {  	_ = 	snop  }
__scs_overlays_trampoline_lowered:
0x8: {  	[smem:$0x3FA9] =	sst s0  }
0x9: {  	[smem:$0x3FAA] =	sst s1  }
0xa: {  	[smem:$0x3FAB] =	sst s2  }
0xb: {  	[smem:$0x3FAC] =	sst s3  }
0xc: {  	[smem:$0x3FAD] =	sst s4  }
0xd: {  	[smem:$0x3FAE] =	sst s5  }
0xe: {  	[smem:$0x3FAF] =	sst s6  }
0xf: {  	[smem:$0x3FB0] =	sst s7  }
0x10: {  	[smem:$0x3FB1] =	sst s8  }
0x11: {  	[smem:$0x3FB2] =	sst s9;
	s0 =	simm.s32 @!p0 $0x0  }
0x12: {  	s1 =	sld [smem:$0x3F98];
	s0 =	simm.s32 @p0 $0x1  }
0x13: {  	[smem:$0x3FB3] =	sst s0;
	s0 =	simm.s32 @!p1 $0x0  }
0x14: {  	s2 =	sld [smem:$0x3F97];
	s0 =	simm.s32 @p1 $0x1  }
0x15: {  	[smem:$0x3FB4] =	sst s0;
	s0 =	simm.s32 @!p2 $0x0  }
0x16: {  	s3 =	sld [smem:$0x3FDB];
	s0 =	simm.s32 @p2 $0x1  }
0x17: {  	s4 =	simm.s32 $0x1BF5;
	[smem:$0x3FB6] =	sst s0  }
0x18: {  	s0 =	sld [smem:$0x3F99];
	_ =	swait.ge [sflag:s4], $0x0  }
0x19: {  	s7 =	sld [smem:$0x3F9A]  }
0x1a: {  	s8 =	sadd.s32 $0xFFFFE003, lr  }
0x1b: {  	s9 =	sadd.s32 $0xFFFFFEF7, lr;
	s5 =	simm.s32 $0xFFFFFFFF;
	p2 =	slt.u32 s8, $0xFFFFF086  }
0x1c: {  	p1 =	slt.u32 s9, $0xF7A;
	s5 =	simm.s32 @!p2 $0x0  }
0x1d: {  	s5 =	simm.s32 @p1 $0x1;
	p0 =	seq.s32 s7, s2  }
0x1e: {  	s7 =	smul.u32 @!p0 $0xF7A, s2;
	p2 =	seq.s32 @!p0 s5, $0x0  }
0x1f: {  	s9 =	smul.u32 $0xF7A, s1;
	s8 =	simm.s32 @!p0 $0x1BF5;
	p2 =	por !p2, p0  }
0x20: {  	[sflag:s8] =	ssyncset.s32 @!p0 $0xFFFFF086;
	s6 =	sadd.s32 @!p0 s3, s7;
	s7 =	simm.s32 @!p0 $0x108  }
0x21: {  	s3 =	sadd.s32 s3, s9;
	s6 =	sadd.s32 @!p0 $0x88, s6;
	s7 =	simm.s32 @p2 $0x1082  }
0x22: {  	[simem:s7], [sflag:s8] =	dma.local @!p0 [hbm:s6], $0xF7A  }
0x23: {  	s9 =	sor.u32 $0xD0000000, s2;
	s6 =	simm.s32 $0x108;
	_ =	swait.ge @!p0 [sflag:s8], $0x0  }
0x24: {  	s3 =	sadd.s32 $0x88, s3;
	s6 =	simm.s32 @!p1 $0x1082;
	[sflag:s4] =	ssyncset.s32 $0xFFFFF086  }
0x25: {  	[simem:s6], [sflag:s4] =	dma.local [hbm:s3], $0xF7A  }
0x26: {  	[smem:$0x3F9A] =	sst s1;
	(tag) =	ssettag s2;
	_ =	strace s9  }
0x27: {  	s1 =	sld [smem:$0x3FAA]  }
0x28: {  	s2 =	sld [smem:$0x3FAB]  }
0x29: {  	s4 =	sld [smem:$0x3FAD]  }
0x2a: {  	p0 =	seq.s32 s5, $0x0;
	s5 =	sld [smem:$0x3FAE]  }
0x2b: {  	s6 =	sld [smem:$0x3FAF]  }
0x2c: {  	s7 =	sld [smem:$0x3FB0]  }
0x2d: {  	s3 =	simm.s32 $0x108;
	s8 =	sld [smem:$0x3FB1]  }
0x2e: {  	s3 =	simm.s32 @!p0 $0x1082;
	s9 =	sld [smem:$0x3FB2]  }
0x2f: {  	lr =	sadd.s32 s0, s3;
	s0 =	sld [smem:$0x3FA9]  }
0x30: {  	s3 =	sld [smem:$0x3FAC]  }
0x31: {  	[smem:$0x3FB5] =	sst s10  }
0x32: {  	s10 =	sld [smem:$0x3FB3];
	_ =	sdelay $0x3  }
0x33: {  	p0 =	seq.s32 s10, $0x1;
	s10 =	sld [smem:$0x3FB5];
	_ =	sdelay $0x3  }
0x34: {  	[smem:$0x3FB5] =	sst s10  }
0x35: {  	s10 =	sld [smem:$0x3FB4];
	_ =	sdelay $0x3  }
0x36: {  	p1 =	seq.s32 s10, $0x1;
	s10 =	sld [smem:$0x3FB5];
	_ =	sdelay $0x3  }
0x37: {  	[smem:$0x3FB5] =	sst s10  }
0x38: {  	s10 =	sld [smem:$0x3FB6]  }
0x39: {  	_ = 	snop;
	(pc) =	sbr.ind lr, $3  }
0x3a: {  	_ = 	snop  }
0x3b: {  	_ = 	snop  }
0x3c: {  	p2 =	seq.s32 s10, $0x1;
	s10 =	sld [smem:$0x3FB5]  }
0x3d: {  	_ =	shalt  }
0x3e: {  	_ =	shalt  }
0x3f: {  	_ =	shalt  }
0x40: {  	_ =	shalt  }
0x41: {  	_ =	shalt  }
0x42: {  	_ =	shalt  }
0x43: {  	_ =	shalt  }
0x44: {  	_ =	shalt  }
0x45: {  	_ =	shalt  }
0x46: {  	_ =	shalt  }
0x47: {  	_ =	shalt  }
0x48: {  	_ =	shalt  }
0x49: {  	_ =	shalt  }
0x4a: {  	_ =	shalt  }
0x4b: {  	_ =	shalt  }
0x4c: {  	_ =	shalt  }
0x4d: {  	_ =	shalt  }
0x4e: {  	_ =	shalt  }
0x4f: {  	_ =	shalt  }
0x50: {  	_ =	shalt  }
0x51: {  	_ =	shalt  }
0x52: {  	_ =	shalt  }
0x53: {  	_ =	shalt  }
0x54: {  	_ =	shalt  }
0x55: {  	_ =	shalt  }
0x56: {  	_ =	shalt  }
0x57: {  	_ =	shalt  }
0x58: {  	_ =	shalt  }
0x59: {  	_ =	shalt  }
0x5a: {  	_ =	shalt  }
0x5b: {  	_ =	shalt  }
0x5c: {  	_ =	shalt  }
0x5d: {  	_ =	shalt  }
0x5e: {  	_ =	shalt  }
0x5f: {  	_ =	shalt  }
0x60: {  	_ =	shalt  }
0x61: {  	_ =	shalt  }
0x62: {  	_ =	shalt  }
0x63: {  	_ =	shalt  }
0x64: {  	_ =	shalt  }
0x65: {  	_ =	shalt  }
0x66: {  	_ =	shalt  }
0x67: {  	_ =	shalt  }
0x68: {  	_ =	shalt  }
0x69: {  	_ =	shalt  }
0x6a: {  	_ =	shalt  }
0x6b: {  	_ =	shalt  }
0x6c: {  	_ =	shalt  }
0x6d: {  	_ =	shalt  }
0x6e: {  	_ =	shalt  }
0x6f: {  	_ =	shalt  }
0x70: {  	_ =	shalt  }
0x71: {  	_ =	shalt  }
0x72: {  	_ =	shalt  }
0x73: {  	_ =	shalt  }
0x74: {  	_ =	shalt  }
0x75: {  	_ =	shalt  }
0x76: {  	_ =	shalt  }
0x77: {  	_ =	shalt  }
0x78: {  	_ =	shalt  }
0x79: {  	_ =	shalt  }
0x7a: {  	_ =	shalt  }
0x7b: {  	_ =	shalt  }
0x7c: {  	_ =	shalt  }
0x7d: {  	_ =	shalt  }
0x7e: {  	_ =	shalt  }
0x7f: {  	_ =	shalt  }
0x80: {  	_ =	shalt  }
0x81: {  	_ =	shalt  }
0x82: {  	_ =	shalt  }
0x83: {  	_ =	shalt  }
0x84: {  	_ =	shalt  }
0x85: {  	_ =	shalt  }
0x86: {  	_ =	shalt  }
0x87: {  	_ =	shalt  }
.Lfunc_end0:
.L_simem_size_0:
called_computation_lowered:
.L_overlay_start_0:
0x88: {  	s2 =	sld [smem:$0x3FD9]  }
0x89: {  	s3 =	sld [smem:$0x3FFE];
	_ =	sdelay $0x1  }
0x8a: {  	s1 =	srdreg.scid  }
0x8b: {  	s0 =	sand.u32 $0x1, s1  }
0x8c: {  	s17 =	sshll.u32 s0, $0xA;
	s2 =	sadd.s32 s3, s2  }
0x8d: {  	s2 =	sadd.s32 s2, s17  }
0x8e: {  	[smem:$0x3FC1] =	sst s2  }
0x8f: {  	_ = 	snop  }
0x90: {  	s2 =	sld [smem:$0x3FC9]  }
0x91: {  	s18 =	sld [smem:$0x3FD0];
	(tm) =	ssettm $0x1  }
0x92: {  	s4 =	sld [smem:$0x3FFB];
	_ =	sdelay $0x3  }
0x93: {  	_ =	strace s4  }
0x94: {  	s4 =	sld [smem:$0x3FFC];
	_ =	sdelay $0x3  }
0x95: {  	_ =	strace s4  }
0x96: {  	s4 =	sld [smem:$0x3FFD];
	_ =	sdelay $0x3  }
0x97: {  	_ =	strace s4  }
0x98: {  	_ =	strace $0x8FFFFFFF  }
0x99: {  	s19 =	sld [smem:$0x3FDB];
	_ =	sdelay $0x1  }
0x9a: {  	s5 =	simm.s32 $_scs_section_size  }
0x9b: {  	s6 =	simm.s32 $_size__tile_overlayer_lowered;
	s7 =	simm.s32 $_tile_overlayer_lowered  }
0x9c: {  	s22 =	simm.s32 $0x1BFF;
	s21 =	sshll.u32 s7, $0x1;
	s4 =	sadd.s32 s5, s19  }
0x9d: {  	s8 =	simm.s32 $0x0;
	s20 =	sshll.u32 s6, $0x1;
	s6 =	sadd.s32 s21, s4  }
0x9e: {  	[timem:s8], [sflag:s22] =	dma.local [hbm:s6], s20  }
0x9f: {  	_ =	swait.ge [sflag:s22], s20  }
0xa0: {  	s5 =	ssub.s32 $0x0, s20;
	[sflag:s22] =	ssyncset.done $0x0  }
0xa1: {  	[sflag:s22] =	ssyncadd.s32 s5;
	_ =	sdelay $0x1  }
0xa2: {  	s23 =	simm.s32 $0x1B8B  }
0xa3: {  	_ =	swait.ge [sflag:s23], $0x1  }
0xa4: {  	[sflag:s23] =	ssyncset.done $0x0  }
0xa5: {  	s25 =	simm.s32 $0x1B8E;
	s24 =	sld [smem:$0x3FFE];
	[sflag:s23] =	ssyncadd.s32 $0xFFFFFFFF  }
0xa6: {  	s26 =	simm.s32 $execute0_lowered;
	[smem:$0x3FD2] =	sst s25  }
0xa7: {  	s6 =	sshll.u32 s26, $0x1;
	_ =	strace $0x80000046;
	[dreg:$0x1] =	wrdreg $0xFFFFFFFF  }
0xa8: {  	s28 =	simm.s32 $_size_execute0_lowered;
	s4 =	sadd.s32 s4, s6;
	[dreg:$0x0] =	wrdreg $0x0  }
0xa9: {  	s6 =	sshll.u32 s28, $0x1;
	[dreg:$0x2] =	wrdreg s4  }
0xaa: {  	[dreg:$0x3] =	wrdreg s6  }
0xab: {  	[dreg:$0x4] =	wrdreg $0xC0  }
0xac: {  	_ =	task [dreg:s8], $0x5FFFF  }
0xad: {  	[dreg:$0x1] =	wrdreg $0xFFFFFFFF  }
0xae: {  	[dreg:$0x0] =	wrdreg $0x60  }
0xaf: {  	[dreg:$0x2] =	wrdreg s2  }
0xb0: {  	[dreg:$0x3] =	wrdreg s24  }
0xb1: {  	[dreg:$0x4] =	wrdreg s18  }
0xb2: {  	[dreg:$0x5] =	wrdreg $0x9  }
0xb3: {  	_ =	task.clear_ibuf [dreg:s8], $0x6FFFF;
	_ =	strace $0x90000046  }
0xb4: {  	s29 =	simm.s32 $0x9;
	_ =	strace $0x80000048  }
0xb5: {  	_ =	swait.ge [sflag:s29], $0x1  }
0xb6: {  	[sflag:s29] =	ssyncadd.s32 $0xFFFFFFFF  }
0xb7: {  	_ =	strace $0x90000048  }
0xb8: {  	_ =	sfence  }
0xb9: {  	s30 =	sld [smem:$0x0];
	_ =	sdelay $0x2  }
0xba: {  	s31 =	sshll.u32 s1, $0xD;
	s1 =	sshrl.u32 s1, $0x2  }
0xbb: {  	s3 =	sand.u32 $0x4000, s31;
	s1 =	sadd.s32 s1, s30  }
0xbc: {  	s0 =	sor.u32 s3, s0;
	s1 =	sshll.u32 s1, $0x11  }
0xbd: {  	s0 =	sor.u32 s1, s0  }
0xbe: {  	s0 =	sadd.s32 $0x8F2B, s0  }
0xbf: {  	[sflag:s0] =	ssyncadd.remote.s32 $0x1  }
0xc0: {  	_ =	sfence.sel $0xFFFF  }
0xc1: {  	[dreg:$0x0] =	wrdreg $0xFFFFFFFF;
	(pc) =	sbr.abs _section_cstart, $3  }
0xc2: {  	[dreg:$0x1] =	wrdreg $0xFFFFFFFF  }
0xc3: {  	_ =	task.clear_ibuf [dreg:s8], $0x2FFFF;
	_ =	strace $0x9FFFFFFF  }
0xc4: {  	(tm) =	ssettm $0x7FFFFFFF  }
0xc5: {  	_ =	shalt  }
tec
execute0_lowered:
.L_overlay_start_1:
0x0: {  	(tag) =	ssettag $0x1  }
0x1: {  	s0 =	srdreg.scid;
	s1 =	rddreg [dreg:$0x0]  }
0x2: {  	s3 =	stileid.u32;
	s2 =	rddreg [dreg:$0x1]  }
0x3: {  	s8 =	simm.s32 $0x2;
	s9 =	simm.s32 $0x1;
	s15 =	simm.s32 $0xC000  }
0x4: {  	s16 =	simm.s32 $0x1800;
	s17 =	simm.s32 $0x2000;
	s18 =	simm.s32 $0x2800  }
0x5: {  	s19 =	simm.s32 $0x3000;
	s20 =	simm.s32 $0x3800;
	s21 =	simm.s32 $0x4000  }
0x6: {  	s28 =	simm.s32 $0x7000;
	s29 =	simm.s32 $0x7800;
	s30 =	simm.s32 $0x8000  }
0x7: {  	s31 =	simm.s32 $0x8800;
	s11 =	simm.s32 $0xA800;
	s0 =	sand.u32 $0x1, s0  }
0x8: {  	s10 =	simm.s32 $0xB000;
	s3 =	sshll.u32 s3, $0x7;
	s4 =	sshll.u32 s0, $0x6  }
0x9: {  	s14 =	simm.s32 $0xB800;
	s0 =	ssub.s32 $0x2, s0;
	s4 =	sor.u32 s4, s3  }
0xa: {  	s3 =	simm.s32 $0x0;
	s24 =	sshrl.u32 s0, $0x1;
	s5 =	sshrl.u32 s4, $0x3  }
0xb: {  	[smem:$0x7FF] =	sst s3;
	s4 =	sshll.u32 s4, $0x4;
	s0 =	ssub.s32 s0, s24  }
0xc: {  	s24 =	simm.s32 $0x5800;
	s6 =	smul.u32 $0x300, s5;
	s5 =	sadd.s32 s5, s2  }
0xd: {  	_ =	strace $0x80000047;
	s7 =	sadd.s32 s4, s2;
	s22 =	sadd.s32 $0x11600, s5  }
0xe: {  	s4 =	sadd.s32 $0x11800, s2;
	s23 =	sadd.s32 $0x11400, s5;
	[dreg:$0x5] =	wrdreg s22  }
0xf: {  	s25 =	sadd.s32 $0x1400, s7;
	s26 =	sadd.s32 $0x9400, s7;
	[dreg:$0x6] =	wrdreg s23  }
0x10: {  	s5 =	sadd.s32 $0x11900, s2;
	s7 =	smax.u32 s0, $0x1;
	[dreg:$0x7] =	wrdreg s25  }
0x11: {  	v2 =	vlaneseq.u32;
	s1 =	sadd.s32 s1, s6;
	s6 =	sadd.s32 $0x11A00, s2;
	[dreg:$0x8] =	wrdreg s26  }
0x12: {  	vm0 =	vmmov $0xffff;
	v1 =	vshrl.u32 v2, $0x3;
	s22 =	simm.s32 $0x4800;
	s23 =	simm.s32 $0x5000;
	s25 =	simm.s32 $0x6000  }
0x13: {  	v0 =	vand.u32 $0x7, v2;
	v2 =	vor.u32 $0x8, v2;
	v1 =	vmul.u32 $0x8, v1;
	s26 =	simm.s32 $0x6800;
	s2 =	simm.s32 $0xA000;
	[dreg:$0x4] =	wrdreg s1  }
.LBB2_1:
0x14: {  	s12 =	rddreg [dreg:$0x4]  }
0x15: {  	[tilespmem:s3], [sflag:$0x2] =	stream.linear.gather [hbm4b:s12+s3], $0xC000, $0x38;
	[tilespmem:$0xE100] =	vst v63  }
0x16: {  	_ =	swait.ge [sflag:s8], $0xC000  }
0x17: {  	[sflag:s8] =	ssyncset.done $0x0  }
0x18: {  	s0 =	simm.s32 $0xE000;
	s13 =	rddreg [dreg:$0x5];
	[sflag:s8] =	ssyncadd.s32 $0xFFFF4000  }
0x19: {  	[tilespmem:s0], [sflag:$0x2] =	stream.linear.gather [hbm4b:s13+s3], $0x40, $0x38;
	[tilespmem:$0xE100] =	vst v63  }
0x1a: {  	_ =	swait.ge [sflag:s8], $0x40  }
0x1b: {  	[sflag:s8] =	ssyncset.done $0x0  }
0x1c: {  	s13 =	simm.s32 $0xE080;
	s1 =	rddreg [dreg:$0x6];
	[sflag:s8] =	ssyncadd.s32 $0xFFFFFFC0  }
0x1d: {  	[tilespmem:s13], [sflag:$0x2] =	stream.linear.gather [hbm4b:s1+s3], $0x40, $0x38;
	[tilespmem:$0xE100] =	vst v63  }
0x1e: {  	_ =	swait.ge [sflag:s8], $0x40  }
0x1f: {  	[sflag:s8] =	ssyncset.done $0x0  }
0x20: {  	[sflag:s8] =	ssyncadd.s32 $0xFFFFFFC0  }
0x21: {  	v3 =	vld [tilespmem:$0xE000];
	_ =	sdelay $0x4  }
0x22: {  	v4 =	vshrl.u32 v3, $0x3  }
0x23: {  	v4 =	vmul.u32 $0x30, v4  }
0x24: {  	v3 =	vand.u32 $0x7, v3  }
0x25: {  	v3 =	vor.u32 v3, v4  }
0x26: {  	v4 =	vperm.xlane v3, v0;
	_ =	sdelay $0x1  }
0x27: {  	v4 =	vadd.s32 v1, v4;
	_ =	sdelay $0x3  }
0x28: {  	v3 =	vperm.xlane v3, v2  }
0x29: {  	[hbm4b:s4+s3] =	stream.indirect_vreg.scatter [tilespmem:s3], [sflag:$0x1], $0x80, v4, vm0, $0xb8;
	[tilespmem:$0xE100] =	vst v63  }
0x2a: {  	s12 =	simm.s32 $0x800;
	v3 =	vadd.s32 v1, v3  }
0x2b: {  	[hbm4b:s5+s3] =	stream.indirect_vreg.scatter [tilespmem:s12], [sflag:$0x1], $0x80, v4, vm0, $0xb8;
	[tilespmem:$0xE100] =	vst v63  }
0x2c: {  	s13 =	simm.s32 $0x1000  }
0x2d: {  	[hbm4b:s6+s3] =	stream.indirect_vreg.scatter [tilespmem:s13], [sflag:$0x1], $0x80, v4, vm0, $0xb8;
	[tilespmem:$0xE100] =	vst v63  }
0x2e: {  	_ = 	snop  }
0x2f: {  	[hbm4b:s4+s3] =	stream.indirect_vreg.scatter [tilespmem:s16], [sflag:$0x1], $0x80, v3, vm0, $0xb8;
	[tilespmem:$0xE100] =	vst v63  }
0x30: {  	_ = 	snop  }
0x31: {  	[hbm4b:s5+s3] =	stream.indirect_vreg.scatter [tilespmem:s17], [sflag:$0x1], $0x80, v3, vm0, $0xb8;
	[tilespmem:$0xE100] =	vst v63  }
0x32: {  	_ = 	snop  }
0x33: {  	[hbm4b:s6+s3] =	stream.indirect_vreg.scatter [tilespmem:s18], [sflag:$0x1], $0x80, v3, vm0, $0xb8;
	[tilespmem:$0xE100] =	vst v63  }
0x34: {  	v3 =	vld [tilespmem:$0xE010];
	_ =	sdelay $0x4  }
0x35: {  	v57 =	vshrl.u32 v3, $0x3  }
0x36: {  	v4 =	vmul.u32 $0x30, v57  }
0x37: {  	v3 =	vand.u32 $0x7, v3  }
0x38: {  	v3 =	vor.u32 v3, v4  }
0x39: {  	v4 =	vperm.xlane v3, v0;
	_ =	sdelay $0x1  }
0x3a: {  	v4 =	vadd.s32 v1, v4;
	_ =	sdelay $0x3  }
0x3b: {  	v3 =	vperm.xlane v3, v2  }
0x3c: {  	[hbm4b:s4+s3] =	stream.indirect_vreg.scatter [tilespmem:s19], [sflag:$0x1], $0x80, v4, vm0, $0xb8;
	[tilespmem:$0xE100] =	vst v63  }
0x3d: {  	v3 =	vadd.s32 v1, v3  }
0x3e: {  	[hbm4b:s5+s3] =	stream.indirect_vreg.scatter [tilespmem:s20], [sflag:$0x1], $0x80, v4, vm0, $0xb8;
	[tilespmem:$0xE100] =	vst v63  }
0x3f: {  	_ = 	snop  }
0x40: {  	[hbm4b:s6+s3] =	stream.indirect_vreg.scatter [tilespmem:s21], [sflag:$0x1], $0x80, v4, vm0, $0xb8;
	[tilespmem:$0xE100] =	vst v63  }
0x41: {  	_ = 	snop  }
0x42: {  	[hbm4b:s4+s3] =	stream.indirect_vreg.scatter [tilespmem:s22], [sflag:$0x1], $0x80, v3, vm0, $0xb8;
	[tilespmem:$0xE100] =	vst v63  }
0x43: {  	_ = 	snop  }
0x44: {  	[hbm4b:s5+s3] =	stream.indirect_vreg.scatter [tilespmem:s23], [sflag:$0x1], $0x80, v3, vm0, $0xb8;
	[tilespmem:$0xE100] =	vst v63  }
0x45: {  	_ = 	snop  }
0x46: {  	[hbm4b:s6+s3] =	stream.indirect_vreg.scatter [tilespmem:s24], [sflag:$0x1], $0x80, v3, vm0, $0xb8;
	[tilespmem:$0xE100] =	vst v63  }
0x47: {  	v3 =	vld [tilespmem:$0xE020];
	_ =	sdelay $0x4  }
0x48: {  	v58 =	vshrl.u32 v3, $0x3  }
0x49: {  	v4 =	vmul.u32 $0x30, v58  }
0x4a: {  	v3 =	vand.u32 $0x7, v3  }
0x4b: {  	v3 =	vor.u32 v3, v4  }
0x4c: {  	v4 =	vperm.xlane v3, v0;
	_ =	sdelay $0x1  }
0x4d: {  	v4 =	vadd.s32 v1, v4;
	_ =	sdelay $0x3  }
0x4e: {  	v3 =	vperm.xlane v3, v2  }
0x4f: {  	[hbm4b:s4+s3] =	stream.indirect_vreg.scatter [tilespmem:s25], [sflag:$0x1], $0x80, v4, vm0, $0xb8;
	[tilespmem:$0xE100] =	vst v63  }
0x50: {  	v3 =	vadd.s32 v1, v3  }
0x51: {  	[hbm4b:s5+s3] =	stream.indirect_vreg.scatter [tilespmem:s26], [sflag:$0x1], $0x80, v4, vm0, $0xb8;
	[tilespmem:$0xE100] =	vst v63  }
0x52: {  	_ = 	snop  }
0x53: {  	[hbm4b:s6+s3] =	stream.indirect_vreg.scatter [tilespmem:s28], [sflag:$0x1], $0x80, v4, vm0, $0xb8;
	[tilespmem:$0xE100] =	vst v63  }
0x54: {  	_ = 	snop  }
0x55: {  	[hbm4b:s4+s3] =	stream.indirect_vreg.scatter [tilespmem:s29], [sflag:$0x1], $0x80, v3, vm0, $0xb8;
	[tilespmem:$0xE100] =	vst v63  }
0x56: {  	_ = 	snop  }
0x57: {  	[hbm4b:s5+s3] =	stream.indirect_vreg.scatter [tilespmem:s30], [sflag:$0x1], $0x80, v3, vm0, $0xb8;
	[tilespmem:$0xE100] =	vst v63  }
0x58: {  	_ = 	snop  }
0x59: {  	[hbm4b:s6+s3] =	stream.indirect_vreg.scatter [tilespmem:s31], [sflag:$0x1], $0x80, v3, vm0, $0xb8;
	[tilespmem:$0xE100] =	vst v63  }
0x5a: {  	v3 =	vld [tilespmem:$0xE030];
	_ =	sdelay $0x4  }
0x5b: {  	v59 =	vshrl.u32 v3, $0x3  }
0x5c: {  	v4 =	vmul.u32 $0x30, v59  }
0x5d: {  	v3 =	vand.u32 $0x7, v3  }
0x5e: {  	v3 =	vor.u32 v3, v4  }
0x5f: {  	v4 =	vperm.xlane v3, v0;
	_ =	sdelay $0x1  }
0x60: {  	v4 =	vadd.s32 v1, v4;
	_ =	sdelay $0x3  }
0x61: {  	s1 =	simm.s32 $0x9000;
	v3 =	vperm.xlane v3, v2  }
0x62: {  	[hbm4b:s4+s3] =	stream.indirect_vreg.scatter [tilespmem:s1], [sflag:$0x1], $0x80, v4, vm0, $0xb8;
	[tilespmem:$0xE100] =	vst v63  }
0x63: {  	s0 =	simm.s32 $0x9800;
	v3 =	vadd.s32 v1, v3  }
0x64: {  	[hbm4b:s5+s3] =	stream.indirect_vreg.scatter [tilespmem:s0], [sflag:$0x1], $0x80, v4, vm0, $0xb8;
	[tilespmem:$0xE100] =	vst v63  }
0x65: {  	_ = 	snop  }
0x66: {  	[hbm4b:s6+s3] =	stream.indirect_vreg.scatter [tilespmem:s2], [sflag:$0x1], $0x80, v4, vm0, $0xb8;
	[tilespmem:$0xE100] =	vst v63  }
0x67: {  	_ = 	snop  }
0x68: {  	[hbm4b:s4+s3] =	stream.indirect_vreg.scatter [tilespmem:s11], [sflag:$0x1], $0x80, v3, vm0, $0xb8;
	[tilespmem:$0xE100] =	vst v63  }
0x69: {  	_ = 	snop  }
0x6a: {  	[hbm4b:s5+s3] =	stream.indirect_vreg.scatter [tilespmem:s10], [sflag:$0x1], $0x80, v3, vm0, $0xb8;
	[tilespmem:$0xE100] =	vst v63  }
0x6b: {  	_ = 	snop  }
0x6c: {  	[hbm4b:s6+s3] =	stream.indirect_vreg.scatter [tilespmem:s14], [sflag:$0x1], $0x80, v3, vm0, $0xb8;
	[tilespmem:$0xE100] =	vst v63  }
0x6d: {  	_ =	swait.ge [sflag:s9], $0xC000  }
0x6e: {  	[sflag:s9] =	ssyncset.done $0x0  }
0x6f: {  	[sflag:s9] =	ssyncadd.s32 $0xFFFF4000  }
0x70: {  	v3 =	vld [tilespmem:$0xE080];
	_ =	sdelay $0x4  }
0x71: {  	v60 =	vshrl.u32 v3, $0x3  }
0x72: {  	v4 =	vmul.u32 $0x30, v60  }
0x73: {  	v3 =	vand.u32 $0x7, v3  }
0x74: {  	v3 =	vor.u32 v3, v4  }
0x75: {  	v4 =	vperm.xlane v3, v0;
	_ =	sdelay $0x1  }
0x76: {  	v4 =	vadd.s32 v1, v4;
	_ =	sdelay $0x3  }
0x77: {  	v3 =	vperm.xlane v3, v2  }
0x78: {  	[hbm4b:s4+s3] =	stream.indirect_vreg.scatter [tilespmem:s3], [sflag:$0x1], $0x80, v4, vm0, $0xb8;
	[tilespmem:$0xE100] =	vst v63  }
0x79: {  	v3 =	vadd.s32 v1, v3  }
0x7a: {  	[hbm4b:s5+s3] =	stream.indirect_vreg.scatter [tilespmem:s12], [sflag:$0x1], $0x80, v4, vm0, $0xb8;
	[tilespmem:$0xE100] =	vst v63  }
0x7b: {  	_ = 	snop  }
0x7c: {  	[hbm4b:s6+s3] =	stream.indirect_vreg.scatter [tilespmem:s13], [sflag:$0x1], $0x80, v4, vm0, $0xb8;
	[tilespmem:$0xE100] =	vst v63  }
0x7d: {  	_ = 	snop  }
0x7e: {  	[hbm4b:s4+s3] =	stream.indirect_vreg.scatter [tilespmem:s16], [sflag:$0x1], $0x80, v3, vm0, $0xb8;
	[tilespmem:$0xE100] =	vst v63  }
0x7f: {  	_ = 	snop  }
0x80: {  	[hbm4b:s5+s3] =	stream.indirect_vreg.scatter [tilespmem:s17], [sflag:$0x1], $0x80, v3, vm0, $0xb8;
	[tilespmem:$0xE100] =	vst v63  }
0x81: {  	_ = 	snop  }
0x82: {  	[hbm4b:s6+s3] =	stream.indirect_vreg.scatter [tilespmem:s18], [sflag:$0x1], $0x80, v3, vm0, $0xb8;
	[tilespmem:$0xE100] =	vst v63  }
0x83: {  	v3 =	vld [tilespmem:$0xE090];
	_ =	sdelay $0x4  }
0x84: {  	v61 =	vshrl.u32 v3, $0x3  }
0x85: {  	v4 =	vmul.u32 $0x30, v61  }
0x86: {  	v3 =	vand.u32 $0x7, v3  }
0x87: {  	v3 =	vor.u32 v3, v4  }
0x88: {  	v4 =	vperm.xlane v3, v0;
	_ =	sdelay $0x1  }
0x89: {  	v4 =	vadd.s32 v1, v4;
	_ =	sdelay $0x3  }
0x8a: {  	v3 =	vperm.xlane v3, v2  }
0x8b: {  	[hbm4b:s4+s3] =	stream.indirect_vreg.scatter [tilespmem:s19], [sflag:$0x1], $0x80, v4, vm0, $0xb8;
	[tilespmem:$0xE100] =	vst v63  }
0x8c: {  	v3 =	vadd.s32 v1, v3  }
0x8d: {  	[hbm4b:s5+s3] =	stream.indirect_vreg.scatter [tilespmem:s20], [sflag:$0x1], $0x80, v4, vm0, $0xb8;
	[tilespmem:$0xE100] =	vst v63  }
0x8e: {  	_ = 	snop  }
0x8f: {  	[hbm4b:s6+s3] =	stream.indirect_vreg.scatter [tilespmem:s21], [sflag:$0x1], $0x80, v4, vm0, $0xb8;
	[tilespmem:$0xE100] =	vst v63  }
0x90: {  	_ = 	snop  }
0x91: {  	[hbm4b:s4+s3] =	stream.indirect_vreg.scatter [tilespmem:s22], [sflag:$0x1], $0x80, v3, vm0, $0xb8;
	[tilespmem:$0xE100] =	vst v63  }
0x92: {  	_ = 	snop  }
0x93: {  	[hbm4b:s5+s3] =	stream.indirect_vreg.scatter [tilespmem:s23], [sflag:$0x1], $0x80, v3, vm0, $0xb8;
	[tilespmem:$0xE100] =	vst v63  }
0x94: {  	_ = 	snop  }
0x95: {  	[hbm4b:s6+s3] =	stream.indirect_vreg.scatter [tilespmem:s24], [sflag:$0x1], $0x80, v3, vm0, $0xb8;
	[tilespmem:$0xE100] =	vst v63  }
0x96: {  	v3 =	vld [tilespmem:$0xE0A0];
	_ =	sdelay $0x4  }
0x97: {  	v62 =	vshrl.u32 v3, $0x3  }
0x98: {  	v4 =	vmul.u32 $0x30, v62  }
0x99: {  	v3 =	vand.u32 $0x7, v3  }
0x9a: {  	v3 =	vor.u32 v3, v4  }
0x9b: {  	v4 =	vperm.xlane v3, v0;
	_ =	sdelay $0x1  }
0x9c: {  	v4 =	vadd.s32 v1, v4;
	_ =	sdelay $0x3  }
0x9d: {  	v3 =	vperm.xlane v3, v2  }
0x9e: {  	[hbm4b:s4+s3] =	stream.indirect_vreg.scatter [tilespmem:s25], [sflag:$0x1], $0x80, v4, vm0, $0xb8;
	[tilespmem:$0xE100] =	vst v63  }
0x9f: {  	v3 =	vadd.s32 v1, v3  }
0xa0: {  	[hbm4b:s5+s3] =	stream.indirect_vreg.scatter [tilespmem:s26], [sflag:$0x1], $0x80, v4, vm0, $0xb8;
	[tilespmem:$0xE100] =	vst v63  }
0xa1: {  	_ = 	snop  }
0xa2: {  	[hbm4b:s6+s3] =	stream.indirect_vreg.scatter [tilespmem:s28], [sflag:$0x1], $0x80, v4, vm0, $0xb8;
	[tilespmem:$0xE100] =	vst v63  }
0xa3: {  	_ = 	snop  }
0xa4: {  	[hbm4b:s4+s3] =	stream.indirect_vreg.scatter [tilespmem:s29], [sflag:$0x1], $0x80, v3, vm0, $0xb8;
	[tilespmem:$0xE100] =	vst v63  }
0xa5: {  	_ = 	snop  }
0xa6: {  	[hbm4b:s5+s3] =	stream.indirect_vreg.scatter [tilespmem:s30], [sflag:$0x1], $0x80, v3, vm0, $0xb8;
	[tilespmem:$0xE100] =	vst v63  }
0xa7: {  	_ = 	snop  }
0xa8: {  	[hbm4b:s6+s3] =	stream.indirect_vreg.scatter [tilespmem:s31], [sflag:$0x1], $0x80, v3, vm0, $0xb8;
	[tilespmem:$0xE100] =	vst v63  }
0xa9: {  	v3 =	vld [tilespmem:$0xE0B0];
	_ =	sdelay $0x4  }
0xaa: {  	v63 =	vshrl.u32 v3, $0x3  }
0xab: {  	v4 =	vmul.u32 $0x30, v63  }
0xac: {  	v3 =	vand.u32 $0x7, v3  }
0xad: {  	v3 =	vor.u32 v3, v4  }
0xae: {  	v4 =	vperm.xlane v3, v0;
	_ =	sdelay $0x1  }
0xaf: {  	v4 =	vadd.s32 v1, v4;
	_ =	sdelay $0x3  }
0xb0: {  	v3 =	vperm.xlane v3, v2  }
0xb1: {  	[hbm4b:s4+s3] =	stream.indirect_vreg.scatter [tilespmem:s1], [sflag:$0x1], $0x80, v4, vm0, $0xb8;
	[tilespmem:$0xE100] =	vst v63  }
0xb2: {  	v3 =	vadd.s32 v1, v3  }
0xb3: {  	[hbm4b:s5+s3] =	stream.indirect_vreg.scatter [tilespmem:s0], [sflag:$0x1], $0x80, v4, vm0, $0xb8;
	[tilespmem:$0xE100] =	vst v63  }
0xb4: {  	_ = 	snop  }
0xb5: {  	[hbm4b:s6+s3] =	stream.indirect_vreg.scatter [tilespmem:s2], [sflag:$0x1], $0x80, v4, vm0, $0xb8;
	[tilespmem:$0xE100] =	vst v63  }
0xb6: {  	_ = 	snop  }
0xb7: {  	[hbm4b:s4+s3] =	stream.indirect_vreg.scatter [tilespmem:s11], [sflag:$0x1], $0x80, v3, vm0, $0xb8;
	[tilespmem:$0xE100] =	vst v63  }
0xb8: {  	_ = 	snop  }
0xb9: {  	[hbm4b:s5+s3] =	stream.indirect_vreg.scatter [tilespmem:s10], [sflag:$0x1], $0x80, v3, vm0, $0xb8;
	[tilespmem:$0xE100] =	vst v63  }
0xba: {  	_ = 	snop  }
0xbb: {  	[hbm4b:s6+s3] =	stream.indirect_vreg.scatter [tilespmem:s14], [sflag:$0x1], $0x80, v3, vm0, $0xb8;
	[tilespmem:$0xE100] =	vst v63  }
0xbc: {  	_ =	swait.ge [sflag:s9], $0xC000  }
0xbd: {  	[sflag:s9] =	ssyncset.done $0x0  }
0xbe: {  	s1 =	rddreg [dreg:$0x7];
	[sflag:s9] =	ssyncadd.s32 $0xFFFF4000  }
0xbf: {  	[tilespmem:s15], [sflag:$0x2] =	stream.linear.gather [hbm4b:s1+s3], $0x2000, $0x38;
	[tilespmem:$0xE100] =	vst v63  }
0xc0: {  	_ =	swait.ge [sflag:s8], $0x2000  }
0xc1: {  	[sflag:s8] =	ssyncset.done $0x0  }
0xc2: {  	[sflag:s8] =	ssyncadd.s32 $0xFFFFE000  }
0xc3: {  	s12 =	simm.s32 $0xE000;
	s0 =	simm.s32 $0x40;
	s13 =	rddreg [dreg:$0x2]  }
0xc4: {  	[hbm4b:s13+s0] =	stream.indirect.scatter [tilespmem:s15], [sflag:$0x1], $0x80, s12, s0, $0xb8;
	[tilespmem:$0xE100] =	vst v63  }
0xc5: {  	_ =	swait.ge [sflag:s9], $0x2000  }
0xc6: {  	[sflag:s9] =	ssyncset.done $0x0  }
0xc7: {  	s1 =	rddreg [dreg:$0x8];
	[sflag:s9] =	ssyncadd.s32 $0xFFFFE000  }
0xc8: {  	[tilespmem:s15], [sflag:$0x2] =	stream.linear.gather [hbm4b:s1+s3], $0x2000, $0x38;
	[tilespmem:$0xE100] =	vst v63  }
0xc9: {  	_ =	swait.ge [sflag:s8], $0x2000  }
0xca: {  	p0 =	sne.s32 s7, $0x1;
	[sflag:s8] =	ssyncset.done $0x0  }
.Ltmp0:
0xcb: {  	s12 =	simm.s32 $0xE080;
	[sflag:s8] =	ssyncadd.s32 $0xFFFFE000;
	(pc) =	sbr.rel @p0 .LBB2_1-.Ltmp0, $4  }
0xcc: {  	[hbm4b:s13+s0] =	stream.indirect.scatter [tilespmem:s15], [sflag:$0x1], $0x80, s12, s0, $0xb8;
	[tilespmem:$0xE100] =	vst v63  }
0xcd: {  	_ =	swait.ge [sflag:s9], $0x2000  }
0xce: {  	[sflag:s9] =	ssyncset.done $0x0  }
0xcf: {  	s7 =	sadd.s32 $0xFFFFFFFF, s7;
	[sflag:s9] =	ssyncadd.s32 $0xFFFFE000  }
0xd0: {  	_ =	sfence.sel $0x180000  }
0xd1: {  	[bflag:$0x0] =	sbarrier.arrive $0xFFFF  }
0xd2: {  	_ =	strace $0x90000047  }
0xd3: {  	s0 =	stileid.u32;
	[bflag:$0x2] =	sbarrier.arrive $0xFFFF  }
0xd4: {  	p0 =	sne.s32 s0, $0x0;
	s0 =	rddreg [dreg:$0x3]  }
0xd5: {  	s0 =	sadd.s32 @!p0 $0x100000, s0  }
0xd6: {  	[sflag:s0] =	ssyncadd.tile.s32 @!p0 $0x1;
	_ =	shalt  }
.Lfunc_end2:
_tile_overlayer_lowered:
.L_overlay_start_2:
0xd7: {  	(tag) =	ssettag $0x2  }
0xd8: {  	s0 =	rddreg [dreg:$0x0];
	s2 =	stileid.u32  }
0xd9: {  	s1 =	rddreg [dreg:$0x1];
	p0 =	sne.s32 s2, $0x0  }
0xda: {  	s3 =	rddreg [dreg:$0x2];
	[bflag:$0x3] =	sbarrier.arrive $0xFFFF;
	s2 =	simm.s32 @!p0 $0x1C02  }
0xdb: {  	[timem:s3], [sflag:s2] =	dma.local @!p0 [hbm:s0], s1  }
0xdc: {  	s0 =	simm.s32 @!p0 $0x2  }
0xdd: {  	_ =	swait.ge @!p0 [sflag:s0], s1  }
0xde: {  	s1 =	ssub.s32 @!p0 $0x0, s1;
	[sflag:s0] =	ssyncset.done @!p0 $0x0  }
0xdf: {  	[sflag:s0] =	ssyncadd.s32 @!p0 s1  }
0xe0: {  	[bflag:$0x3] =	sbarrier.arrive $0xFFFF  }
0xe1: {  	_ =	shalt  }

// kernel: kernel.9.cloned.1.call-start
scs
__scs_entry_jumppad:
0x0: {  	(pc) =	sbr.rel $0x88, $3  }
0x1: {  	(tag) =	ssettag $0x0;
	lr =	simm.s32 $0x1  }
0x2: {  	[smem:$0x3F9A] =	sst lr;
	_ =	strace $0xD0000000  }
0x3: {  	_ = 	snop  }
0x4: {  	_ = 	snop  }
0x5: {  	_ = 	snop  }
0x6: {  	_ = 	snop  }
0x7: {  	_ = 	snop  }
__scs_overlays_trampoline_lowered:
0x8: {  	[smem:$0x3FA9] =	sst s0  }
0x9: {  	[smem:$0x3FAA] =	sst s1  }
0xa: {  	[smem:$0x3FAB] =	sst s2  }
0xb: {  	[smem:$0x3FAC] =	sst s3  }
0xc: {  	[smem:$0x3FAD] =	sst s4  }
0xd: {  	[smem:$0x3FAE] =	sst s5  }
0xe: {  	[smem:$0x3FAF] =	sst s6  }
0xf: {  	[smem:$0x3FB0] =	sst s7  }
0x10: {  	[smem:$0x3FB1] =	sst s8  }
0x11: {  	[smem:$0x3FB2] =	sst s9;
	s0 =	simm.s32 @!p0 $0x0  }
0x12: {  	s1 =	sld [smem:$0x3F98];
	s0 =	simm.s32 @p0 $0x1  }
0x13: {  	[smem:$0x3FB3] =	sst s0;
	s0 =	simm.s32 @!p1 $0x0  }
0x14: {  	s2 =	sld [smem:$0x3F97];
	s0 =	simm.s32 @p1 $0x1  }
0x15: {  	[smem:$0x3FB4] =	sst s0;
	s0 =	simm.s32 @!p2 $0x0  }
0x16: {  	s3 =	sld [smem:$0x3FDB];
	s0 =	simm.s32 @p2 $0x1  }
0x17: {  	s4 =	simm.s32 $0x1BF5;
	[smem:$0x3FB6] =	sst s0  }
0x18: {  	s0 =	sld [smem:$0x3F99];
	_ =	swait.ge [sflag:s4], $0x0  }
0x19: {  	s7 =	sld [smem:$0x3F9A]  }
0x1a: {  	s8 =	sadd.s32 $0xFFFFE003, lr  }
0x1b: {  	s9 =	sadd.s32 $0xFFFFFEF7, lr;
	s5 =	simm.s32 $0xFFFFFFFF;
	p2 =	slt.u32 s8, $0xFFFFF086  }
0x1c: {  	p1 =	slt.u32 s9, $0xF7A;
	s5 =	simm.s32 @!p2 $0x0  }
0x1d: {  	s5 =	simm.s32 @p1 $0x1;
	p0 =	seq.s32 s7, s2  }
0x1e: {  	s7 =	smul.u32 @!p0 $0xF7A, s2;
	p2 =	seq.s32 @!p0 s5, $0x0  }
0x1f: {  	s9 =	smul.u32 $0xF7A, s1;
	s8 =	simm.s32 @!p0 $0x1BF5;
	p2 =	por !p2, p0  }
0x20: {  	[sflag:s8] =	ssyncset.s32 @!p0 $0xFFFFF086;
	s6 =	sadd.s32 @!p0 s3, s7;
	s7 =	simm.s32 @!p0 $0x108  }
0x21: {  	s3 =	sadd.s32 s3, s9;
	s6 =	sadd.s32 @!p0 $0x88, s6;
	s7 =	simm.s32 @p2 $0x1082  }
0x22: {  	[simem:s7], [sflag:s8] =	dma.local @!p0 [hbm:s6], $0xF7A  }
0x23: {  	s9 =	sor.u32 $0xD0000000, s2;
	s6 =	simm.s32 $0x108;
	_ =	swait.ge @!p0 [sflag:s8], $0x0  }
0x24: {  	s3 =	sadd.s32 $0x88, s3;
	s6 =	simm.s32 @!p1 $0x1082;
	[sflag:s4] =	ssyncset.s32 $0xFFFFF086  }
0x25: {  	[simem:s6], [sflag:s4] =	dma.local [hbm:s3], $0xF7A  }
0x26: {  	[smem:$0x3F9A] =	sst s1;
	(tag) =	ssettag s2;
	_ =	strace s9  }
0x27: {  	s1 =	sld [smem:$0x3FAA]  }
0x28: {  	s2 =	sld [smem:$0x3FAB]  }
0x29: {  	s4 =	sld [smem:$0x3FAD]  }
0x2a: {  	p0 =	seq.s32 s5, $0x0;
	s5 =	sld [smem:$0x3FAE]  }
0x2b: {  	s6 =	sld [smem:$0x3FAF]  }
0x2c: {  	s7 =	sld [smem:$0x3FB0]  }
0x2d: {  	s3 =	simm.s32 $0x108;
	s8 =	sld [smem:$0x3FB1]  }
0x2e: {  	s3 =	simm.s32 @!p0 $0x1082;
	s9 =	sld [smem:$0x3FB2]  }
0x2f: {  	lr =	sadd.s32 s0, s3;
	s0 =	sld [smem:$0x3FA9]  }
0x30: {  	s3 =	sld [smem:$0x3FAC]  }
0x31: {  	[smem:$0x3FB5] =	sst s10  }
0x32: {  	s10 =	sld [smem:$0x3FB3];
	_ =	sdelay $0x3  }
0x33: {  	p0 =	seq.s32 s10, $0x1;
	s10 =	sld [smem:$0x3FB5];
	_ =	sdelay $0x3  }
0x34: {  	[smem:$0x3FB5] =	sst s10  }
0x35: {  	s10 =	sld [smem:$0x3FB4];
	_ =	sdelay $0x3  }
0x36: {  	p1 =	seq.s32 s10, $0x1;
	s10 =	sld [smem:$0x3FB5];
	_ =	sdelay $0x3  }
0x37: {  	[smem:$0x3FB5] =	sst s10  }
0x38: {  	s10 =	sld [smem:$0x3FB6]  }
0x39: {  	_ = 	snop;
	(pc) =	sbr.ind lr, $3  }
0x3a: {  	_ = 	snop  }
0x3b: {  	_ = 	snop  }
0x3c: {  	p2 =	seq.s32 s10, $0x1;
	s10 =	sld [smem:$0x3FB5]  }
0x3d: {  	_ =	shalt  }
0x3e: {  	_ =	shalt  }
0x3f: {  	_ =	shalt  }
0x40: {  	_ =	shalt  }
0x41: {  	_ =	shalt  }
0x42: {  	_ =	shalt  }
0x43: {  	_ =	shalt  }
0x44: {  	_ =	shalt  }
0x45: {  	_ =	shalt  }
0x46: {  	_ =	shalt  }
0x47: {  	_ =	shalt  }
0x48: {  	_ =	shalt  }
0x49: {  	_ =	shalt  }
0x4a: {  	_ =	shalt  }
0x4b: {  	_ =	shalt  }
0x4c: {  	_ =	shalt  }
0x4d: {  	_ =	shalt  }
0x4e: {  	_ =	shalt  }
0x4f: {  	_ =	shalt  }
0x50: {  	_ =	shalt  }
0x51: {  	_ =	shalt  }
0x52: {  	_ =	shalt  }
0x53: {  	_ =	shalt  }
0x54: {  	_ =	shalt  }
0x55: {  	_ =	shalt  }
0x56: {  	_ =	shalt  }
0x57: {  	_ =	shalt  }
0x58: {  	_ =	shalt  }
0x59: {  	_ =	shalt  }
0x5a: {  	_ =	shalt  }
0x5b: {  	_ =	shalt  }
0x5c: {  	_ =	shalt  }
0x5d: {  	_ =	shalt  }
0x5e: {  	_ =	shalt  }
0x5f: {  	_ =	shalt  }
0x60: {  	_ =	shalt  }
0x61: {  	_ =	shalt  }
0x62: {  	_ =	shalt  }
0x63: {  	_ =	shalt  }
0x64: {  	_ =	shalt  }
0x65: {  	_ =	shalt  }
0x66: {  	_ =	shalt  }
0x67: {  	_ =	shalt  }
0x68: {  	_ =	shalt  }
0x69: {  	_ =	shalt  }
0x6a: {  	_ =	shalt  }
0x6b: {  	_ =	shalt  }
0x6c: {  	_ =	shalt  }
0x6d: {  	_ =	shalt  }
0x6e: {  	_ =	shalt  }
0x6f: {  	_ =	shalt  }
0x70: {  	_ =	shalt  }
0x71: {  	_ =	shalt  }
0x72: {  	_ =	shalt  }
0x73: {  	_ =	shalt  }
0x74: {  	_ =	shalt  }
0x75: {  	_ =	shalt  }
0x76: {  	_ =	shalt  }
0x77: {  	_ =	shalt  }
0x78: {  	_ =	shalt  }
0x79: {  	_ =	shalt  }
0x7a: {  	_ =	shalt  }
0x7b: {  	_ =	shalt  }
0x7c: {  	_ =	shalt  }
0x7d: {  	_ =	shalt  }
0x7e: {  	_ =	shalt  }
0x7f: {  	_ =	shalt  }
0x80: {  	_ =	shalt  }
0x81: {  	_ =	shalt  }
0x82: {  	_ =	shalt  }
0x83: {  	_ =	shalt  }
0x84: {  	_ =	shalt  }
0x85: {  	_ =	shalt  }
0x86: {  	_ =	shalt  }
0x87: {  	_ =	shalt  }
.Lfunc_end0:
.L_simem_size_0:
called_computation.1_lowered:
.L_overlay_start_0:
0x88: {  	s2 =	sld [smem:$0x3FD9]  }
0x89: {  	s3 =	sld [smem:$0x3FFE];
	_ =	sdelay $0x1  }
0x8a: {  	s1 =	srdreg.scid  }
0x8b: {  	s0 =	sand.u32 $0x1, s1  }
0x8c: {  	s17 =	sshll.u32 s0, $0xA;
	s2 =	sadd.s32 s3, s2  }
0x8d: {  	s2 =	sadd.s32 s2, s17  }
0x8e: {  	[smem:$0x3FC1] =	sst s2  }
0x8f: {  	_ = 	snop  }
0x90: {  	s2 =	sld [smem:$0x3FD0];
	(tm) =	ssettm $0x1  }
0x91: {  	s18 =	sld [smem:$0x3FFB];
	_ =	sdelay $0x3  }
0x92: {  	_ =	strace s18  }
0x93: {  	s3 =	sld [smem:$0x3FFC];
	_ =	sdelay $0x3  }
0x94: {  	_ =	strace s3  }
0x95: {  	s3 =	sld [smem:$0x3FFD];
	_ =	sdelay $0x3  }
0x96: {  	_ =	strace s3  }
0x97: {  	_ =	strace $0x8FFFFFFF  }
0x98: {  	s19 =	sld [smem:$0x3FDB];
	_ =	sdelay $0x1  }
0x99: {  	s4 =	simm.s32 $_scs_section_size  }
0x9a: {  	s5 =	simm.s32 $_size__tile_overlayer_lowered;
	s6 =	simm.s32 $_tile_overlayer_lowered  }
0x9b: {  	s22 =	simm.s32 $0x1BFF;
	s21 =	sshll.u32 s6, $0x1;
	s3 =	sadd.s32 s4, s19  }
0x9c: {  	s7 =	simm.s32 $0x0;
	s20 =	sshll.u32 s5, $0x1;
	s5 =	sadd.s32 s21, s3  }
0x9d: {  	[timem:s7], [sflag:s22] =	dma.local [hbm:s5], s20  }
0x9e: {  	_ =	swait.ge [sflag:s22], s20  }
0x9f: {  	s4 =	ssub.s32 $0x0, s20;
	[sflag:s22] =	ssyncset.done $0x0  }
0xa0: {  	[sflag:s22] =	ssyncadd.s32 s4;
	_ =	sdelay $0x1  }
0xa1: {  	s23 =	simm.s32 $0x1B8B  }
0xa2: {  	_ =	swait.ge [sflag:s23], $0x1  }
0xa3: {  	[sflag:s23] =	ssyncset.done $0x0  }
0xa4: {  	s25 =	simm.s32 $0x1B8E;
	s24 =	sld [smem:$0x3FFE];
	[sflag:s23] =	ssyncadd.s32 $0xFFFFFFFF  }
0xa5: {  	s26 =	simm.s32 $execute0_lowered;
	[smem:$0x3FD2] =	sst s25  }
0xa6: {  	s5 =	sshll.u32 s26, $0x1;
	_ =	strace $0x80000049;
	[dreg:$0x1] =	wrdreg $0xFFFFFFFF  }
0xa7: {  	s28 =	simm.s32 $_size_execute0_lowered;
	s3 =	sadd.s32 s3, s5;
	[dreg:$0x0] =	wrdreg $0x0  }
0xa8: {  	s5 =	sshll.u32 s28, $0x1;
	[dreg:$0x2] =	wrdreg s3  }
0xa9: {  	[dreg:$0x3] =	wrdreg s5  }
0xaa: {  	[dreg:$0x4] =	wrdreg $0xC0  }
0xab: {  	_ =	task [dreg:s7], $0x5FFFF  }
0xac: {  	[dreg:$0x1] =	wrdreg $0xFFFFFFFF  }
0xad: {  	[dreg:$0x0] =	wrdreg $0x60  }
0xae: {  	[dreg:$0x2] =	wrdreg s24  }
0xaf: {  	[dreg:$0x3] =	wrdreg s2  }
0xb0: {  	[dreg:$0x4] =	wrdreg $0x9  }
0xb1: {  	_ =	task.clear_ibuf [dreg:s7], $0x5FFFF;
	_ =	strace $0x90000049  }
0xb2: {  	s29 =	simm.s32 $0x9;
	_ =	strace $0x8000004B  }
0xb3: {  	_ =	swait.ge [sflag:s29], $0x1  }
0xb4: {  	[sflag:s29] =	ssyncadd.s32 $0xFFFFFFFF  }
0xb5: {  	_ =	strace $0x9000004B  }
0xb6: {  	_ =	sfence  }
0xb7: {  	s30 =	sld [smem:$0x0];
	_ =	sdelay $0x2  }
0xb8: {  	s31 =	sshll.u32 s1, $0xD;
	s1 =	sshrl.u32 s1, $0x2  }
0xb9: {  	s3 =	sand.u32 $0x4000, s31;
	s1 =	sadd.s32 s1, s30  }
0xba: {  	s0 =	sor.u32 s3, s0;
	s1 =	sshll.u32 s1, $0x11  }
0xbb: {  	s0 =	sor.u32 s1, s0  }
0xbc: {  	s0 =	sadd.s32 $0x8F2B, s0  }
0xbd: {  	[sflag:s0] =	ssyncadd.remote.s32 $0x1  }
0xbe: {  	_ =	sfence.sel $0xFFFF  }
0xbf: {  	[dreg:$0x0] =	wrdreg $0xFFFFFFFF;
	(pc) =	sbr.abs _section_cstart, $3  }
0xc0: {  	[dreg:$0x1] =	wrdreg $0xFFFFFFFF  }
0xc1: {  	_ =	task.clear_ibuf [dreg:s7], $0x2FFFF;
	_ =	strace $0x9FFFFFFF  }
0xc2: {  	(tm) =	ssettm $0x7FFFFFFF  }
0xc3: {  	_ =	shalt  }
tec
execute0_lowered:
.L_overlay_start_1:
0x0: {  	(tag) =	ssettag $0x1  }
0x1: {  	s0 =	rddreg [dreg:$0x0]  }
0x2: {  	s1 =	rddreg [dreg:$0x1]  }
0x3: {  	s3 =	srdreg.scid;
	s2 =	simm.s32 $0x0;
	s4 =	stileid.u32  }
0x4: {  	s11 =	simm.s32 $0x2;
	s14 =	simm.s32 $0x1;
	s24 =	simm.s32 $0x10800  }
0x5: {  	s25 =	simm.s32 $0x11000;
	s28 =	simm.s32 $0x12000;
	s29 =	simm.s32 $0x12800  }
0x6: {  	s30 =	simm.s32 $0x13000;
	s31 =	simm.s32 $0x13800;
	s10 =	simm.s32 $0x15000  }
0x7: {  	s12 =	simm.s32 $0x15800;
	s13 =	simm.s32 $0x16000;
	s15 =	simm.s32 $0x16800  }
0x8: {  	s16 =	simm.s32 $0x17000;
	s17 =	simm.s32 $0x17800;
	s18 =	simm.s32 $0x0  }
0x9: {  	s3 =	sand.u32 $0x1, s3;
	[smem:$0x7FF] =	sst s2;
	s4 =	sshll.u32 s4, $0x4  }
0xa: {  	s5 =	sshll.u32 s3, $0x3;
	_ =	strace $0x8000004A;
	s26 =	ssub.s32 $0x2, s3  }
0xb: {  	s3 =	sadd.s32 $0x9D600, s0;
	s5 =	sor.u32 s5, s4;
	s7 =	sshrl.u32 s26, $0x1  }
0xc: {  	s6 =	sadd.s32 s5, s0;
	s9 =	ssub.s32 s26, s7;
	s8 =	smul.u32 $0x300, s5  }
0xd: {  	v2 =	vlaneseq.u32;
	s7 =	sadd.s32 $0x9D800, s0;
	s26 =	simm.s32 $0x11800;
	s4 =	sadd.s32 $0x11600, s6  }
0xe: {  	vm0 =	vmmov $0xffff;
	v1 =	vshrl.u32 v2, $0x3;
	s5 =	sadd.s32 $0x11400, s6;
	s6 =	sadd.s32 $0x9D700, s0;
	s9 =	smax.u32 s9, $0x1  }
0xf: {  	v0 =	vand.u32 $0x7, v2;
	v2 =	vor.u32 $0x8, v2;
	v1 =	vmul.u32 $0x8, v1;
	s0 =	simm.s32 $0x14000;
	s8 =	sadd.s32 s1, s8;
	s1 =	simm.s32 $0x14800  }
.LBB2_1:
0x10: {  	s19 =	simm.s32 $0x18000  }
0x11: {  	[tilespmem:s19], [sflag:$0x2] =	stream.linear.gather [hbm4b:s4+s2], $0x40, $0x38;
	[tilespmem:$0x18100] =	vst v63  }
0x12: {  	_ =	swait.ge [sflag:s11], $0x40  }
0x13: {  	[sflag:s11] =	ssyncset.done $0x0  }
0x14: {  	s22 =	simm.s32 $0x18080;
	[sflag:s11] =	ssyncadd.s32 $0xFFFFFFC0  }
0x15: {  	[tilespmem:s22], [sflag:$0x2] =	stream.linear.gather [hbm4b:s5+s2], $0x40, $0x38;
	[tilespmem:$0x18100] =	vst v63  }
0x16: {  	_ =	swait.ge [sflag:s11], $0x40  }
0x17: {  	[sflag:s11] =	ssyncset.done $0x0  }
0x18: {  	[sflag:s11] =	ssyncadd.s32 $0xFFFFFFC0  }
0x19: {  	v3 =	vld [tilespmem:$0x18000];
	_ =	sdelay $0x4  }
0x1a: {  	v4 =	vshrl.u32 v3, $0x3  }
0x1b: {  	v4 =	vmul.u32 $0x30, v4  }
0x1c: {  	v3 =	vand.u32 $0x7, v3  }
0x1d: {  	v3 =	vor.u32 v3, v4  }
0x1e: {  	v4 =	vperm.xlane v3, v0;
	_ =	sdelay $0x1  }
0x1f: {  	v4 =	vadd.s32 v1, v4;
	_ =	sdelay $0x3  }
0x20: {  	v3 =	vperm.xlane v3, v2  }
0x21: {  	[tilespmem:s2], [sflag:$0x1] =	stream.indirect_vreg.gather [hbm4b:s3+s2], $0x80, v4, vm0, $0xb8;
	[tilespmem:$0x18100] =	vst v63  }
0x22: {  	s23 =	simm.s32 $0x800;
	v3 =	vadd.s32 v1, v3  }
0x23: {  	[tilespmem:s23], [sflag:$0x1] =	stream.indirect_vreg.gather [hbm4b:s6+s2], $0x80, v4, vm0, $0xb8;
	[tilespmem:$0x18100] =	vst v63  }
0x24: {  	s20 =	simm.s32 $0x1000  }
0x25: {  	[tilespmem:s20], [sflag:$0x1] =	stream.indirect_vreg.gather [hbm4b:s7+s2], $0x80, v4, vm0, $0xb8;
	[tilespmem:$0x18100] =	vst v63  }
0x26: {  	s21 =	simm.s32 $0x1800  }
0x27: {  	[tilespmem:s21], [sflag:$0x1] =	stream.indirect_vreg.gather [hbm4b:s3+s2], $0x80, v3, vm0, $0xb8;
	[tilespmem:$0x18100] =	vst v63  }
0x28: {  	s22 =	simm.s32 $0x2000  }
0x29: {  	[tilespmem:s22], [sflag:$0x1] =	stream.indirect_vreg.gather [hbm4b:s6+s2], $0x80, v3, vm0, $0xb8;
	[tilespmem:$0x18100] =	vst v63  }
0x2a: {  	s23 =	simm.s32 $0x2800  }
0x2b: {  	[tilespmem:s23], [sflag:$0x1] =	stream.indirect_vreg.gather [hbm4b:s7+s2], $0x80, v3, vm0, $0xb8;
	[tilespmem:$0x18100] =	vst v63  }
0x2c: {  	v3 =	vld [tilespmem:$0x18010];
	_ =	sdelay $0x4  }
0x2d: {  	v4 =	vshrl.u32 v3, $0x3  }
0x2e: {  	v4 =	vmul.u32 $0x30, v4  }
0x2f: {  	v3 =	vand.u32 $0x7, v3  }
0x30: {  	v3 =	vor.u32 v3, v4  }
0x31: {  	v4 =	vperm.xlane v3, v0;
	_ =	sdelay $0x1  }
0x32: {  	v4 =	vadd.s32 v1, v4;
	_ =	sdelay $0x3  }
0x33: {  	s20 =	simm.s32 $0x3000;
	v3 =	vperm.xlane v3, v2  }
0x34: {  	[tilespmem:s20], [sflag:$0x1] =	stream.indirect_vreg.gather [hbm4b:s3+s2], $0x80, v4, vm0, $0xb8;
	[tilespmem:$0x18100] =	vst v63  }
0x35: {  	s21 =	simm.s32 $0x3800;
	v3 =	vadd.s32 v1, v3  }
0x36: {  	[tilespmem:s21], [sflag:$0x1] =	stream.indirect_vreg.gather [hbm4b:s6+s2], $0x80, v4, vm0, $0xb8;
	[tilespmem:$0x18100] =	vst v63  }
0x37: {  	s22 =	simm.s32 $0x4000  }
0x38: {  	[tilespmem:s22], [sflag:$0x1] =	stream.indirect_vreg.gather [hbm4b:s7+s2], $0x80, v4, vm0, $0xb8;
	[tilespmem:$0x18100] =	vst v63  }
0x39: {  	s23 =	simm.s32 $0x4800  }
0x3a: {  	[tilespmem:s23], [sflag:$0x1] =	stream.indirect_vreg.gather [hbm4b:s3+s2], $0x80, v3, vm0, $0xb8;
	[tilespmem:$0x18100] =	vst v63  }
0x3b: {  	s20 =	simm.s32 $0x5000  }
0x3c: {  	[tilespmem:s20], [sflag:$0x1] =	stream.indirect_vreg.gather [hbm4b:s6+s2], $0x80, v3, vm0, $0xb8;
	[tilespmem:$0x18100] =	vst v63  }
0x3d: {  	s21 =	simm.s32 $0x5800  }
0x3e: {  	[tilespmem:s21], [sflag:$0x1] =	stream.indirect_vreg.gather [hbm4b:s7+s2], $0x80, v3, vm0, $0xb8;
	[tilespmem:$0x18100] =	vst v63  }
0x3f: {  	v3 =	vld [tilespmem:$0x18020];
	_ =	sdelay $0x4  }
0x40: {  	v4 =	vshrl.u32 v3, $0x3  }
0x41: {  	v4 =	vmul.u32 $0x30, v4  }
0x42: {  	v3 =	vand.u32 $0x7, v3  }
0x43: {  	v3 =	vor.u32 v3, v4  }
0x44: {  	v4 =	vperm.xlane v3, v0;
	_ =	sdelay $0x1  }
0x45: {  	v4 =	vadd.s32 v1, v4;
	_ =	sdelay $0x3  }
0x46: {  	s22 =	simm.s32 $0x6000;
	v3 =	vperm.xlane v3, v2  }
0x47: {  	[tilespmem:s22], [sflag:$0x1] =	stream.indirect_vreg.gather [hbm4b:s3+s2], $0x80, v4, vm0, $0xb8;
	[tilespmem:$0x18100] =	vst v63  }
0x48: {  	s23 =	simm.s32 $0x6800;
	v3 =	vadd.s32 v1, v3  }
0x49: {  	[tilespmem:s23], [sflag:$0x1] =	stream.indirect_vreg.gather [hbm4b:s6+s2], $0x80, v4, vm0, $0xb8;
	[tilespmem:$0x18100] =	vst v63  }
0x4a: {  	s20 =	simm.s32 $0x7000  }
0x4b: {  	[tilespmem:s20], [sflag:$0x1] =	stream.indirect_vreg.gather [hbm4b:s7+s2], $0x80, v4, vm0, $0xb8;
	[tilespmem:$0x18100] =	vst v63  }
0x4c: {  	s21 =	simm.s32 $0x7800  }
0x4d: {  	[tilespmem:s21], [sflag:$0x1] =	stream.indirect_vreg.gather [hbm4b:s3+s2], $0x80, v3, vm0, $0xb8;
	[tilespmem:$0x18100] =	vst v63  }
0x4e: {  	s22 =	simm.s32 $0x8000  }
0x4f: {  	[tilespmem:s22], [sflag:$0x1] =	stream.indirect_vreg.gather [hbm4b:s6+s2], $0x80, v3, vm0, $0xb8;
	[tilespmem:$0x18100] =	vst v63  }
0x50: {  	s23 =	simm.s32 $0x8800  }
0x51: {  	[tilespmem:s23], [sflag:$0x1] =	stream.indirect_vreg.gather [hbm4b:s7+s2], $0x80, v3, vm0, $0xb8;
	[tilespmem:$0x18100] =	vst v63  }
0x52: {  	v3 =	vld [tilespmem:$0x18030];
	_ =	sdelay $0x4  }
0x53: {  	v4 =	vshrl.u32 v3, $0x3  }
0x54: {  	v4 =	vmul.u32 $0x30, v4  }
0x55: {  	v3 =	vand.u32 $0x7, v3  }
0x56: {  	v3 =	vor.u32 v3, v4  }
0x57: {  	v4 =	vperm.xlane v3, v0;
	_ =	sdelay $0x1  }
0x58: {  	v4 =	vadd.s32 v1, v4;
	_ =	sdelay $0x3  }
0x59: {  	s20 =	simm.s32 $0x9000;
	v3 =	vperm.xlane v3, v2  }
0x5a: {  	[tilespmem:s20], [sflag:$0x1] =	stream.indirect_vreg.gather [hbm4b:s3+s2], $0x80, v4, vm0, $0xb8;
	[tilespmem:$0x18100] =	vst v63  }
0x5b: {  	s21 =	simm.s32 $0x9800;
	v3 =	vadd.s32 v1, v3  }
0x5c: {  	[tilespmem:s21], [sflag:$0x1] =	stream.indirect_vreg.gather [hbm4b:s6+s2], $0x80, v4, vm0, $0xb8;
	[tilespmem:$0x18100] =	vst v63  }
0x5d: {  	s22 =	simm.s32 $0xA000  }
0x5e: {  	[tilespmem:s22], [sflag:$0x1] =	stream.indirect_vreg.gather [hbm4b:s7+s2], $0x80, v4, vm0, $0xb8;
	[tilespmem:$0x18100] =	vst v63  }
0x5f: {  	s23 =	simm.s32 $0xA800  }
0x60: {  	[tilespmem:s23], [sflag:$0x1] =	stream.indirect_vreg.gather [hbm4b:s3+s2], $0x80, v3, vm0, $0xb8;
	[tilespmem:$0x18100] =	vst v63  }
0x61: {  	s20 =	simm.s32 $0xB000  }
0x62: {  	[tilespmem:s20], [sflag:$0x1] =	stream.indirect_vreg.gather [hbm4b:s6+s2], $0x80, v3, vm0, $0xb8;
	[tilespmem:$0x18100] =	vst v63  }
0x63: {  	s21 =	simm.s32 $0xB800  }
0x64: {  	[tilespmem:s21], [sflag:$0x1] =	stream.indirect_vreg.gather [hbm4b:s7+s2], $0x80, v3, vm0, $0xb8;
	[tilespmem:$0x18100] =	vst v63  }
0x65: {  	_ =	swait.ge [sflag:s14], $0xC000  }
0x66: {  	[sflag:s14] =	ssyncset.done $0x0  }
0x67: {  	[sflag:s14] =	ssyncadd.s32 $0xFFFF4000  }
0x68: {  	v3 =	vld [tilespmem:$0x18080];
	_ =	sdelay $0x4  }
0x69: {  	v4 =	vshrl.u32 v3, $0x3  }
0x6a: {  	v4 =	vmul.u32 $0x30, v4  }
0x6b: {  	v3 =	vand.u32 $0x7, v3  }
0x6c: {  	v3 =	vor.u32 v3, v4  }
0x6d: {  	v4 =	vperm.xlane v3, v0;
	_ =	sdelay $0x1  }
0x6e: {  	v4 =	vadd.s32 v1, v4;
	_ =	sdelay $0x3  }
0x6f: {  	s22 =	simm.s32 $0xC000;
	v3 =	vperm.xlane v3, v2  }
0x70: {  	[tilespmem:s22], [sflag:$0x1] =	stream.indirect_vreg.gather [hbm4b:s3+s2], $0x80, v4, vm0, $0xb8;
	[tilespmem:$0x18100] =	vst v63  }
0x71: {  	s23 =	simm.s32 $0xC800;
	v3 =	vadd.s32 v1, v3  }
0x72: {  	[tilespmem:s23], [sflag:$0x1] =	stream.indirect_vreg.gather [hbm4b:s6+s2], $0x80, v4, vm0, $0xb8;
	[tilespmem:$0x18100] =	vst v63  }
0x73: {  	s20 =	simm.s32 $0xD000  }
0x74: {  	[tilespmem:s20], [sflag:$0x1] =	stream.indirect_vreg.gather [hbm4b:s7+s2], $0x80, v4, vm0, $0xb8;
	[tilespmem:$0x18100] =	vst v63  }
0x75: {  	s21 =	simm.s32 $0xD800  }
0x76: {  	[tilespmem:s21], [sflag:$0x1] =	stream.indirect_vreg.gather [hbm4b:s3+s2], $0x80, v3, vm0, $0xb8;
	[tilespmem:$0x18100] =	vst v63  }
0x77: {  	s22 =	simm.s32 $0xE000  }
0x78: {  	[tilespmem:s22], [sflag:$0x1] =	stream.indirect_vreg.gather [hbm4b:s6+s2], $0x80, v3, vm0, $0xb8;
	[tilespmem:$0x18100] =	vst v63  }
0x79: {  	s23 =	simm.s32 $0xE800  }
0x7a: {  	[tilespmem:s23], [sflag:$0x1] =	stream.indirect_vreg.gather [hbm4b:s7+s2], $0x80, v3, vm0, $0xb8;
	[tilespmem:$0x18100] =	vst v63  }
0x7b: {  	v3 =	vld [tilespmem:$0x18090];
	_ =	sdelay $0x4  }
0x7c: {  	v4 =	vshrl.u32 v3, $0x3  }
0x7d: {  	v4 =	vmul.u32 $0x30, v4  }
0x7e: {  	v3 =	vand.u32 $0x7, v3  }
0x7f: {  	v3 =	vor.u32 v3, v4  }
0x80: {  	v4 =	vperm.xlane v3, v0;
	_ =	sdelay $0x1  }
0x81: {  	v4 =	vadd.s32 v1, v4;
	_ =	sdelay $0x3  }
0x82: {  	s20 =	simm.s32 $0xF000;
	v3 =	vperm.xlane v3, v2  }
0x83: {  	[tilespmem:s20], [sflag:$0x1] =	stream.indirect_vreg.gather [hbm4b:s3+s2], $0x80, v4, vm0, $0xb8;
	[tilespmem:$0x18100] =	vst v63  }
0x84: {  	s21 =	simm.s32 $0xF800;
	v3 =	vadd.s32 v1, v3  }
0x85: {  	[tilespmem:s21], [sflag:$0x1] =	stream.indirect_vreg.gather [hbm4b:s6+s2], $0x80, v4, vm0, $0xb8;
	[tilespmem:$0x18100] =	vst v63  }
0x86: {  	s22 =	simm.s32 $0x10000  }
0x87: {  	[tilespmem:s22], [sflag:$0x1] =	stream.indirect_vreg.gather [hbm4b:s7+s2], $0x80, v4, vm0, $0xb8;
	[tilespmem:$0x18100] =	vst v63  }
0x88: {  	_ = 	snop  }
0x89: {  	[tilespmem:s24], [sflag:$0x1] =	stream.indirect_vreg.gather [hbm4b:s3+s2], $0x80, v3, vm0, $0xb8;
	[tilespmem:$0x18100] =	vst v63  }
0x8a: {  	_ = 	snop  }
0x8b: {  	[tilespmem:s25], [sflag:$0x1] =	stream.indirect_vreg.gather [hbm4b:s6+s2], $0x80, v3, vm0, $0xb8;
	[tilespmem:$0x18100] =	vst v63  }
0x8c: {  	_ = 	snop  }
0x8d: {  	[tilespmem:s26], [sflag:$0x1] =	stream.indirect_vreg.gather [hbm4b:s7+s2], $0x80, v3, vm0, $0xb8;
	[tilespmem:$0x18100] =	vst v63  }
0x8e: {  	v3 =	vld [tilespmem:$0x180A0];
	_ =	sdelay $0x4  }
0x8f: {  	v4 =	vshrl.u32 v3, $0x3  }
0x90: {  	v4 =	vmul.u32 $0x30, v4  }
0x91: {  	v3 =	vand.u32 $0x7, v3  }
0x92: {  	v3 =	vor.u32 v3, v4  }
0x93: {  	v4 =	vperm.xlane v3, v0;
	_ =	sdelay $0x1  }
0x94: {  	v4 =	vadd.s32 v1, v4;
	_ =	sdelay $0x3  }
0x95: {  	v3 =	vperm.xlane v3, v2  }
0x96: {  	[tilespmem:s28], [sflag:$0x1] =	stream.indirect_vreg.gather [hbm4b:s3+s2], $0x80, v4, vm0, $0xb8;
	[tilespmem:$0x18100] =	vst v63  }
0x97: {  	v3 =	vadd.s32 v1, v3  }
0x98: {  	[tilespmem:s29], [sflag:$0x1] =	stream.indirect_vreg.gather [hbm4b:s6+s2], $0x80, v4, vm0, $0xb8;
	[tilespmem:$0x18100] =	vst v63  }
0x99: {  	_ = 	snop  }
0x9a: {  	[tilespmem:s30], [sflag:$0x1] =	stream.indirect_vreg.gather [hbm4b:s7+s2], $0x80, v4, vm0, $0xb8;
	[tilespmem:$0x18100] =	vst v63  }
0x9b: {  	_ = 	snop  }
0x9c: {  	[tilespmem:s31], [sflag:$0x1] =	stream.indirect_vreg.gather [hbm4b:s3+s2], $0x80, v3, vm0, $0xb8;
	[tilespmem:$0x18100] =	vst v63  }
0x9d: {  	_ = 	snop  }
0x9e: {  	[tilespmem:s0], [sflag:$0x1] =	stream.indirect_vreg.gather [hbm4b:s6+s2], $0x80, v3, vm0, $0xb8;
	[tilespmem:$0x18100] =	vst v63  }
0x9f: {  	_ = 	snop  }
0xa0: {  	[tilespmem:s1], [sflag:$0x1] =	stream.indirect_vreg.gather [hbm4b:s7+s2], $0x80, v3, vm0, $0xb8;
	[tilespmem:$0x18100] =	vst v63  }
0xa1: {  	v3 =	vld [tilespmem:$0x180B0];
	_ =	sdelay $0x4  }
0xa2: {  	v4 =	vshrl.u32 v3, $0x3  }
0xa3: {  	v4 =	vmul.u32 $0x30, v4  }
0xa4: {  	v3 =	vand.u32 $0x7, v3  }
0xa5: {  	v3 =	vor.u32 v3, v4  }
0xa6: {  	v4 =	vperm.xlane v3, v0;
	_ =	sdelay $0x1  }
0xa7: {  	v4 =	vadd.s32 v1, v4;
	_ =	sdelay $0x3  }
0xa8: {  	v3 =	vperm.xlane v3, v2  }
0xa9: {  	[tilespmem:s10], [sflag:$0x1] =	stream.indirect_vreg.gather [hbm4b:s3+s2], $0x80, v4, vm0, $0xb8;
	[tilespmem:$0x18100] =	vst v63  }
0xaa: {  	v3 =	vadd.s32 v1, v3  }
0xab: {  	[tilespmem:s12], [sflag:$0x1] =	stream.indirect_vreg.gather [hbm4b:s6+s2], $0x80, v4, vm0, $0xb8;
	[tilespmem:$0x18100] =	vst v63  }
0xac: {  	_ = 	snop  }
0xad: {  	[tilespmem:s13], [sflag:$0x1] =	stream.indirect_vreg.gather [hbm4b:s7+s2], $0x80, v4, vm0, $0xb8;
	[tilespmem:$0x18100] =	vst v63  }
0xae: {  	_ = 	snop  }
0xaf: {  	[tilespmem:s15], [sflag:$0x1] =	stream.indirect_vreg.gather [hbm4b:s3+s2], $0x80, v3, vm0, $0xb8;
	[tilespmem:$0x18100] =	vst v63  }
0xb0: {  	_ = 	snop  }
0xb1: {  	[tilespmem:s16], [sflag:$0x1] =	stream.indirect_vreg.gather [hbm4b:s6+s2], $0x80, v3, vm0, $0xb8;
	[tilespmem:$0x18100] =	vst v63  }
0xb2: {  	s23 =	simm.s32 $0x0  }
0xb3: {  	[tilespmem:s17], [sflag:$0x1] =	stream.indirect_vreg.gather [hbm4b:s7+s2], $0x80, v3, vm0, $0xb8;
	[tilespmem:$0x18100] =	vst v63  }
0xb4: {  	s19 =	smul.u32 $0x1800, s23;
	_ =	swait.ge [sflag:s14], $0xC000  }
0xb5: {  	s20 =	sand.u32 $0x380, s2;
	[sflag:s14] =	ssyncset.done $0x0  }
0xb6: {  	s19 =	sor.u32 s20, s19;
	[sflag:s14] =	ssyncadd.s32 $0xFFFF4000  }
0xb7: {  	v12 =	vld [tilespmem:s19+$0xC000]  }
0xb8: {  	v13 =	vld [tilespmem:s19+$0xC010]  }
0xb9: {  	v14 =	vld [tilespmem:s19+$0xC020]  }
0xba: {  	v15 =	vld [tilespmem:s19+$0xC030]  }
0xbb: {  	v16 =	vld [tilespmem:s19+$0xC040]  }
0xbc: {  	v17 =	vld [tilespmem:s19+$0xC050]  }
0xbd: {  	v18 =	vld [tilespmem:s19+$0xC060]  }
0xbe: {  	v19 =	vld [tilespmem:s19+$0xC070]  }
0xbf: {  	v20 =	vld [tilespmem:s19+$0xC400]  }
0xc0: {  	v21 =	vld [tilespmem:s19+$0xC410]  }
0xc1: {  	v22 =	vld [tilespmem:s19+$0xC420]  }
0xc2: {  	v23 =	vld [tilespmem:s19+$0xC430]  }
0xc3: {  	v24 =	vld [tilespmem:s19+$0xC440]  }
0xc4: {  	v25 =	vld [tilespmem:s19+$0xC450]  }
0xc5: {  	v26 =	vld [tilespmem:s19+$0xC460]  }
0xc6: {  	v27 =	vld [tilespmem:s19+$0xC470]  }
0xc7: {  	v28 =	vld [tilespmem:s19+$0xC800]  }
0xc8: {  	v29 =	vld [tilespmem:s19+$0xC810]  }
0xc9: {  	v30 =	vld [tilespmem:s19+$0xC820]  }
0xca: {  	v31 =	vld [tilespmem:s19+$0xC830]  }
0xcb: {  	v32 =	vld [tilespmem:s19+$0xC840]  }
0xcc: {  	v33 =	vld [tilespmem:s19+$0xC850]  }
0xcd: {  	v34 =	vld [tilespmem:s19+$0xC860]  }
0xce: {  	v35 =	vld [tilespmem:s19+$0xC870]  }
0xcf: {  	v36 =	vld [tilespmem:s19+$0xCC00]  }
0xd0: {  	v37 =	vld [tilespmem:s19+$0xCC10]  }
0xd1: {  	v38 =	vld [tilespmem:s19+$0xCC20]  }
0xd2: {  	v39 =	vld [tilespmem:s19+$0xCC30]  }
0xd3: {  	v40 =	vld [tilespmem:s19+$0xCC40]  }
0xd4: {  	v41 =	vld [tilespmem:s19+$0xCC50]  }
0xd5: {  	v42 =	vld [tilespmem:s19+$0xCC60]  }
0xd6: {  	v43 =	vld [tilespmem:s19+$0xCC70]  }
0xd7: {  	v44 =	vld [tilespmem:s19+$0xD000]  }
0xd8: {  	v45 =	vld [tilespmem:s19+$0xD010]  }
0xd9: {  	v46 =	vld [tilespmem:s19+$0xD020]  }
0xda: {  	v47 =	vld [tilespmem:s19+$0xD030]  }
0xdb: {  	v48 =	vld [tilespmem:s19+$0xD040]  }
0xdc: {  	v49 =	vld [tilespmem:s19+$0xD050]  }
0xdd: {  	v50 =	vld [tilespmem:s19+$0xD060]  }
0xde: {  	v11 =	vld [tilespmem:s19+$0xD070]  }
0xdf: {  	v10 =	vld [tilespmem:s19+$0xD400]  }
0xe0: {  	v9 =	vld [tilespmem:s19+$0xD410]  }
0xe1: {  	v8 =	vld [tilespmem:s19+$0xD420]  }
0xe2: {  	v7 =	vld [tilespmem:s19+$0xD430]  }
0xe3: {  	v6 =	vld [tilespmem:s19+$0xD440]  }
0xe4: {  	v51 =	vld [tilespmem:s19+$0x0]  }
0xe5: {  	v52 =	vld [tilespmem:s19+$0x10]  }
0xe6: {  	v53 =	vld [tilespmem:s19+$0x20]  }
0xe7: {  	v54 =	vld [tilespmem:s19+$0x30]  }
0xe8: {  	v55 =	vld [tilespmem:s19+$0x40]  }
0xe9: {  	v62 =	vld [tilespmem:s19+$0x50];
	v12 =	vadd.f32 v12, v51  }
0xea: {  	v63 =	vld [tilespmem:s19+$0x60];
	v13 =	vadd.f32 v13, v52  }
0xeb: {  	[tilespmem:s19+$0x0] =	vst v12;
	v12 =	vadd.f32 v14, v53;
	v14 =	vld [tilespmem:s19+$0x70]  }
0xec: {  	[tilespmem:s19+$0x10] =	vst v13;
	v13 =	vadd.f32 v15, v54;
	v15 =	vld [tilespmem:s19+$0x400]  }
0xed: {  	[tilespmem:s19+$0x20] =	vst v12;
	v12 =	vadd.f32 v16, v55;
	v16 =	vld [tilespmem:s19+$0x410]  }
0xee: {  	[tilespmem:s19+$0x30] =	vst v13;
	v13 =	vadd.f32 v17, v62;
	v17 =	vld [tilespmem:s19+$0x420]  }
0xef: {  	v5 =	vld [tilespmem:s19+$0xD450]  }
0xf0: {  	[tilespmem:s19+$0x40] =	vst v12;
	v12 =	vadd.f32 v18, v63;
	v18 =	vld [tilespmem:s19+$0x470]  }
0xf1: {  	[tilespmem:s19+$0x50] =	vst v13;
	v13 =	vadd.f32 v19, v14;
	v14 =	vld [tilespmem:s19+$0x430]  }
0xf2: {  	[tilespmem:s19+$0x60] =	vst v12;
	v12 =	vadd.f32 v20, v15;
	v15 =	vld [tilespmem:s19+$0x440]  }
0xf3: {  	[tilespmem:s19+$0x70] =	vst v13;
	v13 =	vadd.f32 v21, v16;
	v16 =	vadd.f32 v22, v17;
	v17 =	vld [tilespmem:s19+$0x460]  }
0xf4: {  	[tilespmem:s19+$0x400] =	vst v12;
	v12 =	vld [tilespmem:s19+$0x450]  }
0xf5: {  	[tilespmem:s19+$0x410] =	vst v13;
	v13 =	vld [tilespmem:s19+$0x800];
	v18 =	vadd.f32 v27, v18  }
0xf6: {  	[tilespmem:s19+$0x420] =	vst v16;
	v16 =	vld [tilespmem:s19+$0x810];
	v14 =	vadd.f32 v23, v14  }
0xf7: {  	v4 =	vld [tilespmem:s19+$0xD460];
	v15 =	vadd.f32 v24, v15;
	[tilespmem:s19+$0x470] =	vst v18  }
0xf8: {  	[tilespmem:s19+$0x430] =	vst v14;
	v14 =	vld [tilespmem:s19+$0x820];
	v17 =	vadd.f32 v26, v17  }
0xf9: {  	v12 =	vadd.f32 v25, v12;
	[tilespmem:s19+$0x440] =	vst v15;
	v15 =	vld [tilespmem:s19+$0x830]  }
0xfa: {  	v18 =	vld [tilespmem:s19+$0x870];
	[tilespmem:s19+$0x460] =	vst v17;
	v13 =	vadd.f32 v28, v13  }
0xfb: {  	v16 =	vadd.f32 v29, v16;
	[tilespmem:s19+$0x450] =	vst v12;
	v12 =	vld [tilespmem:s19+$0x840]  }
0xfc: {  	v17 =	vld [tilespmem:s19+$0x850];
	[tilespmem:s19+$0x800] =	vst v13  }
0xfd: {  	[tilespmem:s19+$0x810] =	vst v16;
	v16 =	vld [tilespmem:s19+$0x860];
	v13 =	vadd.f32 v30, v14  }
0xfe: {  	v14 =	vld [tilespmem:s19+$0xC00];
	v15 =	vadd.f32 v31, v15  }
0xff: {  	[tilespmem:s19+$0x820] =	vst v13;
	v13 =	vld [tilespmem:s19+$0xC10]  }
0x100: {  	v12 =	vadd.f32 v32, v12;
	[tilespmem:s19+$0x830] =	vst v15;
	v15 =	vld [tilespmem:s19+$0xC20]  }
0x101: {  	v3 =	vld [tilespmem:s19+$0xD470];
	v17 =	vadd.f32 v33, v17  }
0x102: {  	v16 =	vadd.f32 v34, v16;
	[tilespmem:s19+$0x840] =	vst v12;
	v12 =	vld [tilespmem:s19+$0xC30]  }
0x103: {  	[tilespmem:s19+$0x850] =	vst v17;
	v17 =	vld [tilespmem:s19+$0xC40];
	v14 =	vadd.f32 v36, v14  }
0x104: {  	v18 =	vadd.f32 v35, v18;
	[tilespmem:s19+$0x860] =	vst v16;
	v16 =	vld [tilespmem:s19+$0xC50]  }
0x105: {  	v13 =	vadd.f32 v37, v13;
	[tilespmem:s19+$0xC00] =	vst v14;
	v14 =	vadd.f32 v38, v15;
	v15 =	vld [tilespmem:s19+$0xC60]  }
0x106: {  	[tilespmem:s19+$0x870] =	vst v18;
	v18 =	vld [tilespmem:s19+$0xC70]  }
0x107: {  	[tilespmem:s19+$0xC10] =	vst v13;
	v13 =	vld [tilespmem:s19+$0x1000];
	v12 =	vadd.f32 v39, v12  }
0x108: {  	v17 =	vadd.f32 v40, v17;
	[tilespmem:s19+$0xC20] =	vst v14;
	v14 =	vld [tilespmem:s19+$0x1010]  }
0x109: {  	v16 =	vadd.f32 v41, v16;
	[tilespmem:s19+$0xC30] =	vst v12;
	v12 =	vld [tilespmem:s19+$0x1020]  }
0x10a: {  	[tilespmem:s19+$0xC40] =	vst v17;
	v17 =	vld [tilespmem:s19+$0x1030];
	v15 =	vadd.f32 v42, v15  }
0x10b: {  	v19 =	vld [tilespmem:s19+$0x1040];
	[tilespmem:s19+$0xC50] =	vst v16;
	v16 =	vadd.f32 v43, v18  }
0x10c: {  	v18 =	vld [tilespmem:s19+$0x1050];
	v13 =	vadd.f32 v44, v13;
	[tilespmem:s19+$0xC60] =	vst v15  }
0x10d: {  	v20 =	vld [tilespmem:s19+$0x1060];
	[tilespmem:s19+$0xC70] =	vst v16;
	v14 =	vadd.f32 v45, v14  }
0x10e: {  	v16 =	vld [tilespmem:s19+$0x1070];
	[tilespmem:s19+$0x1000] =	vst v13;
	v12 =	vadd.f32 v46, v12  }
0x10f: {  	v15 =	vld [tilespmem:s19+$0x1400];
	v13 =	vadd.f32 v47, v17;
	[tilespmem:s19+$0x1010] =	vst v14  }
0x110: {  	v14 =	vld [tilespmem:s19+$0x1410];
	[tilespmem:s19+$0x1020] =	vst v12;
	v12 =	vadd.f32 v48, v19  }
0x111: {  	[tilespmem:s19+$0x1030] =	vst v13;
	v13 =	vld [tilespmem:s19+$0x1420];
	v18 =	vadd.f32 v49, v18  }
0x112: {  	s20 =	simm.s32 $0x1;
	s21 =	simm.s32 $0x0;
	v17 =	vadd.f32 v50, v20;
	[tilespmem:s19+$0x1040] =	vst v12;
	v12 =	vld [tilespmem:s19+$0x1430]  }
.LBB2_2:
0x113: {  	s22 =	sshrl.u32 s20, $0x3;
	p0 =	sne.s32 s20, $0x3F;
	[tilespmem:s19+$0x1050] =	vst v18;
	v11 =	vadd.f32 v11, v16;
	v16 =	vld [tilespmem:s19+$0x1440]  }
0x114: {  	s21 =	sadd.s32 $0x80, s21;
	s22 =	smul.u32 $0x1800, s22;
	[tilespmem:s19+$0x1060] =	vst v17;
	v10 =	vadd.f32 v10, v15;
	v15 =	vld [tilespmem:s19+$0x1450]  }
0x115: {  	s23 =	sand.u32 $0x380, s21;
	[tilespmem:s19+$0x1070] =	vst v11;
	v9 =	vadd.f32 v9, v14;
	v11 =	vld [tilespmem:s19+$0x1460]  }
0x116: {  	s22 =	sor.u32 s23, s22;
	[tilespmem:s19+$0x1400] =	vst v10;
	v8 =	vadd.f32 v8, v13;
	v10 =	vld [tilespmem:s19+$0x1470]  }
0x117: {  	v39 =	vld [tilespmem:s22+$0xC000];
	[tilespmem:s19+$0x1410] =	vst v9;
	v7 =	vadd.f32 v7, v12  }
0x118: {  	v40 =	vld [tilespmem:s22+$0xC010];
	[tilespmem:s19+$0x1420] =	vst v8;
	v6 =	vadd.f32 v6, v16  }
0x119: {  	v41 =	vld [tilespmem:s22+$0xC020];
	[tilespmem:s19+$0x1430] =	vst v7;
	v5 =	vadd.f32 v5, v15  }
0x11a: {  	v42 =	vld [tilespmem:s22+$0xC030];
	[tilespmem:s19+$0x1440] =	vst v6;
	v4 =	vadd.f32 v4, v11  }
0x11b: {  	v43 =	vld [tilespmem:s22+$0xC040];
	[tilespmem:s19+$0x1450] =	vst v5;
	v3 =	vadd.f32 v3, v10  }
0x11c: {  	v44 =	vld [tilespmem:s22+$0xC050];
	[tilespmem:s19+$0x1460] =	vst v4  }
0x11d: {  	v45 =	vld [tilespmem:s22+$0xC060];
	[tilespmem:s19+$0x1470] =	vst v3;
	s19 =	smov.u32 s22  }
0x11e: {  	v46 =	vld [tilespmem:s19+$0xC070]  }
0x11f: {  	v47 =	vld [tilespmem:s19+$0xC400]  }
0x120: {  	v48 =	vld [tilespmem:s19+$0xC410]  }
0x121: {  	v49 =	vld [tilespmem:s19+$0xC420]  }
0x122: {  	v50 =	vld [tilespmem:s19+$0xC430]  }
0x123: {  	v38 =	vld [tilespmem:s19+$0xC440]  }
0x124: {  	v37 =	vld [tilespmem:s19+$0xC450]  }
0x125: {  	v36 =	vld [tilespmem:s19+$0xC460]  }
0x126: {  	v35 =	vld [tilespmem:s19+$0xC470]  }
0x127: {  	v34 =	vld [tilespmem:s19+$0xC800]  }
0x128: {  	v33 =	vld [tilespmem:s19+$0xC810]  }
0x129: {  	v32 =	vld [tilespmem:s19+$0xC820]  }
0x12a: {  	v31 =	vld [tilespmem:s19+$0xC830]  }
0x12b: {  	v30 =	vld [tilespmem:s19+$0xC840]  }
0x12c: {  	v29 =	vld [tilespmem:s19+$0xC850]  }
0x12d: {  	v28 =	vld [tilespmem:s19+$0xC860]  }
0x12e: {  	v27 =	vld [tilespmem:s19+$0xC870]  }
0x12f: {  	v26 =	vld [tilespmem:s19+$0xCC00]  }
0x130: {  	v25 =	vld [tilespmem:s19+$0xCC10]  }
0x131: {  	v24 =	vld [tilespmem:s19+$0xCC20]  }
0x132: {  	v23 =	vld [tilespmem:s19+$0xCC30]  }
0x133: {  	v22 =	vld [tilespmem:s19+$0xCC40]  }
0x134: {  	v21 =	vld [tilespmem:s19+$0xCC50]  }
0x135: {  	v20 =	vld [tilespmem:s19+$0xCC60]  }
0x136: {  	v19 =	vld [tilespmem:s19+$0xCC70]  }
0x137: {  	v18 =	vld [tilespmem:s19+$0xD000]  }
0x138: {  	v17 =	vld [tilespmem:s19+$0xD010]  }
0x139: {  	v16 =	vld [tilespmem:s19+$0xD020]  }
0x13a: {  	v15 =	vld [tilespmem:s19+$0xD030]  }
0x13b: {  	v14 =	vld [tilespmem:s19+$0xD040]  }
0x13c: {  	v13 =	vld [tilespmem:s19+$0xD050]  }
0x13d: {  	v12 =	vld [tilespmem:s19+$0xD060]  }
0x13e: {  	v11 =	vld [tilespmem:s19+$0xD070]  }
0x13f: {  	v10 =	vld [tilespmem:s19+$0xD400]  }
0x140: {  	v9 =	vld [tilespmem:s19+$0xD410]  }
0x141: {  	v8 =	vld [tilespmem:s19+$0xD420]  }
0x142: {  	v7 =	vld [tilespmem:s19+$0xD430]  }
0x143: {  	v6 =	vld [tilespmem:s19+$0xD440]  }
0x144: {  	v5 =	vld [tilespmem:s19+$0xD450]  }
0x145: {  	v4 =	vld [tilespmem:s19+$0xD460]  }
0x146: {  	v3 =	vld [tilespmem:s19+$0xD470]  }
0x147: {  	v51 =	vld [tilespmem:s19+$0x0]  }
0x148: {  	v52 =	vld [tilespmem:s19+$0x10]  }
0x149: {  	v53 =	vld [tilespmem:s19+$0x20]  }
0x14a: {  	v54 =	vld [tilespmem:s19+$0x30]  }
0x14b: {  	v55 =	vld [tilespmem:s19+$0x40]  }
0x14c: {  	v39 =	vadd.f32 v39, v51;
	v51 =	vld [tilespmem:s19+$0x50]  }
0x14d: {  	v40 =	vadd.f32 v40, v52;
	v52 =	vld [tilespmem:s19+$0x60]  }
0x14e: {  	[tilespmem:s19+$0x0] =	vst v39;
	v39 =	vadd.f32 v41, v53;
	v41 =	vld [tilespmem:s19+$0x70]  }
0x14f: {  	[tilespmem:s19+$0x10] =	vst v40;
	v40 =	vadd.f32 v42, v54;
	v42 =	vld [tilespmem:s19+$0x400]  }
0x150: {  	[tilespmem:s19+$0x20] =	vst v39;
	v39 =	vadd.f32 v43, v55;
	v43 =	vld [tilespmem:s19+$0x410]  }
0x151: {  	[tilespmem:s19+$0x30] =	vst v40;
	v40 =	vadd.f32 v44, v51;
	v44 =	vld [tilespmem:s19+$0x420]  }
0x152: {  	[tilespmem:s19+$0x40] =	vst v39;
	v39 =	vadd.f32 v45, v52;
	v45 =	vld [tilespmem:s19+$0x430]  }
0x153: {  	[tilespmem:s19+$0x50] =	vst v40;
	v40 =	vadd.f32 v46, v41;
	v41 =	vld [tilespmem:s19+$0x440]  }
0x154: {  	[tilespmem:s19+$0x60] =	vst v39;
	v39 =	vadd.f32 v47, v42;
	v42 =	vld [tilespmem:s19+$0x450]  }
0x155: {  	[tilespmem:s19+$0x70] =	vst v40;
	v40 =	vadd.f32 v48, v43;
	v43 =	vld [tilespmem:s19+$0x460]  }
0x156: {  	[tilespmem:s19+$0x400] =	vst v39;
	v39 =	vadd.f32 v49, v44;
	v44 =	vld [tilespmem:s19+$0x470]  }
0x157: {  	[tilespmem:s19+$0x410] =	vst v40;
	v40 =	vadd.f32 v50, v45;
	v45 =	vld [tilespmem:s19+$0x800]  }
0x158: {  	[tilespmem:s19+$0x420] =	vst v39;
	v38 =	vadd.f32 v38, v41;
	v39 =	vld [tilespmem:s19+$0x810]  }
0x159: {  	[tilespmem:s19+$0x430] =	vst v40;
	v37 =	vadd.f32 v37, v42;
	v40 =	vld [tilespmem:s19+$0x820]  }
0x15a: {  	[tilespmem:s19+$0x440] =	vst v38;
	v36 =	vadd.f32 v36, v43;
	v38 =	vld [tilespmem:s19+$0x830]  }
0x15b: {  	[tilespmem:s19+$0x450] =	vst v37;
	v35 =	vadd.f32 v35, v44;
	v37 =	vld [tilespmem:s19+$0x840]  }
0x15c: {  	[tilespmem:s19+$0x460] =	vst v36;
	v34 =	vadd.f32 v34, v45;
	v36 =	vld [tilespmem:s19+$0x850]  }
0x15d: {  	[tilespmem:s19+$0x470] =	vst v35;
	v33 =	vadd.f32 v33, v39;
	v35 =	vld [tilespmem:s19+$0x860]  }
0x15e: {  	[tilespmem:s19+$0x800] =	vst v34;
	v32 =	vadd.f32 v32, v40;
	v34 =	vld [tilespmem:s19+$0x870]  }
0x15f: {  	[tilespmem:s19+$0x810] =	vst v33;
	v31 =	vadd.f32 v31, v38;
	v33 =	vld [tilespmem:s19+$0xC00]  }
0x160: {  	[tilespmem:s19+$0x820] =	vst v32;
	v30 =	vadd.f32 v30, v37;
	v32 =	vld [tilespmem:s19+$0xC10]  }
0x161: {  	[tilespmem:s19+$0x830] =	vst v31;
	v29 =	vadd.f32 v29, v36;
	v31 =	vld [tilespmem:s19+$0xC20]  }
0x162: {  	[tilespmem:s19+$0x840] =	vst v30;
	v28 =	vadd.f32 v28, v35;
	v30 =	vld [tilespmem:s19+$0xC30]  }
0x163: {  	[tilespmem:s19+$0x850] =	vst v29;
	v27 =	vadd.f32 v27, v34;
	v29 =	vld [tilespmem:s19+$0xC40]  }
0x164: {  	[tilespmem:s19+$0x860] =	vst v28;
	v26 =	vadd.f32 v26, v33;
	v28 =	vld [tilespmem:s19+$0xC50]  }
0x165: {  	[tilespmem:s19+$0x870] =	vst v27;
	v25 =	vadd.f32 v25, v32;
	v27 =	vld [tilespmem:s19+$0xC60]  }
0x166: {  	[tilespmem:s19+$0xC00] =	vst v26;
	v24 =	vadd.f32 v24, v31;
	v26 =	vld [tilespmem:s19+$0xC70]  }
0x167: {  	[tilespmem:s19+$0xC10] =	vst v25;
	v23 =	vadd.f32 v23, v30;
	v25 =	vld [tilespmem:s19+$0x1000]  }
0x168: {  	[tilespmem:s19+$0xC20] =	vst v24;
	v22 =	vadd.f32 v22, v29;
	v24 =	vld [tilespmem:s19+$0x1010]  }
0x169: {  	[tilespmem:s19+$0xC30] =	vst v23;
	v21 =	vadd.f32 v21, v28;
	v23 =	vld [tilespmem:s19+$0x1020]  }
0x16a: {  	[tilespmem:s19+$0xC40] =	vst v22;
	v20 =	vadd.f32 v20, v27;
	v22 =	vld [tilespmem:s19+$0x1030]  }
0x16b: {  	[tilespmem:s19+$0xC50] =	vst v21;
	v19 =	vadd.f32 v19, v26;
	v21 =	vld [tilespmem:s19+$0x1040]  }
0x16c: {  	[tilespmem:s19+$0xC60] =	vst v20;
	v18 =	vadd.f32 v18, v25;
	v20 =	vld [tilespmem:s19+$0x1050]  }
0x16d: {  	[tilespmem:s19+$0xC70] =	vst v19;
	v17 =	vadd.f32 v17, v24;
	v19 =	vld [tilespmem:s19+$0x1060]  }
.Ltmp0:
0x16e: {  	[tilespmem:s19+$0x1000] =	vst v18;
	v18 =	vadd.f32 v16, v23;
	v16 =	vld [tilespmem:s19+$0x1070];
	(pc) =	sbr.rel @p0 .LBB2_2-.Ltmp0, $4  }
0x16f: {  	[tilespmem:s19+$0x1010] =	vst v17;
	v17 =	vadd.f32 v15, v22;
	v15 =	vld [tilespmem:s19+$0x1400]  }
0x170: {  	[tilespmem:s19+$0x1020] =	vst v18;
	v21 =	vadd.f32 v14, v21;
	v14 =	vld [tilespmem:s19+$0x1410]  }
0x171: {  	[tilespmem:s19+$0x1030] =	vst v17;
	v18 =	vadd.f32 v13, v20;
	v13 =	vld [tilespmem:s19+$0x1420]  }
0x172: {  	s20 =	sadd.s32 $0x1, s20;
	[tilespmem:s19+$0x1040] =	vst v21;
	v17 =	vadd.f32 v12, v19;
	v12 =	vld [tilespmem:s19+$0x1430]  }
0x173: {  	[tilespmem:s19+$0x1050] =	vst v18;
	v60 =	vld [tilespmem:s19+$0x1440];
	v11 =	vadd.f32 v11, v16  }
0x174: {  	v61 =	vld [tilespmem:s19+$0x1450];
	[tilespmem:s19+$0x1060] =	vst v17;
	v10 =	vadd.f32 v10, v15  }
0x175: {  	v62 =	vld [tilespmem:s19+$0x1460];
	[tilespmem:s19+$0x1070] =	vst v11;
	v9 =	vadd.f32 v9, v14  }
0x176: {  	v63 =	vld [tilespmem:s19+$0x1470];
	[tilespmem:s19+$0x1400] =	vst v10;
	v8 =	vadd.f32 v8, v13  }
0x177: {  	[tilespmem:s19+$0x1410] =	vst v9;
	v7 =	vadd.f32 v7, v12  }
0x178: {  	[tilespmem:s19+$0x1420] =	vst v8;
	v6 =	vadd.f32 v6, v60  }
0x179: {  	v5 =	vadd.f32 v5, v61;
	[tilespmem:s19+$0x1430] =	vst v7  }
0x17a: {  	v4 =	vadd.f32 v4, v62;
	[tilespmem:s19+$0x1440] =	vst v6  }
0x17b: {  	s18 =	sadd.s32 $0x1, s18;
	v3 =	vadd.f32 v3, v63;
	[tilespmem:s19+$0x1450] =	vst v5  }
0x17c: {  	p0 =	sne.s32 s18, s9;
	[tilespmem:s19+$0x1460] =	vst v4  }
.Ltmp1:
0x17d: {  	[tilespmem:s19+$0x1470] =	vst v3;
	(pc) =	sbr.rel @p0 .LBB2_1-.Ltmp1, $4  }
0x17e: {  	[hbm4b:s8+s2] =	stream.linear.scatter [tilespmem:s2], [sflag:$0x2], $0xC000, $0x38;
	[tilespmem:$0x18100] =	vst v63  }
0x17f: {  	_ =	swait.ge [sflag:s11], $0xC000  }
0x180: {  	[sflag:s11] =	ssyncset.done $0x0  }
0x181: {  	[sflag:s11] =	ssyncadd.s32 $0xFFFF4000  }
0x182: {  	_ =	sfence.sel $0x180000  }
0x183: {  	[bflag:$0x0] =	sbarrier.arrive $0xFFFF  }
0x184: {  	_ =	strace $0x9000004A  }
0x185: {  	s0 =	stileid.u32;
	[bflag:$0x2] =	sbarrier.arrive $0xFFFF  }
0x186: {  	p0 =	sne.s32 s0, $0x0;
	s0 =	rddreg [dreg:$0x2]  }
0x187: {  	s0 =	sadd.s32 @!p0 $0x100000, s0  }
0x188: {  	[sflag:s0] =	ssyncadd.tile.s32 @!p0 $0x1;
	_ =	shalt  }
.Lfunc_end2:
_tile_overlayer_lowered:
.L_overlay_start_2:
0x189: {  	(tag) =	ssettag $0x2  }
0x18a: {  	s0 =	rddreg [dreg:$0x0];
	s2 =	stileid.u32  }
0x18b: {  	s1 =	rddreg [dreg:$0x1];
	p0 =	sne.s32 s2, $0x0  }
0x18c: {  	s3 =	rddreg [dreg:$0x2];
	[bflag:$0x3] =	sbarrier.arrive $0xFFFF;
	s2 =	simm.s32 @!p0 $0x1C02  }
0x18d: {  	[timem:s3], [sflag:s2] =	dma.local @!p0 [hbm:s0], s1  }
0x18e: {  	s0 =	simm.s32 @!p0 $0x2  }
0x18f: {  	_ =	swait.ge @!p0 [sflag:s0], s1  }
0x190: {  	s1 =	ssub.s32 @!p0 $0x0, s1;
	[sflag:s0] =	ssyncset.done @!p0 $0x0  }
0x191: {  	[sflag:s0] =	ssyncadd.s32 @!p0 s1  }
0x192: {  	[bflag:$0x3] =	sbarrier.arrive $0xFFFF  }
0x193: {  	_ =	shalt  }

</sc_bundles>
